<compile_context>
chip_gen: v7x
topology: tpu7x:2x2x1
jax: 0.10.2.dev20260603
libtpu: 0.0.44.dev20260713+nightly
codegen_flags: <defaults>
</compile_context>

<pallas_src>
import functools

import jax
import jax.numpy as jnp
from jax import lax
from jax.experimental import pallas as pl
from jax.experimental.pallas import tpu as pltpu
from jax.experimental.pallas import tpu_sc as plsc

_NBUF = 4


def _make_gather(B: int, L: int, N: int, D: int):
    info = plsc.get_sparse_core_info()
    NC, NS = info.num_cores, info.num_subcores
    NW = NC * NS
    DH = D // 8
    BH = B // 128
    blocks = L * BH
    assert blocks % (NW * _NBUF) == 0
    bp = blocks // NW
    n_groups = bp // _NBUF

    mesh = plsc.VectorSubcoreMesh(core_axis_name="c", subcore_axis_name="s")

    @functools.partial(
        pl.kernel,
        mesh=mesh,
        out_type=jax.ShapeDtypeStruct((L, DH, BH, 8, 128), jnp.float32),
        scratch_types=[
            pltpu.VMEM((_NBUF, 128), jnp.int32),
            pltpu.VMEM((_NBUF, 128, D), jnp.float32),
            pltpu.VMEM((DH, 8, 129), jnp.float32),
            pltpu.VMEM((DH, 8, 129), jnp.float32),
            pltpu.VMEM((DH, 8, 129), jnp.float32),
            pltpu.VMEM((DH, 8, 129), jnp.float32),
            pltpu.SemaphoreType.DMA((_NBUF,)),
            pltpu.SemaphoreType.DMA((_NBUF,)),
            pltpu.SemaphoreType.DMA((_NBUF,)),
        ],
        compiler_params=pltpu.CompilerParams(
            use_tc_tiling_on_sc=False, needs_layout_passes=False
        ),
    )
    def gather_kernel(table_hbm, xt_hbm, out_hbm, idx_v, rows_v, tile_v0,
                      tile_v1, tile_v2, tile_v3, sem_i, sem_g, sem_s):
        tiles = [tile_v0, tile_v1, tile_v2, tile_v3]
        wid = lax.axis_index("s") * NC + lax.axis_index("c")
        base = wid * bp

        iota = lax.iota(jnp.int32, 16)
        dh_c = [(16 * k + iota) // 8 for k in range(D // 16)]
        dl_c = [(16 * k + iota) % 8 for k in range(D // 16)]

        def start_idx(i, b):
            blk = base + i
            l = blk // BH
            bh = blk % BH
            pltpu.async_copy(
                xt_hbm.at[l, pl.ds(bh * 128, 128)], idx_v.at[b], sem_i.at[b]
            )

        def start_gather(b):
            pltpu.async_copy(table_hbm.at[idx_v.at[b]], rows_v.at[b], sem_g.at[b])

        def wait_idx(b):
            pltpu.make_async_copy(
                xt_hbm.at[0, pl.ds(0, 128)], idx_v.at[b], sem_i.at[b]
            ).wait()

        def wait_gather(b):
            pltpu.make_async_copy(
                table_hbm.at[idx_v.at[b]], rows_v.at[b], sem_g.at[b]
            ).wait()

        def wait_store(b):
            pltpu.make_async_copy(
                tiles[b].at[:, :, pl.ds(0, 128)], out_hbm.at[0, :, 0], sem_s.at[b]
            ).wait()

        def transpose(b):
            @plsc.parallel_loop(0, 128, unroll=8)
            def _row(r):
                rv = jnp.full((16,), r, dtype=jnp.int32)
                for k in range(D // 16):
                    v = rows_v[b, r, pl.ds(16 * k, 16)]
                    plsc.store_scatter(tiles[b], [dh_c[k], dl_c[k], rv], v)

        def store(i, b):
            blk = base + i
            l = blk // BH
            bh = blk % BH
            pltpu.async_copy(
                tiles[b].at[:, :, pl.ds(0, 128)], out_hbm.at[l, :, bh], sem_s.at[b]
            )

        for b in range(_NBUF):
            start_idx(b, b)
        for b in range(_NBUF):
            wait_idx(b)
            start_gather(b)

        def group(g, _):
            for b in range(_NBUF):
                i = g * _NBUF + b
                wait_gather(b)

                @pl.when(g < n_groups - 1)
                def _prefetch_idx():
                    start_idx(i + _NBUF, b)

                @pl.when(g > 0)
                def _drain_store():
                    wait_store(b)

                transpose(b)
                store(i, b)

                @pl.when(g < n_groups - 1)
                def _next_gather():
                    wait_idx(b)
                    start_gather(b)

            return 0

        lax.fori_loop(0, n_groups, group, 0)
        for b in range(_NBUF):
            wait_store(b)

    return gather_kernel


def kernel(x, table):
    B, L = x.shape
    N, D = table.shape
    xt = x.T
    out5 = _make_gather(B, L, N, D)(table, xt)
    perm = jnp.transpose(out5, (2, 4, 0, 1, 3))
    return perm.reshape(B, L, D)

# --- scband reference (transcript-rebuilt; emitter-appended) ---
"""Pipeline reference for scband-sinusoidal-pos-emb-9938554323457 (READ-ONLY COPY).

The authoritative reference and input builder live on the scoring server;
editing this copy changes nothing except your own understanding.
"""

import jax, jax.numpy as jnp
import numpy as np

N = 100000
D = 64
THETA = 10000
B = 4096
L = 200


def _build_table():
    # Faithful to torch init: wei[j] = 1/theta**(2j/D); even cols sin, odd cols cos,
    # both using the even-indexed frequencies wei[0::2].
    j = np.arange(D, dtype=np.float64)
    wei = 1.0 / (THETA ** (2.0 * j / D))
    t = np.arange(N, dtype=np.float64).reshape(N, 1)
    emb = np.zeros((N, D), dtype=np.float32)
    freqs = wei[0::2].reshape(1, -1)
    emb[:, 0::2] = np.sin(t * freqs).astype(np.float32)
    emb[:, 1::2] = np.cos(t * freqs).astype(np.float32)
    return jnp.asarray(emb)


def setup_inputs(seed: int = 0) -> dict:
    key = jax.random.key(seed)
    x = jax.random.randint(key, (B, L), 0, N, dtype=jnp.int32)
    table = _build_table()
    return {"x": x, "table": table}


def reference(x, table):
    # nn.Embedding lookup -> row gather from the (learnable) table
    out = jnp.take(table, x, axis=0)
    return out

if __name__ == "__main__":
    import jax
    _d = setup_inputs()
    print(jax.jit(kernel)(*tuple(_d.values())))

</pallas_src>

<mosaic_0001>
#map = affine_map<(d0, d1) -> (0, 0)>
#map1 = affine_map<(d0, d1) -> (0, 0, 0, 0, 0)>
module attributes {stable_mosaic.version = 14 : i64} {
  func.func @gather_kernel(%arg0: i32, %arg1: i32, %arg2: memref<100000x64xf32, #tpu.memory_space<hbm>>, %arg3: memref<200x4096xi32, #tpu.memory_space<hbm>>, %arg4: memref<200x8x32x8x128xf32, #tpu.memory_space<hbm>>, %arg5: memref<4x128xi32, #tpu.memory_space<vmem>>, %arg6: memref<4x128x64xf32, #tpu.memory_space<vmem>>, %arg7: memref<8x8x129xf32, #tpu.memory_space<vmem>>, %arg8: memref<8x8x129xf32, #tpu.memory_space<vmem>>, %arg9: memref<8x8x129xf32, #tpu.memory_space<vmem>>, %arg10: memref<8x8x129xf32, #tpu.memory_space<vmem>>, %arg11: memref<4x!tpu.dma_semaphore, #tpu.memory_space<semaphore_mem>>, %arg12: memref<4x!tpu.dma_semaphore, #tpu.memory_space<semaphore_mem>>, %arg13: memref<4x!tpu.dma_semaphore, #tpu.memory_space<semaphore_mem>>) attributes {dimension_semantics = [#tpu.dimension_semantics<core_parallel>, #tpu.dimension_semantics<subcore_parallel>], iteration_bounds = array<i64: 2, 16>, scalar_prefetch = 0 : i64, scratch_operands = 9 : i64, tpu.core_type = #tpu.core_type<sc_vector_subcore>, window_params = [{transform_indices = #map}, {transform_indices = #map}, {transform_indices = #map1}]} {
    %mul3A = arith.constant 2 : i32
    %mul3A_0 = arith.muli %arg1, %mul3A : i32
    %add3A = arith.addi %mul3A_0, %arg0 : i32
    %mul3A_1 = arith.constant 200 : i32
    %mul3A_2 = arith.muli %add3A, %mul3A_1 : i32
    %iota3A = tpu.iota {dimensions = array<i32: 0>} : vector<16xi32>
    %add3A_3 = arith.constant 0 : i32
    %add3A_4 = vector.broadcast %add3A_3 : i32 to vector<16xi32>
    %add3A_5 = arith.addi %add3A_4, %iota3A : vector<16xi32>
    %jit3A = arith.constant 8 : i32
    %div3A = vector.broadcast %jit3A : i32 to vector<16xi32>
    %div3A_6 = arith.divsi %add3A_5, %div3A : vector<16xi32>
    %sign3A = arith.constant 0 : i32
    %sign3A_7 = vector.broadcast %sign3A : i32 to vector<16xi32>
    %sign3A_8 = arith.cmpi sgt, %add3A_5, %sign3A_7 : vector<16xi32>
    %sign3A_9 = arith.extui %sign3A_8 : vector<16xi1> to vector<16xi32>
    %sign3A_10 = arith.constant 0 : i32
    %sign3A_11 = vector.broadcast %sign3A_10 : i32 to vector<16xi32>
    %sign3A_12 = arith.cmpi slt, %add3A_5, %sign3A_11 : vector<16xi32>
    %sign3A_13 = arith.extui %sign3A_12 : vector<16xi1> to vector<16xi32>
    %sign3A_14 = arith.subi %sign3A_9, %sign3A_13 : vector<16xi32>
    %sign3A_15 = arith.constant 0 : i32
    %sign3A_16 = arith.cmpi sgt, %jit3A, %sign3A_15 : i32
    %sign3A_17 = arith.extui %sign3A_16 : i1 to i32
    %sign3A_18 = arith.constant 0 : i32
    %sign3A_19 = arith.cmpi slt, %jit3A, %sign3A_18 : i32
    %sign3A_20 = arith.extui %sign3A_19 : i1 to i32
    %sign3A_21 = arith.subi %sign3A_17, %sign3A_20 : i32
    %ne3A = vector.broadcast %sign3A_21 : i32 to vector<16xi32>
    %ne3A_22 = arith.cmpi ne, %sign3A_14, %ne3A : vector<16xi32>
    %rem3A = vector.broadcast %jit3A : i32 to vector<16xi32>
    %rem3A_23 = arith.remsi %add3A_5, %rem3A : vector<16xi32>
    %ne3A_24 = arith.constant 0 : i32
    %ne3A_25 = vector.broadcast %ne3A_24 : i32 to vector<16xi32>
    %ne3A_26 = arith.cmpi ne, %rem3A_23, %ne3A_25 : vector<16xi32>
    %and3A = arith.andi %ne3A_22, %ne3A_26 : vector<16xi1>
    %sub3A = arith.constant 1 : i32
    %sub3A_27 = vector.broadcast %sub3A : i32 to vector<16xi32>
    %sub3A_28 = arith.subi %div3A_6, %sub3A_27 : vector<16xi32>
    %select_n3A = arith.select %and3A, %sub3A_28, %div3A_6 : vector<16xi1>, vector<16xi32>
    %add3A_29 = arith.constant 16 : i32
    %add3A_30 = vector.broadcast %add3A_29 : i32 to vector<16xi32>
    %add3A_31 = arith.addi %add3A_30, %iota3A : vector<16xi32>
    %jit3A_32 = arith.constant 8 : i32
    %div3A_33 = vector.broadcast %jit3A_32 : i32 to vector<16xi32>
    %div3A_34 = arith.divsi %add3A_31, %div3A_33 : vector<16xi32>
    %sign3A_35 = arith.constant 0 : i32
    %sign3A_36 = vector.broadcast %sign3A_35 : i32 to vector<16xi32>
    %sign3A_37 = arith.cmpi sgt, %add3A_31, %sign3A_36 : vector<16xi32>
    %sign3A_38 = arith.extui %sign3A_37 : vector<16xi1> to vector<16xi32>
    %sign3A_39 = arith.constant 0 : i32
    %sign3A_40 = vector.broadcast %sign3A_39 : i32 to vector<16xi32>
    %sign3A_41 = arith.cmpi slt, %add3A_31, %sign3A_40 : vector<16xi32>
    %sign3A_42 = arith.extui %sign3A_41 : vector<16xi1> to vector<16xi32>
    %sign3A_43 = arith.subi %sign3A_38, %sign3A_42 : vector<16xi32>
    %sign3A_44 = arith.constant 0 : i32
    %sign3A_45 = arith.cmpi sgt, %jit3A_32, %sign3A_44 : i32
    %sign3A_46 = arith.extui %sign3A_45 : i1 to i32
    %sign3A_47 = arith.constant 0 : i32
    %sign3A_48 = arith.cmpi slt, %jit3A_32, %sign3A_47 : i32
    %sign3A_49 = arith.extui %sign3A_48 : i1 to i32
    %sign3A_50 = arith.subi %sign3A_46, %sign3A_49 : i32
    %ne3A_51 = vector.broadcast %sign3A_50 : i32 to vector<16xi32>
    %ne3A_52 = arith.cmpi ne, %sign3A_43, %ne3A_51 : vector<16xi32>
    %rem3A_53 = vector.broadcast %jit3A_32 : i32 to vector<16xi32>
    %rem3A_54 = arith.remsi %add3A_31, %rem3A_53 : vector<16xi32>
    %ne3A_55 = arith.constant 0 : i32
    %ne3A_56 = vector.broadcast %ne3A_55 : i32 to vector<16xi32>
    %ne3A_57 = arith.cmpi ne, %rem3A_54, %ne3A_56 : vector<16xi32>
    %and3A_58 = arith.andi %ne3A_52, %ne3A_57 : vector<16xi1>
    %sub3A_59 = arith.constant 1 : i32
    %sub3A_60 = vector.broadcast %sub3A_59 : i32 to vector<16xi32>
    %sub3A_61 = arith.subi %div3A_34, %sub3A_60 : vector<16xi32>
    %select_n3A_62 = arith.select %and3A_58, %sub3A_61, %div3A_34 : vector<16xi1>, vector<16xi32>
    %add3A_63 = arith.constant 32 : i32
    %add3A_64 = vector.broadcast %add3A_63 : i32 to vector<16xi32>
    %add3A_65 = arith.addi %add3A_64, %iota3A : vector<16xi32>
    %jit3A_66 = arith.constant 8 : i32
    %div3A_67 = vector.broadcast %jit3A_66 : i32 to vector<16xi32>
    %div3A_68 = arith.divsi %add3A_65, %div3A_67 : vector<16xi32>
    %sign3A_69 = arith.constant 0 : i32
    %sign3A_70 = vector.broadcast %sign3A_69 : i32 to vector<16xi32>
    %sign3A_71 = arith.cmpi sgt, %add3A_65, %sign3A_70 : vector<16xi32>
    %sign3A_72 = arith.extui %sign3A_71 : vector<16xi1> to vector<16xi32>
    %sign3A_73 = arith.constant 0 : i32
    %sign3A_74 = vector.broadcast %sign3A_73 : i32 to vector<16xi32>
    %sign3A_75 = arith.cmpi slt, %add3A_65, %sign3A_74 : vector<16xi32>
    %sign3A_76 = arith.extui %sign3A_75 : vector<16xi1> to vector<16xi32>
    %sign3A_77 = arith.subi %sign3A_72, %sign3A_76 : vector<16xi32>
    %sign3A_78 = arith.constant 0 : i32
    %sign3A_79 = arith.cmpi sgt, %jit3A_66, %sign3A_78 : i32
    %sign3A_80 = arith.extui %sign3A_79 : i1 to i32
    %sign3A_81 = arith.constant 0 : i32
    %sign3A_82 = arith.cmpi slt, %jit3A_66, %sign3A_81 : i32
    %sign3A_83 = arith.extui %sign3A_82 : i1 to i32
    %sign3A_84 = arith.subi %sign3A_80, %sign3A_83 : i32
    %ne3A_85 = vector.broadcast %sign3A_84 : i32 to vector<16xi32>
    %ne3A_86 = arith.cmpi ne, %sign3A_77, %ne3A_85 : vector<16xi32>
    %rem3A_87 = vector.broadcast %jit3A_66 : i32 to vector<16xi32>
    %rem3A_88 = arith.remsi %add3A_65, %rem3A_87 : vector<16xi32>
    %ne3A_89 = arith.constant 0 : i32
    %ne3A_90 = vector.broadcast %ne3A_89 : i32 to vector<16xi32>
    %ne3A_91 = arith.cmpi ne, %rem3A_88, %ne3A_90 : vector<16xi32>
    %and3A_92 = arith.andi %ne3A_86, %ne3A_91 : vector<16xi1>
    %sub3A_93 = arith.constant 1 : i32
    %sub3A_94 = vector.broadcast %sub3A_93 : i32 to vector<16xi32>
    %sub3A_95 = arith.subi %div3A_68, %sub3A_94 : vector<16xi32>
    %select_n3A_96 = arith.select %and3A_92, %sub3A_95, %div3A_68 : vector<16xi1>, vector<16xi32>
    %add3A_97 = arith.constant 48 : i32
    %add3A_98 = vector.broadcast %add3A_97 : i32 to vector<16xi32>
    %add3A_99 = arith.addi %add3A_98, %iota3A : vector<16xi32>
    %jit3A_100 = arith.constant 8 : i32
    %div3A_101 = vector.broadcast %jit3A_100 : i32 to vector<16xi32>
    %div3A_102 = arith.divsi %add3A_99, %div3A_101 : vector<16xi32>
    %sign3A_103 = arith.constant 0 : i32
    %sign3A_104 = vector.broadcast %sign3A_103 : i32 to vector<16xi32>
    %sign3A_105 = arith.cmpi sgt, %add3A_99, %sign3A_104 : vector<16xi32>
    %sign3A_106 = arith.extui %sign3A_105 : vector<16xi1> to vector<16xi32>
    %sign3A_107 = arith.constant 0 : i32
    %sign3A_108 = vector.broadcast %sign3A_107 : i32 to vector<16xi32>
    %sign3A_109 = arith.cmpi slt, %add3A_99, %sign3A_108 : vector<16xi32>
    %sign3A_110 = arith.extui %sign3A_109 : vector<16xi1> to vector<16xi32>
    %sign3A_111 = arith.subi %sign3A_106, %sign3A_110 : vector<16xi32>
    %sign3A_112 = arith.constant 0 : i32
    %sign3A_113 = arith.cmpi sgt, %jit3A_100, %sign3A_112 : i32
    %sign3A_114 = arith.extui %sign3A_113 : i1 to i32
    %sign3A_115 = arith.constant 0 : i32
    %sign3A_116 = arith.cmpi slt, %jit3A_100, %sign3A_115 : i32
    %sign3A_117 = arith.extui %sign3A_116 : i1 to i32
    %sign3A_118 = arith.subi %sign3A_114, %sign3A_117 : i32
    %ne3A_119 = vector.broadcast %sign3A_118 : i32 to vector<16xi32>
    %ne3A_120 = arith.cmpi ne, %sign3A_111, %ne3A_119 : vector<16xi32>
    %rem3A_121 = vector.broadcast %jit3A_100 : i32 to vector<16xi32>
    %rem3A_122 = arith.remsi %add3A_99, %rem3A_121 : vector<16xi32>
    %ne3A_123 = arith.constant 0 : i32
    %ne3A_124 = vector.broadcast %ne3A_123 : i32 to vector<16xi32>
    %ne3A_125 = arith.cmpi ne, %rem3A_122, %ne3A_124 : vector<16xi32>
    %and3A_126 = arith.andi %ne3A_120, %ne3A_125 : vector<16xi1>
    %sub3A_127 = arith.constant 1 : i32
    %sub3A_128 = vector.broadcast %sub3A_127 : i32 to vector<16xi32>
    %sub3A_129 = arith.subi %div3A_102, %sub3A_128 : vector<16xi32>
    %select_n3A_130 = arith.select %and3A_126, %sub3A_129, %div3A_102 : vector<16xi1>, vector<16xi32>
    %add3A_131 = arith.constant 0 : i32
    %add3A_132 = vector.broadcast %add3A_131 : i32 to vector<16xi32>
    %add3A_133 = arith.addi %add3A_132, %iota3A : vector<16xi32>
    %jit3A_134 = arith.constant 8 : i32
    %eq3A = arith.constant 0 : i32
    %eq3A_135 = arith.cmpi eq, %jit3A_134, %eq3A : i32
    %jit3A_136 = arith.constant 1 : i32
    %select_n3A_137 = arith.select %eq3A_135, %jit3A_136, %jit3A_134 : i32
    %rem3A_138 = vector.broadcast %select_n3A_137 : i32 to vector<16xi32>
    %rem3A_139 = arith.remsi %add3A_133, %rem3A_138 : vector<16xi32>
    %ne3A_140 = arith.constant 0 : i32
    %ne3A_141 = vector.broadcast %ne3A_140 : i32 to vector<16xi32>
    %ne3A_142 = arith.cmpi ne, %rem3A_139, %ne3A_141 : vector<16xi32>
    %lt3A = arith.constant 0 : i32
    %lt3A_143 = vector.broadcast %lt3A : i32 to vector<16xi32>
    %lt3A_144 = arith.cmpi slt, %rem3A_139, %lt3A_143 : vector<16xi32>
    %lt3A_145 = arith.constant 0 : i32
    %lt3A_146 = arith.cmpi slt, %select_n3A_137, %lt3A_145 : i32
    %ne3A_147 = vector.broadcast %lt3A_146 : i1 to vector<16xi1>
    %ne3A_148 = vector.broadcast %ne3A_147 : vector<16xi1> to vector<16xi1>
    %ne3A_149 = arith.xori %lt3A_144, %ne3A_148 : vector<16xi1>
    %and3A_150 = arith.andi %ne3A_149, %ne3A_142 : vector<16xi1>
    %add3A_151 = vector.broadcast %select_n3A_137 : i32 to vector<16xi32>
    %add3A_152 = arith.addi %rem3A_139, %add3A_151 : vector<16xi32>
    %select_n3A_153 = arith.select %and3A_150, %add3A_152, %rem3A_139 : vector<16xi1>, vector<16xi32>
    %add3A_154 = arith.constant 16 : i32
    %add3A_155 = vector.broadcast %add3A_154 : i32 to vector<16xi32>
    %add3A_156 = arith.addi %add3A_155, %iota3A : vector<16xi32>
    %jit3A_157 = arith.constant 8 : i32
    %eq3A_158 = arith.constant 0 : i32
    %eq3A_159 = arith.cmpi eq, %jit3A_157, %eq3A_158 : i32
    %jit3A_160 = arith.constant 1 : i32
    %select_n3A_161 = arith.select %eq3A_159, %jit3A_160, %jit3A_157 : i32
    %rem3A_162 = vector.broadcast %select_n3A_161 : i32 to vector<16xi32>
    %rem3A_163 = arith.remsi %add3A_156, %rem3A_162 : vector<16xi32>
    %ne3A_164 = arith.constant 0 : i32
    %ne3A_165 = vector.broadcast %ne3A_164 : i32 to vector<16xi32>
    %ne3A_166 = arith.cmpi ne, %rem3A_163, %ne3A_165 : vector<16xi32>
    %lt3A_167 = arith.constant 0 : i32
    %lt3A_168 = vector.broadcast %lt3A_167 : i32 to vector<16xi32>
    %lt3A_169 = arith.cmpi slt, %rem3A_163, %lt3A_168 : vector<16xi32>
    %lt3A_170 = arith.constant 0 : i32
    %lt3A_171 = arith.cmpi slt, %select_n3A_161, %lt3A_170 : i32
    %ne3A_172 = vector.broadcast %lt3A_171 : i1 to vector<16xi1>
    %ne3A_173 = vector.broadcast %ne3A_172 : vector<16xi1> to vector<16xi1>
    %ne3A_174 = arith.xori %lt3A_169, %ne3A_173 : vector<16xi1>
    %and3A_175 = arith.andi %ne3A_174, %ne3A_166 : vector<16xi1>
    %add3A_176 = vector.broadcast %select_n3A_161 : i32 to vector<16xi32>
    %add3A_177 = arith.addi %rem3A_163, %add3A_176 : vector<16xi32>
    %select_n3A_178 = arith.select %and3A_175, %add3A_177, %rem3A_163 : vector<16xi1>, vector<16xi32>
    %add3A_179 = arith.constant 32 : i32
    %add3A_180 = vector.broadcast %add3A_179 : i32 to vector<16xi32>
    %add3A_181 = arith.addi %add3A_180, %iota3A : vector<16xi32>
    %jit3A_182 = arith.constant 8 : i32
    %eq3A_183 = arith.constant 0 : i32
    %eq3A_184 = arith.cmpi eq, %jit3A_182, %eq3A_183 : i32
    %jit3A_185 = arith.constant 1 : i32
    %select_n3A_186 = arith.select %eq3A_184, %jit3A_185, %jit3A_182 : i32
    %rem3A_187 = vector.broadcast %select_n3A_186 : i32 to vector<16xi32>
    %rem3A_188 = arith.remsi %add3A_181, %rem3A_187 : vector<16xi32>
    %ne3A_189 = arith.constant 0 : i32
    %ne3A_190 = vector.broadcast %ne3A_189 : i32 to vector<16xi32>
    %ne3A_191 = arith.cmpi ne, %rem3A_188, %ne3A_190 : vector<16xi32>
    %lt3A_192 = arith.constant 0 : i32
    %lt3A_193 = vector.broadcast %lt3A_192 : i32 to vector<16xi32>
    %lt3A_194 = arith.cmpi slt, %rem3A_188, %lt3A_193 : vector<16xi32>
    %lt3A_195 = arith.constant 0 : i32
    %lt3A_196 = arith.cmpi slt, %select_n3A_186, %lt3A_195 : i32
    %ne3A_197 = vector.broadcast %lt3A_196 : i1 to vector<16xi1>
    %ne3A_198 = vector.broadcast %ne3A_197 : vector<16xi1> to vector<16xi1>
    %ne3A_199 = arith.xori %lt3A_194, %ne3A_198 : vector<16xi1>
    %and3A_200 = arith.andi %ne3A_199, %ne3A_191 : vector<16xi1>
    %add3A_201 = vector.broadcast %select_n3A_186 : i32 to vector<16xi32>
    %add3A_202 = arith.addi %rem3A_188, %add3A_201 : vector<16xi32>
    %select_n3A_203 = arith.select %and3A_200, %add3A_202, %rem3A_188 : vector<16xi1>, vector<16xi32>
    %add3A_204 = arith.constant 48 : i32
    %add3A_205 = vector.broadcast %add3A_204 : i32 to vector<16xi32>
    %add3A_206 = arith.addi %add3A_205, %iota3A : vector<16xi32>
    %jit3A_207 = arith.constant 8 : i32
    %eq3A_208 = arith.constant 0 : i32
    %eq3A_209 = arith.cmpi eq, %jit3A_207, %eq3A_208 : i32
    %jit3A_210 = arith.constant 1 : i32
    %select_n3A_211 = arith.select %eq3A_209, %jit3A_210, %jit3A_207 : i32
    %rem3A_212 = vector.broadcast %select_n3A_211 : i32 to vector<16xi32>
    %rem3A_213 = arith.remsi %add3A_206, %rem3A_212 : vector<16xi32>
    %ne3A_214 = arith.constant 0 : i32
    %ne3A_215 = vector.broadcast %ne3A_214 : i32 to vector<16xi32>
    %ne3A_216 = arith.cmpi ne, %rem3A_213, %ne3A_215 : vector<16xi32>
    %lt3A_217 = arith.constant 0 : i32
    %lt3A_218 = vector.broadcast %lt3A_217 : i32 to vector<16xi32>
    %lt3A_219 = arith.cmpi slt, %rem3A_213, %lt3A_218 : vector<16xi32>
    %lt3A_220 = arith.constant 0 : i32
    %lt3A_221 = arith.cmpi slt, %select_n3A_211, %lt3A_220 : i32
    %ne3A_222 = vector.broadcast %lt3A_221 : i1 to vector<16xi1>
    %ne3A_223 = vector.broadcast %ne3A_222 : vector<16xi1> to vector<16xi1>
    %ne3A_224 = arith.xori %lt3A_219, %ne3A_223 : vector<16xi1>
    %and3A_225 = arith.andi %ne3A_224, %ne3A_216 : vector<16xi1>
    %add3A_226 = vector.broadcast %select_n3A_211 : i32 to vector<16xi32>
    %add3A_227 = arith.addi %rem3A_213, %add3A_226 : vector<16xi32>
    %select_n3A_228 = arith.select %and3A_225, %add3A_227, %rem3A_213 : vector<16xi1>, vector<16xi32>
    %add3A_229 = arith.constant 0 : i32
    %add3A_230 = arith.addi %mul3A_2, %add3A_229 : i32
    %jit3A_231 = arith.constant 32 : i32
    %div3A_232 = arith.divsi %add3A_230, %jit3A_231 : i32
    %sign3A_233 = arith.constant 0 : i32
    %sign3A_234 = arith.cmpi sgt, %add3A_230, %sign3A_233 : i32
    %sign3A_235 = arith.extui %sign3A_234 : i1 to i32
    %sign3A_236 = arith.constant 0 : i32
    %sign3A_237 = arith.cmpi slt, %add3A_230, %sign3A_236 : i32
    %sign3A_238 = arith.extui %sign3A_237 : i1 to i32
    %sign3A_239 = arith.subi %sign3A_235, %sign3A_238 : i32
    %sign3A_240 = arith.constant 0 : i32
    %sign3A_241 = arith.cmpi sgt, %jit3A_231, %sign3A_240 : i32
    %sign3A_242 = arith.extui %sign3A_241 : i1 to i32
    %sign3A_243 = arith.constant 0 : i32
    %sign3A_244 = arith.cmpi slt, %jit3A_231, %sign3A_243 : i32
    %sign3A_245 = arith.extui %sign3A_244 : i1 to i32
    %sign3A_246 = arith.subi %sign3A_242, %sign3A_245 : i32
    %ne3A_247 = arith.cmpi ne, %sign3A_239, %sign3A_246 : i32
    %rem3A_248 = arith.remsi %add3A_230, %jit3A_231 : i32
    %ne3A_249 = arith.constant 0 : i32
    %ne3A_250 = arith.cmpi ne, %rem3A_248, %ne3A_249 : i32
    %and3A_251 = arith.andi %ne3A_247, %ne3A_250 : i1
    %sub3A_252 = arith.constant 1 : i32
    %sub3A_253 = arith.subi %div3A_232, %sub3A_252 : i32
    %select_n3A_254 = arith.select %and3A_251, %sub3A_253, %div3A_232 : i32
    %jit3A_255 = arith.constant 32 : i32
    %eq3A_256 = arith.constant 0 : i32
    %eq3A_257 = arith.cmpi eq, %jit3A_255, %eq3A_256 : i32
    %jit3A_258 = arith.constant 1 : i32
    %select_n3A_259 = arith.select %eq3A_257, %jit3A_258, %jit3A_255 : i32
    %rem3A_260 = arith.remsi %add3A_230, %select_n3A_259 : i32
    %ne3A_261 = arith.constant 0 : i32
    %ne3A_262 = arith.cmpi ne, %rem3A_260, %ne3A_261 : i32
    %lt3A_263 = arith.constant 0 : i32
    %lt3A_264 = arith.cmpi slt, %rem3A_260, %lt3A_263 : i32
    %lt3A_265 = arith.constant 0 : i32
    %lt3A_266 = arith.cmpi slt, %select_n3A_259, %lt3A_265 : i32
    %ne3A_267 = arith.xori %lt3A_264, %lt3A_266 : i1
    %and3A_268 = arith.andi %ne3A_267, %ne3A_262 : i1
    %add3A_269 = arith.addi %rem3A_260, %select_n3A_259 : i32
    %select_n3A_270 = arith.select %and3A_268, %add3A_269, %rem3A_260 : i32
    %mul3A_271 = arith.constant 128 : i32
    %mul3A_272 = arith.muli %select_n3A_270, %mul3A_271 : i32
    %dma_start3A = arith.constant 0 : i32
    %dma_start3A_273 = arith.constant 0 : i32
    %dma_start3A_274 = arith.constant 0 : i32
    %dma_start3A_275 = tpu.memref_slice %arg5[%dma_start3A, %dma_start3A_274] : memref<4x128xi32, #tpu.memory_space<vmem>> -> memref<1x128xi32, #tpu.memory_space<vmem>>
    %dma_start3A_276 = tpu.memref_squeeze %dma_start3A_275 : memref<1x128xi32, #tpu.memory_space<vmem>> -> memref<128xi32, #tpu.memory_space<vmem>>
    %dma_start3A_277 = tpu.memref_slice %arg3[%select_n3A_254, %mul3A_272] : memref<200x4096xi32, #tpu.memory_space<hbm>> -> memref<1x128xi32, #tpu.memory_space<hbm>>
    %dma_start3A_278 = tpu.memref_squeeze %dma_start3A_277 : memref<1x128xi32, #tpu.memory_space<hbm>> -> memref<128xi32, #tpu.memory_space<hbm>>
    %dma_start3A_279 = tpu.memref_slice %arg11[%dma_start3A_273] : memref<4x!tpu.dma_semaphore, #tpu.memory_space<semaphore_mem>> -> memref<1x!tpu.dma_semaphore, #tpu.memory_space<semaphore_mem>>
    %dma_start3A_280 = tpu.memref_squeeze %dma_start3A_279 : memref<1x!tpu.dma_semaphore, #tpu.memory_space<semaphore_mem>> -> memref<!tpu.dma_semaphore, #tpu.memory_space<semaphore_mem>>
    %dma_start3A_281 = arith.constant 0 : i32
    %dma_start3A_282 = tpu.memref_slice %arg5[%dma_start3A, %dma_start3A_281] : memref<4x128xi32, #tpu.memory_space<vmem>> -> memref<1x128xi32, #tpu.memory_space<vmem>>
    %dma_start3A_283 = tpu.memref_squeeze %dma_start3A_282 : memref<1x128xi32, #tpu.memory_space<vmem>> -> memref<128xi32, #tpu.memory_space<vmem>>
    %dma_start3A_284 = tpu.memref_slice %arg3[%select_n3A_254, %mul3A_272] : memref<200x4096xi32, #tpu.memory_space<hbm>> -> memref<1x128xi32, #tpu.memory_space<hbm>>
    %dma_start3A_285 = tpu.memref_squeeze %dma_start3A_284 : memref<1x128xi32, #tpu.memory_space<hbm>> -> memref<128xi32, #tpu.memory_space<hbm>>
    tpu.enqueue_dma source(%dma_start3A_285 : memref<128xi32, #tpu.memory_space<hbm>>) target(%dma_start3A_283 : memref<128xi32, #tpu.memory_space<vmem>>) target_semaphore(%dma_start3A_280 : memref<!tpu.dma_semaphore, #tpu.memory_space<semaphore_mem>>)
    %add3A_286 = arith.constant 1 : i32
    %add3A_287 = arith.addi %mul3A_2, %add3A_286 : i32
    %jit3A_288 = arith.constant 32 : i32
    %div3A_289 = arith.divsi %add3A_287, %jit3A_288 : i32
    %sign3A_290 = arith.constant 0 : i32
    %sign3A_291 = arith.cmpi sgt, %add3A_287, %sign3A_290 : i32
    %sign3A_292 = arith.extui %sign3A_291 : i1 to i32
    %sign3A_293 = arith.constant 0 : i32
    %sign3A_294 = arith.cmpi slt, %add3A_287, %sign3A_293 : i32
    %sign3A_295 = arith.extui %sign3A_294 : i1 to i32
    %sign3A_296 = arith.subi %sign3A_292, %sign3A_295 : i32
    %sign3A_297 = arith.constant 0 : i32
    %sign3A_298 = arith.cmpi sgt, %jit3A_288, %sign3A_297 : i32
    %sign3A_299 = arith.extui %sign3A_298 : i1 to i32
    %sign3A_300 = arith.constant 0 : i32
    %sign3A_301 = arith.cmpi slt, %jit3A_288, %sign3A_300 : i32
    %sign3A_302 = arith.extui %sign3A_301 : i1 to i32
    %sign3A_303 = arith.subi %sign3A_299, %sign3A_302 : i32
    %ne3A_304 = arith.cmpi ne, %sign3A_296, %sign3A_303 : i32
    %rem3A_305 = arith.remsi %add3A_287, %jit3A_288 : i32
    %ne3A_306 = arith.constant 0 : i32
    %ne3A_307 = arith.cmpi ne, %rem3A_305, %ne3A_306 : i32
    %and3A_308 = arith.andi %ne3A_304, %ne3A_307 : i1
    %sub3A_309 = arith.constant 1 : i32
    %sub3A_310 = arith.subi %div3A_289, %sub3A_309 : i32
    %select_n3A_311 = arith.select %and3A_308, %sub3A_310, %div3A_289 : i32
    %jit3A_312 = arith.constant 32 : i32
    %eq3A_313 = arith.constant 0 : i32
    %eq3A_314 = arith.cmpi eq, %jit3A_312, %eq3A_313 : i32
    %jit3A_315 = arith.constant 1 : i32
    %select_n3A_316 = arith.select %eq3A_314, %jit3A_315, %jit3A_312 : i32
    %rem3A_317 = arith.remsi %add3A_287, %select_n3A_316 : i32
    %ne3A_318 = arith.constant 0 : i32
    %ne3A_319 = arith.cmpi ne, %rem3A_317, %ne3A_318 : i32
    %lt3A_320 = arith.constant 0 : i32
    %lt3A_321 = arith.cmpi slt, %rem3A_317, %lt3A_320 : i32
    %lt3A_322 = arith.constant 0 : i32
    %lt3A_323 = arith.cmpi slt, %select_n3A_316, %lt3A_322 : i32
    %ne3A_324 = arith.xori %lt3A_321, %lt3A_323 : i1
    %and3A_325 = arith.andi %ne3A_324, %ne3A_319 : i1
    %add3A_326 = arith.addi %rem3A_317, %select_n3A_316 : i32
    %select_n3A_327 = arith.select %and3A_325, %add3A_326, %rem3A_317 : i32
    %mul3A_328 = arith.constant 128 : i32
    %mul3A_329 = arith.muli %select_n3A_327, %mul3A_328 : i32
    %dma_start3A_330 = arith.constant 1 : i32
    %dma_start3A_331 = arith.constant 1 : i32
    %dma_start3A_332 = arith.constant 0 : i32
    %dma_start3A_333 = tpu.memref_slice %arg5[%dma_start3A_330, %dma_start3A_332] : memref<4x128xi32, #tpu.memory_space<vmem>> -> memref<1x128xi32, #tpu.memory_space<vmem>>
    %dma_start3A_334 = tpu.memref_squeeze %dma_start3A_333 : memref<1x128xi32, #tpu.memory_space<vmem>> -> memref<128xi32, #tpu.memory_space<vmem>>
    %dma_start3A_335 = tpu.memref_slice %arg3[%select_n3A_311, %mul3A_329] : memref<200x4096xi32, #tpu.memory_space<hbm>> -> memref<1x128xi32, #tpu.memory_space<hbm>>
    %dma_start3A_336 = tpu.memref_squeeze %dma_start3A_335 : memref<1x128xi32, #tpu.memory_space<hbm>> -> memref<128xi32, #tpu.memory_space<hbm>>
    %dma_start3A_337 = tpu.memref_slice %arg11[%dma_start3A_331] : memref<4x!tpu.dma_semaphore, #tpu.memory_space<semaphore_mem>> -> memref<1x!tpu.dma_semaphore, #tpu.memory_space<semaphore_mem>>
    %dma_start3A_338 = tpu.memref_squeeze %dma_start3A_337 : memref<1x!tpu.dma_semaphore, #tpu.memory_space<semaphore_mem>> -> memref<!tpu.dma_semaphore, #tpu.memory_space<semaphore_mem>>
    %dma_start3A_339 = arith.constant 0 : i32
    %dma_start3A_340 = tpu.memref_slice %arg5[%dma_start3A_330, %dma_start3A_339] : memref<4x128xi32, #tpu.memory_space<vmem>> -> memref<1x128xi32, #tpu.memory_space<vmem>>
    %dma_start3A_341 = tpu.memref_squeeze %dma_start3A_340 : memref<1x128xi32, #tpu.memory_space<vmem>> -> memref<128xi32, #tpu.memory_space<vmem>>
    %dma_start3A_342 = tpu.memref_slice %arg3[%select_n3A_311, %mul3A_329] : memref<200x4096xi32, #tpu.memory_space<hbm>> -> memref<1x128xi32, #tpu.memory_space<hbm>>
    %dma_start3A_343 = tpu.memref_squeeze %dma_start3A_342 : memref<1x128xi32, #tpu.memory_space<hbm>> -> memref<128xi32, #tpu.memory_space<hbm>>
    tpu.enqueue_dma source(%dma_start3A_343 : memref<128xi32, #tpu.memory_space<hbm>>) target(%dma_start3A_341 : memref<128xi32, #tpu.memory_space<vmem>>) target_semaphore(%dma_start3A_338 : memref<!tpu.dma_semaphore, #tpu.memory_space<semaphore_mem>>)
    %add3A_344 = arith.constant 2 : i32
    %add3A_345 = arith.addi %mul3A_2, %add3A_344 : i32
    %jit3A_346 = arith.constant 32 : i32
    %div3A_347 = arith.divsi %add3A_345, %jit3A_346 : i32
    %sign3A_348 = arith.constant 0 : i32
    %sign3A_349 = arith.cmpi sgt, %add3A_345, %sign3A_348 : i32
    %sign3A_350 = arith.extui %sign3A_349 : i1 to i32
    %sign3A_351 = arith.constant 0 : i32
    %sign3A_352 = arith.cmpi slt, %add3A_345, %sign3A_351 : i32
    %sign3A_353 = arith.extui %sign3A_352 : i1 to i32
    %sign3A_354 = arith.subi %sign3A_350, %sign3A_353 : i32
    %sign3A_355 = arith.constant 0 : i32
    %sign3A_356 = arith.cmpi sgt, %jit3A_346, %sign3A_355 : i32
    %sign3A_357 = arith.extui %sign3A_356 : i1 to i32
    %sign3A_358 = arith.constant 0 : i32
    %sign3A_359 = arith.cmpi slt, %jit3A_346, %sign3A_358 : i32
    %sign3A_360 = arith.extui %sign3A_359 : i1 to i32
    %sign3A_361 = arith.subi %sign3A_357, %sign3A_360 : i32
    %ne3A_362 = arith.cmpi ne, %sign3A_354, %sign3A_361 : i32
    %rem3A_363 = arith.remsi %add3A_345, %jit3A_346 : i32
    %ne3A_364 = arith.constant 0 : i32
    %ne3A_365 = arith.cmpi ne, %rem3A_363, %ne3A_364 : i32
    %and3A_366 = arith.andi %ne3A_362, %ne3A_365 : i1
    %sub3A_367 = arith.constant 1 : i32
    %sub3A_368 = arith.subi %div3A_347, %sub3A_367 : i32
    %select_n3A_369 = arith.select %and3A_366, %sub3A_368, %div3A_347 : i32
    %jit3A_370 = arith.constant 32 : i32
    %eq3A_371 = arith.constant 0 : i32
    %eq3A_372 = arith.cmpi eq, %jit3A_370, %eq3A_371 : i32
    %jit3A_373 = arith.constant 1 : i32
    %select_n3A_374 = arith.select %eq3A_372, %jit3A_373, %jit3A_370 : i32
    %rem3A_375 = arith.remsi %add3A_345, %select_n3A_374 : i32
    %ne3A_376 = arith.constant 0 : i32
    %ne3A_377 = arith.cmpi ne, %rem3A_375, %ne3A_376 : i32
    %lt3A_378 = arith.constant 0 : i32
    %lt3A_379 = arith.cmpi slt, %rem3A_375, %lt3A_378 : i32
    %lt3A_380 = arith.constant 0 : i32
    %lt3A_381 = arith.cmpi slt, %select_n3A_374, %lt3A_380 : i32
    %ne3A_382 = arith.xori %lt3A_379, %lt3A_381 : i1
    %and3A_383 = arith.andi %ne3A_382, %ne3A_377 : i1
    %add3A_384 = arith.addi %rem3A_375, %select_n3A_374 : i32
    %select_n3A_385 = arith.select %and3A_383, %add3A_384, %rem3A_375 : i32
    %mul3A_386 = arith.constant 128 : i32
    %mul3A_387 = arith.muli %select_n3A_385, %mul3A_386 : i32
    %dma_start3A_388 = arith.constant 2 : i32
    %dma_start3A_389 = arith.constant 2 : i32
    %dma_start3A_390 = arith.constant 0 : i32
    %dma_start3A_391 = tpu.memref_slice %arg5[%dma_start3A_388, %dma_start3A_390] : memref<4x128xi32, #tpu.memory_space<vmem>> -> memref<1x128xi32, #tpu.memory_space<vmem>>
    %dma_start3A_392 = tpu.memref_squeeze %dma_start3A_391 : memref<1x128xi32, #tpu.memory_space<vmem>> -> memref<128xi32, #tpu.memory_space<vmem>>
    %dma_start3A_393 = tpu.memref_slice %arg3[%select_n3A_369, %mul3A_387] : memref<200x4096xi32, #tpu.memory_space<hbm>> -> memref<1x128xi32, #tpu.memory_space<hbm>>
    %dma_start3A_394 = tpu.memref_squeeze %dma_start3A_393 : memref<1x128xi32, #tpu.memory_space<hbm>> -> memref<128xi32, #tpu.memory_space<hbm>>
    %dma_start3A_395 = tpu.memref_slice %arg11[%dma_start3A_389] : memref<4x!tpu.dma_semaphore, #tpu.memory_space<semaphore_mem>> -> memref<1x!tpu.dma_semaphore, #tpu.memory_space<semaphore_mem>>
    %dma_start3A_396 = tpu.memref_squeeze %dma_start3A_395 : memref<1x!tpu.dma_semaphore, #tpu.memory_space<semaphore_mem>> -> memref<!tpu.dma_semaphore, #tpu.memory_space<semaphore_mem>>
    %dma_start3A_397 = arith.constant 0 : i32
    %dma_start3A_398 = tpu.memref_slice %arg5[%dma_start3A_388, %dma_start3A_397] : memref<4x128xi32, #tpu.memory_space<vmem>> -> memref<1x128xi32, #tpu.memory_space<vmem>>
    %dma_start3A_399 = tpu.memref_squeeze %dma_start3A_398 : memref<1x128xi32, #tpu.memory_space<vmem>> -> memref<128xi32, #tpu.memory_space<vmem>>
    %dma_start3A_400 = tpu.memref_slice %arg3[%select_n3A_369, %mul3A_387] : memref<200x4096xi32, #tpu.memory_space<hbm>> -> memref<1x128xi32, #tpu.memory_space<hbm>>
    %dma_start3A_401 = tpu.memref_squeeze %dma_start3A_400 : memref<1x128xi32, #tpu.memory_space<hbm>> -> memref<128xi32, #tpu.memory_space<hbm>>
    tpu.enqueue_dma source(%dma_start3A_401 : memref<128xi32, #tpu.memory_space<hbm>>) target(%dma_start3A_399 : memref<128xi32, #tpu.memory_space<vmem>>) target_semaphore(%dma_start3A_396 : memref<!tpu.dma_semaphore, #tpu.memory_space<semaphore_mem>>)
    %add3A_402 = arith.constant 3 : i32
    %add3A_403 = arith.addi %mul3A_2, %add3A_402 : i32
    %jit3A_404 = arith.constant 32 : i32
    %div3A_405 = arith.divsi %add3A_403, %jit3A_404 : i32
    %sign3A_406 = arith.constant 0 : i32
    %sign3A_407 = arith.cmpi sgt, %add3A_403, %sign3A_406 : i32
    %sign3A_408 = arith.extui %sign3A_407 : i1 to i32
    %sign3A_409 = arith.constant 0 : i32
    %sign3A_410 = arith.cmpi slt, %add3A_403, %sign3A_409 : i32
    %sign3A_411 = arith.extui %sign3A_410 : i1 to i32
    %sign3A_412 = arith.subi %sign3A_408, %sign3A_411 : i32
    %sign3A_413 = arith.constant 0 : i32
    %sign3A_414 = arith.cmpi sgt, %jit3A_404, %sign3A_413 : i32
    %sign3A_415 = arith.extui %sign3A_414 : i1 to i32
    %sign3A_416 = arith.constant 0 : i32
    %sign3A_417 = arith.cmpi slt, %jit3A_404, %sign3A_416 : i32
    %sign3A_418 = arith.extui %sign3A_417 : i1 to i32
    %sign3A_419 = arith.subi %sign3A_415, %sign3A_418 : i32
    %ne3A_420 = arith.cmpi ne, %sign3A_412, %sign3A_419 : i32
    %rem3A_421 = arith.remsi %add3A_403, %jit3A_404 : i32
    %ne3A_422 = arith.constant 0 : i32
    %ne3A_423 = arith.cmpi ne, %rem3A_421, %ne3A_422 : i32
    %and3A_424 = arith.andi %ne3A_420, %ne3A_423 : i1
    %sub3A_425 = arith.constant 1 : i32
    %sub3A_426 = arith.subi %div3A_405, %sub3A_425 : i32
    %select_n3A_427 = arith.select %and3A_424, %sub3A_426, %div3A_405 : i32
    %jit3A_428 = arith.constant 32 : i32
    %eq3A_429 = arith.constant 0 : i32
    %eq3A_430 = arith.cmpi eq, %jit3A_428, %eq3A_429 : i32
    %jit3A_431 = arith.constant 1 : i32
    %select_n3A_432 = arith.select %eq3A_430, %jit3A_431, %jit3A_428 : i32
    %rem3A_433 = arith.remsi %add3A_403, %select_n3A_432 : i32
    %ne3A_434 = arith.constant 0 : i32
    %ne3A_435 = arith.cmpi ne, %rem3A_433, %ne3A_434 : i32
    %lt3A_436 = arith.constant 0 : i32
    %lt3A_437 = arith.cmpi slt, %rem3A_433, %lt3A_436 : i32
    %lt3A_438 = arith.constant 0 : i32
    %lt3A_439 = arith.cmpi slt, %select_n3A_432, %lt3A_438 : i32
    %ne3A_440 = arith.xori %lt3A_437, %lt3A_439 : i1
    %and3A_441 = arith.andi %ne3A_440, %ne3A_435 : i1
    %add3A_442 = arith.addi %rem3A_433, %select_n3A_432 : i32
    %select_n3A_443 = arith.select %and3A_441, %add3A_442, %rem3A_433 : i32
    %mul3A_444 = arith.constant 128 : i32
    %mul3A_445 = arith.muli %select_n3A_443, %mul3A_444 : i32
    %dma_start3A_446 = arith.constant 3 : i32
    %dma_start3A_447 = arith.constant 3 : i32
    %dma_start3A_448 = arith.constant 0 : i32
    %dma_start3A_449 = tpu.memref_slice %arg5[%dma_start3A_446, %dma_start3A_448] : memref<4x128xi32, #tpu.memory_space<vmem>> -> memref<1x128xi32, #tpu.memory_space<vmem>>
    %dma_start3A_450 = tpu.memref_squeeze %dma_start3A_449 : memref<1x128xi32, #tpu.memory_space<vmem>> -> memref<128xi32, #tpu.memory_space<vmem>>
    %dma_start3A_451 = tpu.memref_slice %arg3[%select_n3A_427, %mul3A_445] : memref<200x4096xi32, #tpu.memory_space<hbm>> -> memref<1x128xi32, #tpu.memory_space<hbm>>
    %dma_start3A_452 = tpu.memref_squeeze %dma_start3A_451 : memref<1x128xi32, #tpu.memory_space<hbm>> -> memref<128xi32, #tpu.memory_space<hbm>>
    %dma_start3A_453 = tpu.memref_slice %arg11[%dma_start3A_447] : memref<4x!tpu.dma_semaphore, #tpu.memory_space<semaphore_mem>> -> memref<1x!tpu.dma_semaphore, #tpu.memory_space<semaphore_mem>>
    %dma_start3A_454 = tpu.memref_squeeze %dma_start3A_453 : memref<1x!tpu.dma_semaphore, #tpu.memory_space<semaphore_mem>> -> memref<!tpu.dma_semaphore, #tpu.memory_space<semaphore_mem>>
    %dma_start3A_455 = arith.constant 0 : i32
    %dma_start3A_456 = tpu.memref_slice %arg5[%dma_start3A_446, %dma_start3A_455] : memref<4x128xi32, #tpu.memory_space<vmem>> -> memref<1x128xi32, #tpu.memory_space<vmem>>
    %dma_start3A_457 = tpu.memref_squeeze %dma_start3A_456 : memref<1x128xi32, #tpu.memory_space<vmem>> -> memref<128xi32, #tpu.memory_space<vmem>>
    %dma_start3A_458 = tpu.memref_slice %arg3[%select_n3A_427, %mul3A_445] : memref<200x4096xi32, #tpu.memory_space<hbm>> -> memref<1x128xi32, #tpu.memory_space<hbm>>
    %dma_start3A_459 = tpu.memref_squeeze %dma_start3A_458 : memref<1x128xi32, #tpu.memory_space<hbm>> -> memref<128xi32, #tpu.memory_space<hbm>>
    tpu.enqueue_dma source(%dma_start3A_459 : memref<128xi32, #tpu.memory_space<hbm>>) target(%dma_start3A_457 : memref<128xi32, #tpu.memory_space<vmem>>) target_semaphore(%dma_start3A_454 : memref<!tpu.dma_semaphore, #tpu.memory_space<semaphore_mem>>)
    %dma_wait3A = arith.constant 0 : i32
    %dma_wait3A_460 = arith.constant 0 : i32
    %dma_wait3A_461 = arith.constant 0 : i32
    %dma_wait3A_462 = arith.constant 0 : i32
    %dma_wait3A_463 = tpu.memref_slice %arg5[%dma_wait3A_460, %dma_wait3A_462] : memref<4x128xi32, #tpu.memory_space<vmem>> -> memref<1x128xi32, #tpu.memory_space<vmem>>
    %dma_wait3A_464 = tpu.memref_squeeze %dma_wait3A_463 : memref<1x128xi32, #tpu.memory_space<vmem>> -> memref<128xi32, #tpu.memory_space<vmem>>
    %dma_wait3A_465 = arith.constant 0 : i32
    %dma_wait3A_466 = tpu.memref_slice %arg3[%dma_wait3A, %dma_wait3A_465] : memref<200x4096xi32, #tpu.memory_space<hbm>> -> memref<1x128xi32, #tpu.memory_space<hbm>>
    %dma_wait3A_467 = tpu.memref_squeeze %dma_wait3A_466 : memref<1x128xi32, #tpu.memory_space<hbm>> -> memref<128xi32, #tpu.memory_space<hbm>>
    %dma_wait3A_468 = tpu.memref_slice %arg11[%dma_wait3A_461] : memref<4x!tpu.dma_semaphore, #tpu.memory_space<semaphore_mem>> -> memref<1x!tpu.dma_semaphore, #tpu.memory_space<semaphore_mem>>
    %dma_wait3A_469 = tpu.memref_squeeze %dma_wait3A_468 : memref<1x!tpu.dma_semaphore, #tpu.memory_space<semaphore_mem>> -> memref<!tpu.dma_semaphore, #tpu.memory_space<semaphore_mem>>
    %dma_wait3A_470 = arith.constant 0 : i32
    %dma_wait3A_471 = tpu.memref_slice %arg5[%dma_wait3A_460, %dma_wait3A_470] : memref<4x128xi32, #tpu.memory_space<vmem>> -> memref<1x128xi32, #tpu.memory_space<vmem>>
    %dma_wait3A_472 = tpu.memref_squeeze %dma_wait3A_471 : memref<1x128xi32, #tpu.memory_space<vmem>> -> memref<128xi32, #tpu.memory_space<vmem>>
    %dma_wait3A_473 = arith.constant 0 : i32
    %dma_wait3A_474 = tpu.memref_slice %arg3[%dma_wait3A, %dma_wait3A_473] : memref<200x4096xi32, #tpu.memory_space<hbm>> -> memref<1x128xi32, #tpu.memory_space<hbm>>
    %dma_wait3A_475 = tpu.memref_squeeze %dma_wait3A_474 : memref<1x128xi32, #tpu.memory_space<hbm>> -> memref<128xi32, #tpu.memory_space<hbm>>
    tpu.wait_dma2 semaphore(%dma_wait3A_469 : memref<!tpu.dma_semaphore, #tpu.memory_space<semaphore_mem>>) src(%dma_wait3A_475 : memref<128xi32, #tpu.memory_space<hbm>>) dst(%dma_wait3A_472 : memref<128xi32, #tpu.memory_space<vmem>>)
    %dma_start3A_476 = arith.constant 0 : i32
    %dma_start3A_477 = arith.constant 0 : i32
    %dma_start3A_478 = arith.constant 0 : i32
    %dma_start3A_479 = arith.constant 0 : i32
    %dma_start3A_480 = arith.constant 0 : i32
    %dma_start3A_481 = tpu.memref_slice %arg6[%dma_start3A_477, %dma_start3A_479, %dma_start3A_480] : memref<4x128x64xf32, #tpu.memory_space<vmem>> -> memref<1x128x64xf32, #tpu.memory_space<vmem>>
    %dma_start3A_482 = tpu.memref_squeeze %dma_start3A_481 : memref<1x128x64xf32, #tpu.memory_space<vmem>> -> memref<128x64xf32, #tpu.memory_space<vmem>>
    %dma_start3A_483 = arith.constant 0 : i32
    %dma_start3A_484 = tpu.memref_slice %arg5[%dma_start3A_476, %dma_start3A_483] : memref<4x128xi32, #tpu.memory_space<vmem>> -> memref<1x128xi32, #tpu.memory_space<vmem>>
    %dma_start3A_485 = tpu.memref_squeeze %dma_start3A_484 : memref<1x128xi32, #tpu.memory_space<vmem>> -> memref<128xi32, #tpu.memory_space<vmem>>
    %dma_start3A_486 = arith.constant 0 : i32
    %dma_start3A_487 = arith.constant 0 : i32
    %dma_start3A_488 = tpu.memref_slice %arg2[%dma_start3A_486, %dma_start3A_487] : memref<100000x64xf32, #tpu.memory_space<hbm>> -> memref<100000x64xf32, #tpu.memory_space<hbm>>
    %dma_start3A_489 = tpu.memref_slice %arg12[%dma_start3A_478] : memref<4x!tpu.dma_semaphore, #tpu.memory_space<semaphore_mem>> -> memref<1x!tpu.dma_semaphore, #tpu.memory_space<semaphore_mem>>
    %dma_start3A_490 = tpu.memref_squeeze %dma_start3A_489 : memref<1x!tpu.dma_semaphore, #tpu.memory_space<semaphore_mem>> -> memref<!tpu.dma_semaphore, #tpu.memory_space<semaphore_mem>>
    tpu.enqueue_indirect_dma source(%dma_start3A_488 : memref<100000x64xf32, #tpu.memory_space<hbm>>) target(%dma_start3A_482 : memref<128x64xf32, #tpu.memory_space<vmem>>) offsets(%dma_start3A_485 : memref<128xi32, #tpu.memory_space<vmem>>) semaphore(%dma_start3A_490 : memref<!tpu.dma_semaphore, #tpu.memory_space<semaphore_mem>>)
    %dma_wait3A_491 = arith.constant 0 : i32
    %dma_wait3A_492 = arith.constant 1 : i32
    %dma_wait3A_493 = arith.constant 1 : i32
    %dma_wait3A_494 = arith.constant 0 : i32
    %dma_wait3A_495 = tpu.memref_slice %arg5[%dma_wait3A_492, %dma_wait3A_494] : memref<4x128xi32, #tpu.memory_space<vmem>> -> memref<1x128xi32, #tpu.memory_space<vmem>>
    %dma_wait3A_496 = tpu.memref_squeeze %dma_wait3A_495 : memref<1x128xi32, #tpu.memory_space<vmem>> -> memref<128xi32, #tpu.memory_space<vmem>>
    %dma_wait3A_497 = arith.constant 0 : i32
    %dma_wait3A_498 = tpu.memref_slice %arg3[%dma_wait3A_491, %dma_wait3A_497] : memref<200x4096xi32, #tpu.memory_space<hbm>> -> memref<1x128xi32, #tpu.memory_space<hbm>>
    %dma_wait3A_499 = tpu.memref_squeeze %dma_wait3A_498 : memref<1x128xi32, #tpu.memory_space<hbm>> -> memref<128xi32, #tpu.memory_space<hbm>>
    %dma_wait3A_500 = tpu.memref_slice %arg11[%dma_wait3A_493] : memref<4x!tpu.dma_semaphore, #tpu.memory_space<semaphore_mem>> -> memref<1x!tpu.dma_semaphore, #tpu.memory_space<semaphore_mem>>
    %dma_wait3A_501 = tpu.memref_squeeze %dma_wait3A_500 : memref<1x!tpu.dma_semaphore, #tpu.memory_space<semaphore_mem>> -> memref<!tpu.dma_semaphore, #tpu.memory_space<semaphore_mem>>
    %dma_wait3A_502 = arith.constant 0 : i32
    %dma_wait3A_503 = tpu.memref_slice %arg5[%dma_wait3A_492, %dma_wait3A_502] : memref<4x128xi32, #tpu.memory_space<vmem>> -> memref<1x128xi32, #tpu.memory_space<vmem>>
    %dma_wait3A_504 = tpu.memref_squeeze %dma_wait3A_503 : memref<1x128xi32, #tpu.memory_space<vmem>> -> memref<128xi32, #tpu.memory_space<vmem>>
    %dma_wait3A_505 = arith.constant 0 : i32
    %dma_wait3A_506 = tpu.memref_slice %arg3[%dma_wait3A_491, %dma_wait3A_505] : memref<200x4096xi32, #tpu.memory_space<hbm>> -> memref<1x128xi32, #tpu.memory_space<hbm>>
    %dma_wait3A_507 = tpu.memref_squeeze %dma_wait3A_506 : memref<1x128xi32, #tpu.memory_space<hbm>> -> memref<128xi32, #tpu.memory_space<hbm>>
    tpu.wait_dma2 semaphore(%dma_wait3A_501 : memref<!tpu.dma_semaphore, #tpu.memory_space<semaphore_mem>>) src(%dma_wait3A_507 : memref<128xi32, #tpu.memory_space<hbm>>) dst(%dma_wait3A_504 : memref<128xi32, #tpu.memory_space<vmem>>)
    %dma_start3A_508 = arith.constant 1 : i32
    %dma_start3A_509 = arith.constant 1 : i32
    %dma_start3A_510 = arith.constant 1 : i32
    %dma_start3A_511 = arith.constant 0 : i32
    %dma_start3A_512 = arith.constant 0 : i32
    %dma_start3A_513 = tpu.memref_slice %arg6[%dma_start3A_509, %dma_start3A_511, %dma_start3A_512] : memref<4x128x64xf32, #tpu.memory_space<vmem>> -> memref<1x128x64xf32, #tpu.memory_space<vmem>>
    %dma_start3A_514 = tpu.memref_squeeze %dma_start3A_513 : memref<1x128x64xf32, #tpu.memory_space<vmem>> -> memref<128x64xf32, #tpu.memory_space<vmem>>
    %dma_start3A_515 = arith.constant 0 : i32
    %dma_start3A_516 = tpu.memref_slice %arg5[%dma_start3A_508, %dma_start3A_515] : memref<4x128xi32, #tpu.memory_space<vmem>> -> memref<1x128xi32, #tpu.memory_space<vmem>>
    %dma_start3A_517 = tpu.memref_squeeze %dma_start3A_516 : memref<1x128xi32, #tpu.memory_space<vmem>> -> memref<128xi32, #tpu.memory_space<vmem>>
    %dma_start3A_518 = arith.constant 0 : i32
    %dma_start3A_519 = arith.constant 0 : i32
    %dma_start3A_520 = tpu.memref_slice %arg2[%dma_start3A_518, %dma_start3A_519] : memref<100000x64xf32, #tpu.memory_space<hbm>> -> memref<100000x64xf32, #tpu.memory_space<hbm>>
    %dma_start3A_521 = tpu.memref_slice %arg12[%dma_start3A_510] : memref<4x!tpu.dma_semaphore, #tpu.memory_space<semaphore_mem>> -> memref<1x!tpu.dma_semaphore, #tpu.memory_space<semaphore_mem>>
    %dma_start3A_522 = tpu.memref_squeeze %dma_start3A_521 : memref<1x!tpu.dma_semaphore, #tpu.memory_space<semaphore_mem>> -> memref<!tpu.dma_semaphore, #tpu.memory_space<semaphore_mem>>
    tpu.enqueue_indirect_dma source(%dma_start3A_520 : memref<100000x64xf32, #tpu.memory_space<hbm>>) target(%dma_start3A_514 : memref<128x64xf32, #tpu.memory_space<vmem>>) offsets(%dma_start3A_517 : memref<128xi32, #tpu.memory_space<vmem>>) semaphore(%dma_start3A_522 : memref<!tpu.dma_semaphore, #tpu.memory_space<semaphore_mem>>)
    %dma_wait3A_523 = arith.constant 0 : i32
    %dma_wait3A_524 = arith.constant 2 : i32
    %dma_wait3A_525 = arith.constant 2 : i32
    %dma_wait3A_526 = arith.constant 0 : i32
    %dma_wait3A_527 = tpu.memref_slice %arg5[%dma_wait3A_524, %dma_wait3A_526] : memref<4x128xi32, #tpu.memory_space<vmem>> -> memref<1x128xi32, #tpu.memory_space<vmem>>
    %dma_wait3A_528 = tpu.memref_squeeze %dma_wait3A_527 : memref<1x128xi32, #tpu.memory_space<vmem>> -> memref<128xi32, #tpu.memory_space<vmem>>
    %dma_wait3A_529 = arith.constant 0 : i32
    %dma_wait3A_530 = tpu.memref_slice %arg3[%dma_wait3A_523, %dma_wait3A_529] : memref<200x4096xi32, #tpu.memory_space<hbm>> -> memref<1x128xi32, #tpu.memory_space<hbm>>
    %dma_wait3A_531 = tpu.memref_squeeze %dma_wait3A_530 : memref<1x128xi32, #tpu.memory_space<hbm>> -> memref<128xi32, #tpu.memory_space<hbm>>
    %dma_wait3A_532 = tpu.memref_slice %arg11[%dma_wait3A_525] : memref<4x!tpu.dma_semaphore, #tpu.memory_space<semaphore_mem>> -> memref<1x!tpu.dma_semaphore, #tpu.memory_space<semaphore_mem>>
    %dma_wait3A_533 = tpu.memref_squeeze %dma_wait3A_532 : memref<1x!tpu.dma_semaphore, #tpu.memory_space<semaphore_mem>> -> memref<!tpu.dma_semaphore, #tpu.memory_space<semaphore_mem>>
    %dma_wait3A_534 = arith.constant 0 : i32
    %dma_wait3A_535 = tpu.memref_slice %arg5[%dma_wait3A_524, %dma_wait3A_534] : memref<4x128xi32, #tpu.memory_space<vmem>> -> memref<1x128xi32, #tpu.memory_space<vmem>>
    %dma_wait3A_536 = tpu.memref_squeeze %dma_wait3A_535 : memref<1x128xi32, #tpu.memory_space<vmem>> -> memref<128xi32, #tpu.memory_space<vmem>>
    %dma_wait3A_537 = arith.constant 0 : i32
    %dma_wait3A_538 = tpu.memref_slice %arg3[%dma_wait3A_523, %dma_wait3A_537] : memref<200x4096xi32, #tpu.memory_space<hbm>> -> memref<1x128xi32, #tpu.memory_space<hbm>>
    %dma_wait3A_539 = tpu.memref_squeeze %dma_wait3A_538 : memref<1x128xi32, #tpu.memory_space<hbm>> -> memref<128xi32, #tpu.memory_space<hbm>>
    tpu.wait_dma2 semaphore(%dma_wait3A_533 : memref<!tpu.dma_semaphore, #tpu.memory_space<semaphore_mem>>) src(%dma_wait3A_539 : memref<128xi32, #tpu.memory_space<hbm>>) dst(%dma_wait3A_536 : memref<128xi32, #tpu.memory_space<vmem>>)
    %dma_start3A_540 = arith.constant 2 : i32
    %dma_start3A_541 = arith.constant 2 : i32
    %dma_start3A_542 = arith.constant 2 : i32
    %dma_start3A_543 = arith.constant 0 : i32
    %dma_start3A_544 = arith.constant 0 : i32
    %dma_start3A_545 = tpu.memref_slice %arg6[%dma_start3A_541, %dma_start3A_543, %dma_start3A_544] : memref<4x128x64xf32, #tpu.memory_space<vmem>> -> memref<1x128x64xf32, #tpu.memory_space<vmem>>
    %dma_start3A_546 = tpu.memref_squeeze %dma_start3A_545 : memref<1x128x64xf32, #tpu.memory_space<vmem>> -> memref<128x64xf32, #tpu.memory_space<vmem>>
    %dma_start3A_547 = arith.constant 0 : i32
    %dma_start3A_548 = tpu.memref_slice %arg5[%dma_start3A_540, %dma_start3A_547] : memref<4x128xi32, #tpu.memory_space<vmem>> -> memref<1x128xi32, #tpu.memory_space<vmem>>
    %dma_start3A_549 = tpu.memref_squeeze %dma_start3A_548 : memref<1x128xi32, #tpu.memory_space<vmem>> -> memref<128xi32, #tpu.memory_space<vmem>>
    %dma_start3A_550 = arith.constant 0 : i32
    %dma_start3A_551 = arith.constant 0 : i32
    %dma_start3A_552 = tpu.memref_slice %arg2[%dma_start3A_550, %dma_start3A_551] : memref<100000x64xf32, #tpu.memory_space<hbm>> -> memref<100000x64xf32, #tpu.memory_space<hbm>>
    %dma_start3A_553 = tpu.memref_slice %arg12[%dma_start3A_542] : memref<4x!tpu.dma_semaphore, #tpu.memory_space<semaphore_mem>> -> memref<1x!tpu.dma_semaphore, #tpu.memory_space<semaphore_mem>>
    %dma_start3A_554 = tpu.memref_squeeze %dma_start3A_553 : memref<1x!tpu.dma_semaphore, #tpu.memory_space<semaphore_mem>> -> memref<!tpu.dma_semaphore, #tpu.memory_space<semaphore_mem>>
    tpu.enqueue_indirect_dma source(%dma_start3A_552 : memref<100000x64xf32, #tpu.memory_space<hbm>>) target(%dma_start3A_546 : memref<128x64xf32, #tpu.memory_space<vmem>>) offsets(%dma_start3A_549 : memref<128xi32, #tpu.memory_space<vmem>>) semaphore(%dma_start3A_554 : memref<!tpu.dma_semaphore, #tpu.memory_space<semaphore_mem>>)
    %dma_wait3A_555 = arith.constant 0 : i32
    %dma_wait3A_556 = arith.constant 3 : i32
    %dma_wait3A_557 = arith.constant 3 : i32
    %dma_wait3A_558 = arith.constant 0 : i32
    %dma_wait3A_559 = tpu.memref_slice %arg5[%dma_wait3A_556, %dma_wait3A_558] : memref<4x128xi32, #tpu.memory_space<vmem>> -> memref<1x128xi32, #tpu.memory_space<vmem>>
    %dma_wait3A_560 = tpu.memref_squeeze %dma_wait3A_559 : memref<1x128xi32, #tpu.memory_space<vmem>> -> memref<128xi32, #tpu.memory_space<vmem>>
    %dma_wait3A_561 = arith.constant 0 : i32
    %dma_wait3A_562 = tpu.memref_slice %arg3[%dma_wait3A_555, %dma_wait3A_561] : memref<200x4096xi32, #tpu.memory_space<hbm>> -> memref<1x128xi32, #tpu.memory_space<hbm>>
    %dma_wait3A_563 = tpu.memref_squeeze %dma_wait3A_562 : memref<1x128xi32, #tpu.memory_space<hbm>> -> memref<128xi32, #tpu.memory_space<hbm>>
    %dma_wait3A_564 = tpu.memref_slice %arg11[%dma_wait3A_557] : memref<4x!tpu.dma_semaphore, #tpu.memory_space<semaphore_mem>> -> memref<1x!tpu.dma_semaphore, #tpu.memory_space<semaphore_mem>>
    %dma_wait3A_565 = tpu.memref_squeeze %dma_wait3A_564 : memref<1x!tpu.dma_semaphore, #tpu.memory_space<semaphore_mem>> -> memref<!tpu.dma_semaphore, #tpu.memory_space<semaphore_mem>>
    %dma_wait3A_566 = arith.constant 0 : i32
    %dma_wait3A_567 = tpu.memref_slice %arg5[%dma_wait3A_556, %dma_wait3A_566] : memref<4x128xi32, #tpu.memory_space<vmem>> -> memref<1x128xi32, #tpu.memory_space<vmem>>
    %dma_wait3A_568 = tpu.memref_squeeze %dma_wait3A_567 : memref<1x128xi32, #tpu.memory_space<vmem>> -> memref<128xi32, #tpu.memory_space<vmem>>
    %dma_wait3A_569 = arith.constant 0 : i32
    %dma_wait3A_570 = tpu.memref_slice %arg3[%dma_wait3A_555, %dma_wait3A_569] : memref<200x4096xi32, #tpu.memory_space<hbm>> -> memref<1x128xi32, #tpu.memory_space<hbm>>
    %dma_wait3A_571 = tpu.memref_squeeze %dma_wait3A_570 : memref<1x128xi32, #tpu.memory_space<hbm>> -> memref<128xi32, #tpu.memory_space<hbm>>
    tpu.wait_dma2 semaphore(%dma_wait3A_565 : memref<!tpu.dma_semaphore, #tpu.memory_space<semaphore_mem>>) src(%dma_wait3A_571 : memref<128xi32, #tpu.memory_space<hbm>>) dst(%dma_wait3A_568 : memref<128xi32, #tpu.memory_space<vmem>>)
    %dma_start3A_572 = arith.constant 3 : i32
    %dma_start3A_573 = arith.constant 3 : i32
    %dma_start3A_574 = arith.constant 3 : i32
    %dma_start3A_575 = arith.constant 0 : i32
    %dma_start3A_576 = arith.constant 0 : i32
    %dma_start3A_577 = tpu.memref_slice %arg6[%dma_start3A_573, %dma_start3A_575, %dma_start3A_576] : memref<4x128x64xf32, #tpu.memory_space<vmem>> -> memref<1x128x64xf32, #tpu.memory_space<vmem>>
    %dma_start3A_578 = tpu.memref_squeeze %dma_start3A_577 : memref<1x128x64xf32, #tpu.memory_space<vmem>> -> memref<128x64xf32, #tpu.memory_space<vmem>>
    %dma_start3A_579 = arith.constant 0 : i32
    %dma_start3A_580 = tpu.memref_slice %arg5[%dma_start3A_572, %dma_start3A_579] : memref<4x128xi32, #tpu.memory_space<vmem>> -> memref<1x128xi32, #tpu.memory_space<vmem>>
    %dma_start3A_581 = tpu.memref_squeeze %dma_start3A_580 : memref<1x128xi32, #tpu.memory_space<vmem>> -> memref<128xi32, #tpu.memory_space<vmem>>
    %dma_start3A_582 = arith.constant 0 : i32
    %dma_start3A_583 = arith.constant 0 : i32
    %dma_start3A_584 = tpu.memref_slice %arg2[%dma_start3A_582, %dma_start3A_583] : memref<100000x64xf32, #tpu.memory_space<hbm>> -> memref<100000x64xf32, #tpu.memory_space<hbm>>
    %dma_start3A_585 = tpu.memref_slice %arg12[%dma_start3A_574] : memref<4x!tpu.dma_semaphore, #tpu.memory_space<semaphore_mem>> -> memref<1x!tpu.dma_semaphore, #tpu.memory_space<semaphore_mem>>
    %dma_start3A_586 = tpu.memref_squeeze %dma_start3A_585 : memref<1x!tpu.dma_semaphore, #tpu.memory_space<semaphore_mem>> -> memref<!tpu.dma_semaphore, #tpu.memory_space<semaphore_mem>>
    tpu.enqueue_indirect_dma source(%dma_start3A_584 : memref<100000x64xf32, #tpu.memory_space<hbm>>) target(%dma_start3A_578 : memref<128x64xf32, #tpu.memory_space<vmem>>) offsets(%dma_start3A_581 : memref<128xi32, #tpu.memory_space<vmem>>) semaphore(%dma_start3A_586 : memref<!tpu.dma_semaphore, #tpu.memory_space<semaphore_mem>>)
    %scan3A = arith.constant 0 : i32
    %scan3A_587 = arith.constant 0 : i32
    %scan3A_588 = arith.constant 50 : i32
    %scan3A_589 = arith.addi %scan3A_587, %scan3A_588 : i32
    %scan3A_590 = arith.constant 1 : i32
    %scan3A_591 = scf.for %scan3A_685 = %scan3A_587 to %scan3A_589 step %scan3A_590 iter_args(%scan3A_686 = %scan3A) -> (i32)  : i32 {
      %mul3A_687 = arith.constant 4 : i32
      %mul3A_688 = arith.muli %scan3A_685, %mul3A_687 : i32
      %add3A_689 = arith.constant 0 : i32
      %add3A_690 = arith.addi %mul3A_688, %add3A_689 : i32
      %dma_wait3A_691 = arith.constant 0 : i32
      %dma_wait3A_692 = arith.constant 0 : i32
      %dma_wait3A_693 = arith.constant 0 : i32
      %dma_wait3A_694 = arith.constant 0 : i32
      %dma_wait3A_695 = arith.constant 0 : i32
      %dma_wait3A_696 = tpu.memref_slice %arg6[%dma_wait3A_692, %dma_wait3A_694, %dma_wait3A_695] : memref<4x128x64xf32, #tpu.memory_space<vmem>> -> memref<1x128x64xf32, #tpu.memory_space<vmem>>
      %dma_wait3A_697 = tpu.memref_squeeze %dma_wait3A_696 : memref<1x128x64xf32, #tpu.memory_space<vmem>> -> memref<128x64xf32, #tpu.memory_space<vmem>>
      %dma_wait3A_698 = arith.constant 0 : i32
      %dma_wait3A_699 = tpu.memref_slice %arg5[%dma_wait3A_691, %dma_wait3A_698] : memref<4x128xi32, #tpu.memory_space<vmem>> -> memref<1x128xi32, #tpu.memory_space<vmem>>
      %dma_wait3A_700 = tpu.memref_squeeze %dma_wait3A_699 : memref<1x128xi32, #tpu.memory_space<vmem>> -> memref<128xi32, #tpu.memory_space<vmem>>
      %dma_wait3A_701 = arith.constant 0 : i32
      %dma_wait3A_702 = arith.constant 0 : i32
      %dma_wait3A_703 = tpu.memref_slice %arg2[%dma_wait3A_701, %dma_wait3A_702] : memref<100000x64xf32, #tpu.memory_space<hbm>> -> memref<100000x64xf32, #tpu.memory_space<hbm>>
      %dma_wait3A_704 = tpu.memref_slice %arg12[%dma_wait3A_693] : memref<4x!tpu.dma_semaphore, #tpu.memory_space<semaphore_mem>> -> memref<1x!tpu.dma_semaphore, #tpu.memory_space<semaphore_mem>>
      %dma_wait3A_705 = tpu.memref_squeeze %dma_wait3A_704 : memref<1x!tpu.dma_semaphore, #tpu.memory_space<semaphore_mem>> -> memref<!tpu.dma_semaphore, #tpu.memory_space<semaphore_mem>>
      tpu.wait_indirect_dma semaphore(%dma_wait3A_705 : memref<!tpu.dma_semaphore, #tpu.memory_space<semaphore_mem>>) src(%dma_wait3A_703 : memref<100000x64xf32, #tpu.memory_space<hbm>>) dst(%dma_wait3A_697 : memref<128x64xf32, #tpu.memory_space<vmem>>)
      %lt3A_706 = arith.constant 49 : i32
      %lt3A_707 = arith.cmpi slt, %scan3A_685, %lt3A_706 : i32
      %convert_element_type3A = arith.extui %lt3A_707 : i1 to i32
      %cond3A = arith.constant 0 : i32
      %cond3A_708 = arith.cmpi ne, %convert_element_type3A, %cond3A : i32
      scf.if %cond3A_708 {
        %add3A_1080 = arith.constant 4 : i32
        %add3A_1081 = arith.addi %add3A_690, %add3A_1080 : i32
        %add3A_1082 = arith.addi %mul3A_2, %add3A_1081 : i32
        %jit3A_1083 = arith.constant 32 : i32
        %div3A_1084 = arith.divsi %add3A_1082, %jit3A_1083 : i32
        %sign3A_1085 = arith.constant 0 : i32
        %sign3A_1086 = arith.cmpi sgt, %add3A_1082, %sign3A_1085 : i32
        %sign3A_1087 = arith.extui %sign3A_1086 : i1 to i32
        %sign3A_1088 = arith.constant 0 : i32
        %sign3A_1089 = arith.cmpi slt, %add3A_1082, %sign3A_1088 : i32
        %sign3A_1090 = arith.extui %sign3A_1089 : i1 to i32
        %sign3A_1091 = arith.subi %sign3A_1087, %sign3A_1090 : i32
        %sign3A_1092 = arith.constant 0 : i32
        %sign3A_1093 = arith.cmpi sgt, %jit3A_1083, %sign3A_1092 : i32
        %sign3A_1094 = arith.extui %sign3A_1093 : i1 to i32
        %sign3A_1095 = arith.constant 0 : i32
        %sign3A_1096 = arith.cmpi slt, %jit3A_1083, %sign3A_1095 : i32
        %sign3A_1097 = arith.extui %sign3A_1096 : i1 to i32
        %sign3A_1098 = arith.subi %sign3A_1094, %sign3A_1097 : i32
        %ne3A_1099 = arith.cmpi ne, %sign3A_1091, %sign3A_1098 : i32
        %rem3A_1100 = arith.remsi %add3A_1082, %jit3A_1083 : i32
        %ne3A_1101 = arith.constant 0 : i32
        %ne3A_1102 = arith.cmpi ne, %rem3A_1100, %ne3A_1101 : i32
        %and3A_1103 = arith.andi %ne3A_1099, %ne3A_1102 : i1
        %sub3A_1104 = arith.constant 1 : i32
        %sub3A_1105 = arith.subi %div3A_1084, %sub3A_1104 : i32
        %select_n3A_1106 = arith.select %and3A_1103, %sub3A_1105, %div3A_1084 : i32
        %jit3A_1107 = arith.constant 32 : i32
        %eq3A_1108 = arith.constant 0 : i32
        %eq3A_1109 = arith.cmpi eq, %jit3A_1107, %eq3A_1108 : i32
        %jit3A_1110 = arith.constant 1 : i32
        %select_n3A_1111 = arith.select %eq3A_1109, %jit3A_1110, %jit3A_1107 : i32
        %rem3A_1112 = arith.remsi %add3A_1082, %select_n3A_1111 : i32
        %ne3A_1113 = arith.constant 0 : i32
        %ne3A_1114 = arith.cmpi ne, %rem3A_1112, %ne3A_1113 : i32
        %lt3A_1115 = arith.constant 0 : i32
        %lt3A_1116 = arith.cmpi slt, %rem3A_1112, %lt3A_1115 : i32
        %lt3A_1117 = arith.constant 0 : i32
        %lt3A_1118 = arith.cmpi slt, %select_n3A_1111, %lt3A_1117 : i32
        %ne3A_1119 = arith.xori %lt3A_1116, %lt3A_1118 : i1
        %and3A_1120 = arith.andi %ne3A_1119, %ne3A_1114 : i1
        %add3A_1121 = arith.addi %rem3A_1112, %select_n3A_1111 : i32
        %select_n3A_1122 = arith.select %and3A_1120, %add3A_1121, %rem3A_1112 : i32
        %mul3A_1123 = arith.constant 128 : i32
        %mul3A_1124 = arith.muli %select_n3A_1122, %mul3A_1123 : i32
        %dma_start3A_1125 = arith.constant 0 : i32
        %dma_start3A_1126 = arith.constant 0 : i32
        %dma_start3A_1127 = arith.constant 0 : i32
        %dma_start3A_1128 = tpu.memref_slice %arg5[%dma_start3A_1125, %dma_start3A_1127] : memref<4x128xi32, #tpu.memory_space<vmem>> -> memref<1x128xi32, #tpu.memory_space<vmem>>
        %dma_start3A_1129 = tpu.memref_squeeze %dma_start3A_1128 : memref<1x128xi32, #tpu.memory_space<vmem>> -> memref<128xi32, #tpu.memory_space<vmem>>
        %dma_start3A_1130 = tpu.memref_slice %arg3[%select_n3A_1106, %mul3A_1124] : memref<200x4096xi32, #tpu.memory_space<hbm>> -> memref<1x128xi32, #tpu.memory_space<hbm>>
        %dma_start3A_1131 = tpu.memref_squeeze %dma_start3A_1130 : memref<1x128xi32, #tpu.memory_space<hbm>> -> memref<128xi32, #tpu.memory_space<hbm>>
        %dma_start3A_1132 = tpu.memref_slice %arg11[%dma_start3A_1126] : memref<4x!tpu.dma_semaphore, #tpu.memory_space<semaphore_mem>> -> memref<1x!tpu.dma_semaphore, #tpu.memory_space<semaphore_mem>>
        %dma_start3A_1133 = tpu.memref_squeeze %dma_start3A_1132 : memref<1x!tpu.dma_semaphore, #tpu.memory_space<semaphore_mem>> -> memref<!tpu.dma_semaphore, #tpu.memory_space<semaphore_mem>>
        %dma_start3A_1134 = arith.constant 0 : i32
        %dma_start3A_1135 = tpu.memref_slice %arg5[%dma_start3A_1125, %dma_start3A_1134] : memref<4x128xi32, #tpu.memory_space<vmem>> -> memref<1x128xi32, #tpu.memory_space<vmem>>
        %dma_start3A_1136 = tpu.memref_squeeze %dma_start3A_1135 : memref<1x128xi32, #tpu.memory_space<vmem>> -> memref<128xi32, #tpu.memory_space<vmem>>
        %dma_start3A_1137 = tpu.memref_slice %arg3[%select_n3A_1106, %mul3A_1124] : memref<200x4096xi32, #tpu.memory_space<hbm>> -> memref<1x128xi32, #tpu.memory_space<hbm>>
        %dma_start3A_1138 = tpu.memref_squeeze %dma_start3A_1137 : memref<1x128xi32, #tpu.memory_space<hbm>> -> memref<128xi32, #tpu.memory_space<hbm>>
        tpu.enqueue_dma source(%dma_start3A_1138 : memref<128xi32, #tpu.memory_space<hbm>>) target(%dma_start3A_1136 : memref<128xi32, #tpu.memory_space<vmem>>) target_semaphore(%dma_start3A_1133 : memref<!tpu.dma_semaphore, #tpu.memory_space<semaphore_mem>>)
      } else {
      }
      %gt3A = arith.constant 0 : i32
      %gt3A_709 = arith.cmpi sgt, %scan3A_685, %gt3A : i32
      %convert_element_type3A_710 = arith.extui %gt3A_709 : i1 to i32
      %cond3A_711 = arith.constant 0 : i32
      %cond3A_712 = arith.cmpi ne, %convert_element_type3A_710, %cond3A_711 : i32
      scf.if %cond3A_712 {
        %dma_wait3A_1080 = arith.constant 0 : i32
        %dma_wait3A_1081 = arith.constant 0 : i32
        %dma_wait3A_1082 = arith.constant 0 : i32
        %dma_wait3A_1083 = arith.constant 0 : i32
        %dma_wait3A_1084 = arith.constant 0 : i32
        %dma_wait3A_1085 = arith.constant 0 : i32
        %dma_wait3A_1086 = tpu.memref_slice %arg7[%dma_wait3A_1083, %dma_wait3A_1084, %dma_wait3A_1085] : memref<8x8x129xf32, #tpu.memory_space<vmem>> -> memref<8x8x128xf32, #tpu.memory_space<vmem>>
        %dma_wait3A_1087 = arith.constant 0 : i32
        %dma_wait3A_1088 = arith.constant 0 : i32
        %dma_wait3A_1089 = arith.constant 0 : i32
        %dma_wait3A_1090 = tpu.memref_slice %arg4[%dma_wait3A_1080, %dma_wait3A_1087, %dma_wait3A_1081, %dma_wait3A_1088, %dma_wait3A_1089] : memref<200x8x32x8x128xf32, #tpu.memory_space<hbm>> -> memref<1x8x1x8x128xf32, #tpu.memory_space<hbm>>
        %dma_wait3A_1091 = tpu.memref_squeeze %dma_wait3A_1090 : memref<1x8x1x8x128xf32, #tpu.memory_space<hbm>> -> memref<8x8x128xf32, #tpu.memory_space<hbm>>
        %dma_wait3A_1092 = tpu.memref_slice %arg13[%dma_wait3A_1082] : memref<4x!tpu.dma_semaphore, #tpu.memory_space<semaphore_mem>> -> memref<1x!tpu.dma_semaphore, #tpu.memory_space<semaphore_mem>>
        %dma_wait3A_1093 = tpu.memref_squeeze %dma_wait3A_1092 : memref<1x!tpu.dma_semaphore, #tpu.memory_space<semaphore_mem>> -> memref<!tpu.dma_semaphore, #tpu.memory_space<semaphore_mem>>
        %dma_wait3A_1094 = arith.constant 0 : i32
        %dma_wait3A_1095 = arith.constant 0 : i32
        %dma_wait3A_1096 = arith.constant 0 : i32
        %dma_wait3A_1097 = tpu.memref_slice %arg4[%dma_wait3A_1080, %dma_wait3A_1094, %dma_wait3A_1081, %dma_wait3A_1095, %dma_wait3A_1096] : memref<200x8x32x8x128xf32, #tpu.memory_space<hbm>> -> memref<1x8x1x8x128xf32, #tpu.memory_space<hbm>>
        %dma_wait3A_1098 = tpu.memref_squeeze %dma_wait3A_1097 : memref<1x8x1x8x128xf32, #tpu.memory_space<hbm>> -> memref<8x8x128xf32, #tpu.memory_space<hbm>>
        %dma_wait3A_1099 = arith.constant 0 : i32
        %dma_wait3A_1100 = arith.constant 0 : i32
        %dma_wait3A_1101 = arith.constant 0 : i32
        %dma_wait3A_1102 = tpu.memref_slice %arg7[%dma_wait3A_1099, %dma_wait3A_1100, %dma_wait3A_1101] : memref<8x8x129xf32, #tpu.memory_space<vmem>> -> memref<8x8x128xf32, #tpu.memory_space<vmem>>
        tpu.wait_dma2 semaphore(%dma_wait3A_1093 : memref<!tpu.dma_semaphore, #tpu.memory_space<semaphore_mem>>) src(%dma_wait3A_1102 : memref<8x8x128xf32, #tpu.memory_space<vmem>>) dst(%dma_wait3A_1098 : memref<8x8x128xf32, #tpu.memory_space<hbm>>)
      } else {
      }
      %parallel_loop3A = arith.constant 0 : i32
      %parallel_loop3A_713 = arith.constant 128 : i32
      %parallel_loop3A_714 = arith.constant 1 : i32
      scf.for %parallel_loop3A_1080 = %parallel_loop3A to %parallel_loop3A_713 step %parallel_loop3A_714  : i32 {
        %parallel_loop3A_1081 = vector.broadcast %parallel_loop3A_1080 : i32 to vector<16xi32>
        %parallel_loop3A_1082 = arith.constant 0 : i32
        %parallel_loop3A_1083 = arith.index_cast %parallel_loop3A_1082 : i32 to index
        %parallel_loop3A_1084 = arith.index_cast %parallel_loop3A_1080 : i32 to index
        %parallel_loop3A_1085 = arith.constant 0 : index
        %parallel_loop3A_1086 = tpu.vector_load %arg6[%parallel_loop3A_1083, %parallel_loop3A_1084, %parallel_loop3A_1085] {strides = array<i32>} : memref<4x128x64xf32, #tpu.memory_space<vmem>>, vector<16xf32>,
        tpu.vector_store_idx %arg7[%select_n3A, %select_n3A_153, %parallel_loop3A_1081], %parallel_loop3A_1086 : memref<8x8x129xf32, #tpu.memory_space<vmem>>[vector<16xi32>, vector<16xi32>, vector<16xi32>], vector<16xf32>,
        %parallel_loop3A_1087 = arith.constant 0 : i32
        %parallel_loop3A_1088 = arith.index_cast %parallel_loop3A_1087 : i32 to index
        %parallel_loop3A_1089 = arith.index_cast %parallel_loop3A_1080 : i32 to index
        %parallel_loop3A_1090 = arith.constant 16 : index
        %parallel_loop3A_1091 = tpu.vector_load %arg6[%parallel_loop3A_1088, %parallel_loop3A_1089, %parallel_loop3A_1090] {strides = array<i32>} : memref<4x128x64xf32, #tpu.memory_space<vmem>>, vector<16xf32>,
        tpu.vector_store_idx %arg7[%select_n3A_62, %select_n3A_178, %parallel_loop3A_1081], %parallel_loop3A_1091 : memref<8x8x129xf32, #tpu.memory_space<vmem>>[vector<16xi32>, vector<16xi32>, vector<16xi32>], vector<16xf32>,
        %parallel_loop3A_1092 = arith.constant 0 : i32
        %parallel_loop3A_1093 = arith.index_cast %parallel_loop3A_1092 : i32 to index
        %parallel_loop3A_1094 = arith.index_cast %parallel_loop3A_1080 : i32 to index
        %parallel_loop3A_1095 = arith.constant 32 : index
        %parallel_loop3A_1096 = tpu.vector_load %arg6[%parallel_loop3A_1093, %parallel_loop3A_1094, %parallel_loop3A_1095] {strides = array<i32>} : memref<4x128x64xf32, #tpu.memory_space<vmem>>, vector<16xf32>,
        tpu.vector_store_idx %arg7[%select_n3A_96, %select_n3A_203, %parallel_loop3A_1081], %parallel_loop3A_1096 : memref<8x8x129xf32, #tpu.memory_space<vmem>>[vector<16xi32>, vector<16xi32>, vector<16xi32>], vector<16xf32>,
        %parallel_loop3A_1097 = arith.constant 0 : i32
        %parallel_loop3A_1098 = arith.index_cast %parallel_loop3A_1097 : i32 to index
        %parallel_loop3A_1099 = arith.index_cast %parallel_loop3A_1080 : i32 to index
        %parallel_loop3A_1100 = arith.constant 48 : index
        %parallel_loop3A_1101 = tpu.vector_load %arg6[%parallel_loop3A_1098, %parallel_loop3A_1099, %parallel_loop3A_1100] {strides = array<i32>} : memref<4x128x64xf32, #tpu.memory_space<vmem>>, vector<16xf32>,
        tpu.vector_store_idx %arg7[%select_n3A_130, %select_n3A_228, %parallel_loop3A_1081], %parallel_loop3A_1101 : memref<8x8x129xf32, #tpu.memory_space<vmem>>[vector<16xi32>, vector<16xi32>, vector<16xi32>], vector<16xf32>,
      } {sc.loop_unroll_factor = 8 : i64, sc.parallel_access}
      %add3A_715 = arith.addi %mul3A_2, %add3A_690 : i32
      %jit3A_716 = arith.constant 32 : i32
      %div3A_717 = arith.divsi %add3A_715, %jit3A_716 : i32
      %sign3A_718 = arith.constant 0 : i32
      %sign3A_719 = arith.cmpi sgt, %add3A_715, %sign3A_718 : i32
      %sign3A_720 = arith.extui %sign3A_719 : i1 to i32
      %sign3A_721 = arith.constant 0 : i32
      %sign3A_722 = arith.cmpi slt, %add3A_715, %sign3A_721 : i32
      %sign3A_723 = arith.extui %sign3A_722 : i1 to i32
      %sign3A_724 = arith.subi %sign3A_720, %sign3A_723 : i32
      %sign3A_725 = arith.constant 0 : i32
      %sign3A_726 = arith.cmpi sgt, %jit3A_716, %sign3A_725 : i32
      %sign3A_727 = arith.extui %sign3A_726 : i1 to i32
      %sign3A_728 = arith.constant 0 : i32
      %sign3A_729 = arith.cmpi slt, %jit3A_716, %sign3A_728 : i32
      %sign3A_730 = arith.extui %sign3A_729 : i1 to i32
      %sign3A_731 = arith.subi %sign3A_727, %sign3A_730 : i32
      %ne3A_732 = arith.cmpi ne, %sign3A_724, %sign3A_731 : i32
      %rem3A_733 = arith.remsi %add3A_715, %jit3A_716 : i32
      %ne3A_734 = arith.constant 0 : i32
      %ne3A_735 = arith.cmpi ne, %rem3A_733, %ne3A_734 : i32
      %and3A_736 = arith.andi %ne3A_732, %ne3A_735 : i1
      %sub3A_737 = arith.constant 1 : i32
      %sub3A_738 = arith.subi %div3A_717, %sub3A_737 : i32
      %select_n3A_739 = arith.select %and3A_736, %sub3A_738, %div3A_717 : i32
      %jit3A_740 = arith.constant 32 : i32
      %eq3A_741 = arith.constant 0 : i32
      %eq3A_742 = arith.cmpi eq, %jit3A_740, %eq3A_741 : i32
      %jit3A_743 = arith.constant 1 : i32
      %select_n3A_744 = arith.select %eq3A_742, %jit3A_743, %jit3A_740 : i32
      %rem3A_745 = arith.remsi %add3A_715, %select_n3A_744 : i32
      %ne3A_746 = arith.constant 0 : i32
      %ne3A_747 = arith.cmpi ne, %rem3A_745, %ne3A_746 : i32
      %lt3A_748 = arith.constant 0 : i32
      %lt3A_749 = arith.cmpi slt, %rem3A_745, %lt3A_748 : i32
      %lt3A_750 = arith.constant 0 : i32
      %lt3A_751 = arith.cmpi slt, %select_n3A_744, %lt3A_750 : i32
      %ne3A_752 = arith.xori %lt3A_749, %lt3A_751 : i1
      %and3A_753 = arith.andi %ne3A_752, %ne3A_747 : i1
      %add3A_754 = arith.addi %rem3A_745, %select_n3A_744 : i32
      %select_n3A_755 = arith.select %and3A_753, %add3A_754, %rem3A_745 : i32
      %dma_start3A_756 = arith.constant 0 : i32
      %dma_start3A_757 = arith.constant 0 : i32
      %dma_start3A_758 = arith.constant 0 : i32
      %dma_start3A_759 = arith.constant 0 : i32
      %dma_start3A_760 = tpu.memref_slice %arg7[%dma_start3A_757, %dma_start3A_758, %dma_start3A_759] : memref<8x8x129xf32, #tpu.memory_space<vmem>> -> memref<8x8x128xf32, #tpu.memory_space<vmem>>
      %dma_start3A_761 = arith.constant 0 : i32
      %dma_start3A_762 = arith.constant 0 : i32
      %dma_start3A_763 = arith.constant 0 : i32
      %dma_start3A_764 = tpu.memref_slice %arg4[%select_n3A_739, %dma_start3A_761, %select_n3A_755, %dma_start3A_762, %dma_start3A_763] : memref<200x8x32x8x128xf32, #tpu.memory_space<hbm>> -> memref<1x8x1x8x128xf32, #tpu.memory_space<hbm>>
      %dma_start3A_765 = tpu.memref_squeeze %dma_start3A_764 : memref<1x8x1x8x128xf32, #tpu.memory_space<hbm>> -> memref<8x8x128xf32, #tpu.memory_space<hbm>>
      %dma_start3A_766 = tpu.memref_slice %arg13[%dma_start3A_756] : memref<4x!tpu.dma_semaphore, #tpu.memory_space<semaphore_mem>> -> memref<1x!tpu.dma_semaphore, #tpu.memory_space<semaphore_mem>>
      %dma_start3A_767 = tpu.memref_squeeze %dma_start3A_766 : memref<1x!tpu.dma_semaphore, #tpu.memory_space<semaphore_mem>> -> memref<!tpu.dma_semaphore, #tpu.memory_space<semaphore_mem>>
      %dma_start3A_768 = arith.constant 0 : i32
      %dma_start3A_769 = arith.constant 0 : i32
      %dma_start3A_770 = arith.constant 0 : i32
      %dma_start3A_771 = tpu.memref_slice %arg4[%select_n3A_739, %dma_start3A_768, %select_n3A_755, %dma_start3A_769, %dma_start3A_770] : memref<200x8x32x8x128xf32, #tpu.memory_space<hbm>> -> memref<1x8x1x8x128xf32, #tpu.memory_space<hbm>>
      %dma_start3A_772 = tpu.memref_squeeze %dma_start3A_771 : memref<1x8x1x8x128xf32, #tpu.memory_space<hbm>> -> memref<8x8x128xf32, #tpu.memory_space<hbm>>
      %dma_start3A_773 = arith.constant 0 : i32
      %dma_start3A_774 = arith.constant 0 : i32
      %dma_start3A_775 = arith.constant 0 : i32
      %dma_start3A_776 = tpu.memref_slice %arg7[%dma_start3A_773, %dma_start3A_774, %dma_start3A_775] : memref<8x8x129xf32, #tpu.memory_space<vmem>> -> memref<8x8x128xf32, #tpu.memory_space<vmem>>
      tpu.enqueue_dma source(%dma_start3A_776 : memref<8x8x128xf32, #tpu.memory_space<vmem>>) target(%dma_start3A_772 : memref<8x8x128xf32, #tpu.memory_space<hbm>>) target_semaphore(%dma_start3A_767 : memref<!tpu.dma_semaphore, #tpu.memory_space<semaphore_mem>>)
      %lt3A_777 = arith.constant 49 : i32
      %lt3A_778 = arith.cmpi slt, %scan3A_685, %lt3A_777 : i32
      %convert_element_type3A_779 = arith.extui %lt3A_778 : i1 to i32
      %cond3A_780 = arith.constant 0 : i32
      %cond3A_781 = arith.cmpi ne, %convert_element_type3A_779, %cond3A_780 : i32
      scf.if %cond3A_781 {
        %dma_wait3A_1080 = arith.constant 0 : i32
        %dma_wait3A_1081 = arith.constant 0 : i32
        %dma_wait3A_1082 = arith.constant 0 : i32
        %dma_wait3A_1083 = arith.constant 0 : i32
        %dma_wait3A_1084 = tpu.memref_slice %arg5[%dma_wait3A_1081, %dma_wait3A_1083] : memref<4x128xi32, #tpu.memory_space<vmem>> -> memref<1x128xi32, #tpu.memory_space<vmem>>
        %dma_wait3A_1085 = tpu.memref_squeeze %dma_wait3A_1084 : memref<1x128xi32, #tpu.memory_space<vmem>> -> memref<128xi32, #tpu.memory_space<vmem>>
        %dma_wait3A_1086 = arith.constant 0 : i32
        %dma_wait3A_1087 = tpu.memref_slice %arg3[%dma_wait3A_1080, %dma_wait3A_1086] : memref<200x4096xi32, #tpu.memory_space<hbm>> -> memref<1x128xi32, #tpu.memory_space<hbm>>
        %dma_wait3A_1088 = tpu.memref_squeeze %dma_wait3A_1087 : memref<1x128xi32, #tpu.memory_space<hbm>> -> memref<128xi32, #tpu.memory_space<hbm>>
        %dma_wait3A_1089 = tpu.memref_slice %arg11[%dma_wait3A_1082] : memref<4x!tpu.dma_semaphore, #tpu.memory_space<semaphore_mem>> -> memref<1x!tpu.dma_semaphore, #tpu.memory_space<semaphore_mem>>
        %dma_wait3A_1090 = tpu.memref_squeeze %dma_wait3A_1089 : memref<1x!tpu.dma_semaphore, #tpu.memory_space<semaphore_mem>> -> memref<!tpu.dma_semaphore, #tpu.memory_space<semaphore_mem>>
        %dma_wait3A_1091 = arith.constant 0 : i32
        %dma_wait3A_1092 = tpu.memref_slice %arg5[%dma_wait3A_1081, %dma_wait3A_1091] : memref<4x128xi32, #tpu.memory_space<vmem>> -> memref<1x128xi32, #tpu.memory_space<vmem>>
        %dma_wait3A_1093 = tpu.memref_squeeze %dma_wait3A_1092 : memref<1x128xi32, #tpu.memory_space<vmem>> -> memref<128xi32, #tpu.memory_space<vmem>>
        %dma_wait3A_1094 = arith.constant 0 : i32
        %dma_wait3A_1095 = tpu.memref_slice %arg3[%dma_wait3A_1080, %dma_wait3A_1094] : memref<200x4096xi32, #tpu.memory_space<hbm>> -> memref<1x128xi32, #tpu.memory_space<hbm>>
        %dma_wait3A_1096 = tpu.memref_squeeze %dma_wait3A_1095 : memref<1x128xi32, #tpu.memory_space<hbm>> -> memref<128xi32, #tpu.memory_space<hbm>>
        tpu.wait_dma2 semaphore(%dma_wait3A_1090 : memref<!tpu.dma_semaphore, #tpu.memory_space<semaphore_mem>>) src(%dma_wait3A_1096 : memref<128xi32, #tpu.memory_space<hbm>>) dst(%dma_wait3A_1093 : memref<128xi32, #tpu.memory_space<vmem>>)
        %dma_start3A_1097 = arith.constant 0 : i32
        %dma_start3A_1098 = arith.constant 0 : i32
        %dma_start3A_1099 = arith.constant 0 : i32
        %dma_start3A_1100 = arith.constant 0 : i32
        %dma_start3A_1101 = arith.constant 0 : i32
        %dma_start3A_1102 = tpu.memref_slice %arg6[%dma_start3A_1098, %dma_start3A_1100, %dma_start3A_1101] : memref<4x128x64xf32, #tpu.memory_space<vmem>> -> memref<1x128x64xf32, #tpu.memory_space<vmem>>
        %dma_start3A_1103 = tpu.memref_squeeze %dma_start3A_1102 : memref<1x128x64xf32, #tpu.memory_space<vmem>> -> memref<128x64xf32, #tpu.memory_space<vmem>>
        %dma_start3A_1104 = arith.constant 0 : i32
        %dma_start3A_1105 = tpu.memref_slice %arg5[%dma_start3A_1097, %dma_start3A_1104] : memref<4x128xi32, #tpu.memory_space<vmem>> -> memref<1x128xi32, #tpu.memory_space<vmem>>
        %dma_start3A_1106 = tpu.memref_squeeze %dma_start3A_1105 : memref<1x128xi32, #tpu.memory_space<vmem>> -> memref<128xi32, #tpu.memory_space<vmem>>
        %dma_start3A_1107 = arith.constant 0 : i32
        %dma_start3A_1108 = arith.constant 0 : i32
        %dma_start3A_1109 = tpu.memref_slice %arg2[%dma_start3A_1107, %dma_start3A_1108] : memref<100000x64xf32, #tpu.memory_space<hbm>> -> memref<100000x64xf32, #tpu.memory_space<hbm>>
        %dma_start3A_1110 = tpu.memref_slice %arg12[%dma_start3A_1099] : memref<4x!tpu.dma_semaphore, #tpu.memory_space<semaphore_mem>> -> memref<1x!tpu.dma_semaphore, #tpu.memory_space<semaphore_mem>>
        %dma_start3A_1111 = tpu.memref_squeeze %dma_start3A_1110 : memref<1x!tpu.dma_semaphore, #tpu.memory_space<semaphore_mem>> -> memref<!tpu.dma_semaphore, #tpu.memory_space<semaphore_mem>>
        tpu.enqueue_indirect_dma source(%dma_start3A_1109 : memref<100000x64xf32, #tpu.memory_space<hbm>>) target(%dma_start3A_1103 : memref<128x64xf32, #tpu.memory_space<vmem>>) offsets(%dma_start3A_1106 : memref<128xi32, #tpu.memory_space<vmem>>) semaphore(%dma_start3A_1111 : memref<!tpu.dma_semaphore, #tpu.memory_space<semaphore_mem>>)
      } else {
      }
      %mul3A_782 = arith.constant 4 : i32
      %mul3A_783 = arith.muli %scan3A_685, %mul3A_782 : i32
      %add3A_784 = arith.constant 1 : i32
      %add3A_785 = arith.addi %mul3A_783, %add3A_784 : i32
      %dma_wait3A_786 = arith.constant 1 : i32
      %dma_wait3A_787 = arith.constant 1 : i32
      %dma_wait3A_788 = arith.constant 1 : i32
      %dma_wait3A_789 = arith.constant 0 : i32
      %dma_wait3A_790 = arith.constant 0 : i32
      %dma_wait3A_791 = tpu.memref_slice %arg6[%dma_wait3A_787, %dma_wait3A_789, %dma_wait3A_790] : memref<4x128x64xf32, #tpu.memory_space<vmem>> -> memref<1x128x64xf32, #tpu.memory_space<vmem>>
      %dma_wait3A_792 = tpu.memref_squeeze %dma_wait3A_791 : memref<1x128x64xf32, #tpu.memory_space<vmem>> -> memref<128x64xf32, #tpu.memory_space<vmem>>
      %dma_wait3A_793 = arith.constant 0 : i32
      %dma_wait3A_794 = tpu.memref_slice %arg5[%dma_wait3A_786, %dma_wait3A_793] : memref<4x128xi32, #tpu.memory_space<vmem>> -> memref<1x128xi32, #tpu.memory_space<vmem>>
      %dma_wait3A_795 = tpu.memref_squeeze %dma_wait3A_794 : memref<1x128xi32, #tpu.memory_space<vmem>> -> memref<128xi32, #tpu.memory_space<vmem>>
      %dma_wait3A_796 = arith.constant 0 : i32
      %dma_wait3A_797 = arith.constant 0 : i32
      %dma_wait3A_798 = tpu.memref_slice %arg2[%dma_wait3A_796, %dma_wait3A_797] : memref<100000x64xf32, #tpu.memory_space<hbm>> -> memref<100000x64xf32, #tpu.memory_space<hbm>>
      %dma_wait3A_799 = tpu.memref_slice %arg12[%dma_wait3A_788] : memref<4x!tpu.dma_semaphore, #tpu.memory_space<semaphore_mem>> -> memref<1x!tpu.dma_semaphore, #tpu.memory_space<semaphore_mem>>
      %dma_wait3A_800 = tpu.memref_squeeze %dma_wait3A_799 : memref<1x!tpu.dma_semaphore, #tpu.memory_space<semaphore_mem>> -> memref<!tpu.dma_semaphore, #tpu.memory_space<semaphore_mem>>
      tpu.wait_indirect_dma semaphore(%dma_wait3A_800 : memref<!tpu.dma_semaphore, #tpu.memory_space<semaphore_mem>>) src(%dma_wait3A_798 : memref<100000x64xf32, #tpu.memory_space<hbm>>) dst(%dma_wait3A_792 : memref<128x64xf32, #tpu.memory_space<vmem>>)
      %lt3A_801 = arith.constant 49 : i32
      %lt3A_802 = arith.cmpi slt, %scan3A_685, %lt3A_801 : i32
      %convert_element_type3A_803 = arith.extui %lt3A_802 : i1 to i32
      %cond3A_804 = arith.constant 0 : i32
      %cond3A_805 = arith.cmpi ne, %convert_element_type3A_803, %cond3A_804 : i32
      scf.if %cond3A_805 {
        %add3A_1080 = arith.constant 4 : i32
        %add3A_1081 = arith.addi %add3A_785, %add3A_1080 : i32
        %add3A_1082 = arith.addi %mul3A_2, %add3A_1081 : i32
        %jit3A_1083 = arith.constant 32 : i32
        %div3A_1084 = arith.divsi %add3A_1082, %jit3A_1083 : i32
        %sign3A_1085 = arith.constant 0 : i32
        %sign3A_1086 = arith.cmpi sgt, %add3A_1082, %sign3A_1085 : i32
        %sign3A_1087 = arith.extui %sign3A_1086 : i1 to i32
        %sign3A_1088 = arith.constant 0 : i32
        %sign3A_1089 = arith.cmpi slt, %add3A_1082, %sign3A_1088 : i32
        %sign3A_1090 = arith.extui %sign3A_1089 : i1 to i32
        %sign3A_1091 = arith.subi %sign3A_1087, %sign3A_1090 : i32
        %sign3A_1092 = arith.constant 0 : i32
        %sign3A_1093 = arith.cmpi sgt, %jit3A_1083, %sign3A_1092 : i32
        %sign3A_1094 = arith.extui %sign3A_1093 : i1 to i32
        %sign3A_1095 = arith.constant 0 : i32
        %sign3A_1096 = arith.cmpi slt, %jit3A_1083, %sign3A_1095 : i32
        %sign3A_1097 = arith.extui %sign3A_1096 : i1 to i32
        %sign3A_1098 = arith.subi %sign3A_1094, %sign3A_1097 : i32
        %ne3A_1099 = arith.cmpi ne, %sign3A_1091, %sign3A_1098 : i32
        %rem3A_1100 = arith.remsi %add3A_1082, %jit3A_1083 : i32
        %ne3A_1101 = arith.constant 0 : i32
        %ne3A_1102 = arith.cmpi ne, %rem3A_1100, %ne3A_1101 : i32
        %and3A_1103 = arith.andi %ne3A_1099, %ne3A_1102 : i1
        %sub3A_1104 = arith.constant 1 : i32
        %sub3A_1105 = arith.subi %div3A_1084, %sub3A_1104 : i32
        %select_n3A_1106 = arith.select %and3A_1103, %sub3A_1105, %div3A_1084 : i32
        %jit3A_1107 = arith.constant 32 : i32
        %eq3A_1108 = arith.constant 0 : i32
        %eq3A_1109 = arith.cmpi eq, %jit3A_1107, %eq3A_1108 : i32
        %jit3A_1110 = arith.constant 1 : i32
        %select_n3A_1111 = arith.select %eq3A_1109, %jit3A_1110, %jit3A_1107 : i32
        %rem3A_1112 = arith.remsi %add3A_1082, %select_n3A_1111 : i32
        %ne3A_1113 = arith.constant 0 : i32
        %ne3A_1114 = arith.cmpi ne, %rem3A_1112, %ne3A_1113 : i32
        %lt3A_1115 = arith.constant 0 : i32
        %lt3A_1116 = arith.cmpi slt, %rem3A_1112, %lt3A_1115 : i32
        %lt3A_1117 = arith.constant 0 : i32
        %lt3A_1118 = arith.cmpi slt, %select_n3A_1111, %lt3A_1117 : i32
        %ne3A_1119 = arith.xori %lt3A_1116, %lt3A_1118 : i1
        %and3A_1120 = arith.andi %ne3A_1119, %ne3A_1114 : i1
        %add3A_1121 = arith.addi %rem3A_1112, %select_n3A_1111 : i32
        %select_n3A_1122 = arith.select %and3A_1120, %add3A_1121, %rem3A_1112 : i32
        %mul3A_1123 = arith.constant 128 : i32
        %mul3A_1124 = arith.muli %select_n3A_1122, %mul3A_1123 : i32
        %dma_start3A_1125 = arith.constant 1 : i32
        %dma_start3A_1126 = arith.constant 1 : i32
        %dma_start3A_1127 = arith.constant 0 : i32
        %dma_start3A_1128 = tpu.memref_slice %arg5[%dma_start3A_1125, %dma_start3A_1127] : memref<4x128xi32, #tpu.memory_space<vmem>> -> memref<1x128xi32, #tpu.memory_space<vmem>>
        %dma_start3A_1129 = tpu.memref_squeeze %dma_start3A_1128 : memref<1x128xi32, #tpu.memory_space<vmem>> -> memref<128xi32, #tpu.memory_space<vmem>>
        %dma_start3A_1130 = tpu.memref_slice %arg3[%select_n3A_1106, %mul3A_1124] : memref<200x4096xi32, #tpu.memory_space<hbm>> -> memref<1x128xi32, #tpu.memory_space<hbm>>
        %dma_start3A_1131 = tpu.memref_squeeze %dma_start3A_1130 : memref<1x128xi32, #tpu.memory_space<hbm>> -> memref<128xi32, #tpu.memory_space<hbm>>
        %dma_start3A_1132 = tpu.memref_slice %arg11[%dma_start3A_1126] : memref<4x!tpu.dma_semaphore, #tpu.memory_space<semaphore_mem>> -> memref<1x!tpu.dma_semaphore, #tpu.memory_space<semaphore_mem>>
        %dma_start3A_1133 = tpu.memref_squeeze %dma_start3A_1132 : memref<1x!tpu.dma_semaphore, #tpu.memory_space<semaphore_mem>> -> memref<!tpu.dma_semaphore, #tpu.memory_space<semaphore_mem>>
        %dma_start3A_1134 = arith.constant 0 : i32
        %dma_start3A_1135 = tpu.memref_slice %arg5[%dma_start3A_1125, %dma_start3A_1134] : memref<4x128xi32, #tpu.memory_space<vmem>> -> memref<1x128xi32, #tpu.memory_space<vmem>>
        %dma_start3A_1136 = tpu.memref_squeeze %dma_start3A_1135 : memref<1x128xi32, #tpu.memory_space<vmem>> -> memref<128xi32, #tpu.memory_space<vmem>>
        %dma_start3A_1137 = tpu.memref_slice %arg3[%select_n3A_1106, %mul3A_1124] : memref<200x4096xi32, #tpu.memory_space<hbm>> -> memref<1x128xi32, #tpu.memory_space<hbm>>
        %dma_start3A_1138 = tpu.memref_squeeze %dma_start3A_1137 : memref<1x128xi32, #tpu.memory_space<hbm>> -> memref<128xi32, #tpu.memory_space<hbm>>
        tpu.enqueue_dma source(%dma_start3A_1138 : memref<128xi32, #tpu.memory_space<hbm>>) target(%dma_start3A_1136 : memref<128xi32, #tpu.memory_space<vmem>>) target_semaphore(%dma_start3A_1133 : memref<!tpu.dma_semaphore, #tpu.memory_space<semaphore_mem>>)
      } else {
      }
      %gt3A_806 = arith.constant 0 : i32
      %gt3A_807 = arith.cmpi sgt, %scan3A_685, %gt3A_806 : i32
      %convert_element_type3A_808 = arith.extui %gt3A_807 : i1 to i32
      %cond3A_809 = arith.constant 0 : i32
      %cond3A_810 = arith.cmpi ne, %convert_element_type3A_808, %cond3A_809 : i32
      scf.if %cond3A_810 {
        %dma_wait3A_1080 = arith.constant 0 : i32
        %dma_wait3A_1081 = arith.constant 0 : i32
        %dma_wait3A_1082 = arith.constant 1 : i32
        %dma_wait3A_1083 = arith.constant 0 : i32
        %dma_wait3A_1084 = arith.constant 0 : i32
        %dma_wait3A_1085 = arith.constant 0 : i32
        %dma_wait3A_1086 = tpu.memref_slice %arg8[%dma_wait3A_1083, %dma_wait3A_1084, %dma_wait3A_1085] : memref<8x8x129xf32, #tpu.memory_space<vmem>> -> memref<8x8x128xf32, #tpu.memory_space<vmem>>
        %dma_wait3A_1087 = arith.constant 0 : i32
        %dma_wait3A_1088 = arith.constant 0 : i32
        %dma_wait3A_1089 = arith.constant 0 : i32
        %dma_wait3A_1090 = tpu.memref_slice %arg4[%dma_wait3A_1080, %dma_wait3A_1087, %dma_wait3A_1081, %dma_wait3A_1088, %dma_wait3A_1089] : memref<200x8x32x8x128xf32, #tpu.memory_space<hbm>> -> memref<1x8x1x8x128xf32, #tpu.memory_space<hbm>>
        %dma_wait3A_1091 = tpu.memref_squeeze %dma_wait3A_1090 : memref<1x8x1x8x128xf32, #tpu.memory_space<hbm>> -> memref<8x8x128xf32, #tpu.memory_space<hbm>>
        %dma_wait3A_1092 = tpu.memref_slice %arg13[%dma_wait3A_1082] : memref<4x!tpu.dma_semaphore, #tpu.memory_space<semaphore_mem>> -> memref<1x!tpu.dma_semaphore, #tpu.memory_space<semaphore_mem>>
        %dma_wait3A_1093 = tpu.memref_squeeze %dma_wait3A_1092 : memref<1x!tpu.dma_semaphore, #tpu.memory_space<semaphore_mem>> -> memref<!tpu.dma_semaphore, #tpu.memory_space<semaphore_mem>>
        %dma_wait3A_1094 = arith.constant 0 : i32
        %dma_wait3A_1095 = arith.constant 0 : i32
        %dma_wait3A_1096 = arith.constant 0 : i32
        %dma_wait3A_1097 = tpu.memref_slice %arg4[%dma_wait3A_1080, %dma_wait3A_1094, %dma_wait3A_1081, %dma_wait3A_1095, %dma_wait3A_1096] : memref<200x8x32x8x128xf32, #tpu.memory_space<hbm>> -> memref<1x8x1x8x128xf32, #tpu.memory_space<hbm>>
        %dma_wait3A_1098 = tpu.memref_squeeze %dma_wait3A_1097 : memref<1x8x1x8x128xf32, #tpu.memory_space<hbm>> -> memref<8x8x128xf32, #tpu.memory_space<hbm>>
        %dma_wait3A_1099 = arith.constant 0 : i32
        %dma_wait3A_1100 = arith.constant 0 : i32
        %dma_wait3A_1101 = arith.constant 0 : i32
        %dma_wait3A_1102 = tpu.memref_slice %arg8[%dma_wait3A_1099, %dma_wait3A_1100, %dma_wait3A_1101] : memref<8x8x129xf32, #tpu.memory_space<vmem>> -> memref<8x8x128xf32, #tpu.memory_space<vmem>>
        tpu.wait_dma2 semaphore(%dma_wait3A_1093 : memref<!tpu.dma_semaphore, #tpu.memory_space<semaphore_mem>>) src(%dma_wait3A_1102 : memref<8x8x128xf32, #tpu.memory_space<vmem>>) dst(%dma_wait3A_1098 : memref<8x8x128xf32, #tpu.memory_space<hbm>>)
      } else {
      }
      %parallel_loop3A_811 = arith.constant 0 : i32
      %parallel_loop3A_812 = arith.constant 128 : i32
      %parallel_loop3A_813 = arith.constant 1 : i32
      scf.for %parallel_loop3A_1080 = %parallel_loop3A_811 to %parallel_loop3A_812 step %parallel_loop3A_813  : i32 {
        %parallel_loop3A_1081 = vector.broadcast %parallel_loop3A_1080 : i32 to vector<16xi32>
        %parallel_loop3A_1082 = arith.constant 1 : i32
        %parallel_loop3A_1083 = arith.index_cast %parallel_loop3A_1082 : i32 to index
        %parallel_loop3A_1084 = arith.index_cast %parallel_loop3A_1080 : i32 to index
        %parallel_loop3A_1085 = arith.constant 0 : index
        %parallel_loop3A_1086 = tpu.vector_load %arg6[%parallel_loop3A_1083, %parallel_loop3A_1084, %parallel_loop3A_1085] {strides = array<i32>} : memref<4x128x64xf32, #tpu.memory_space<vmem>>, vector<16xf32>,
        tpu.vector_store_idx %arg8[%select_n3A, %select_n3A_153, %parallel_loop3A_1081], %parallel_loop3A_1086 : memref<8x8x129xf32, #tpu.memory_space<vmem>>[vector<16xi32>, vector<16xi32>, vector<16xi32>], vector<16xf32>,
        %parallel_loop3A_1087 = arith.constant 1 : i32
        %parallel_loop3A_1088 = arith.index_cast %parallel_loop3A_1087 : i32 to index
        %parallel_loop3A_1089 = arith.index_cast %parallel_loop3A_1080 : i32 to index
        %parallel_loop3A_1090 = arith.constant 16 : index
        %parallel_loop3A_1091 = tpu.vector_load %arg6[%parallel_loop3A_1088, %parallel_loop3A_1089, %parallel_loop3A_1090] {strides = array<i32>} : memref<4x128x64xf32, #tpu.memory_space<vmem>>, vector<16xf32>,
        tpu.vector_store_idx %arg8[%select_n3A_62, %select_n3A_178, %parallel_loop3A_1081], %parallel_loop3A_1091 : memref<8x8x129xf32, #tpu.memory_space<vmem>>[vector<16xi32>, vector<16xi32>, vector<16xi32>], vector<16xf32>,
        %parallel_loop3A_1092 = arith.constant 1 : i32
        %parallel_loop3A_1093 = arith.index_cast %parallel_loop3A_1092 : i32 to index
        %parallel_loop3A_1094 = arith.index_cast %parallel_loop3A_1080 : i32 to index
        %parallel_loop3A_1095 = arith.constant 32 : index
        %parallel_loop3A_1096 = tpu.vector_load %arg6[%parallel_loop3A_1093, %parallel_loop3A_1094, %parallel_loop3A_1095] {strides = array<i32>} : memref<4x128x64xf32, #tpu.memory_space<vmem>>, vector<16xf32>,
        tpu.vector_store_idx %arg8[%select_n3A_96, %select_n3A_203, %parallel_loop3A_1081], %parallel_loop3A_1096 : memref<8x8x129xf32, #tpu.memory_space<vmem>>[vector<16xi32>, vector<16xi32>, vector<16xi32>], vector<16xf32>,
        %parallel_loop3A_1097 = arith.constant 1 : i32
        %parallel_loop3A_1098 = arith.index_cast %parallel_loop3A_1097 : i32 to index
        %parallel_loop3A_1099 = arith.index_cast %parallel_loop3A_1080 : i32 to index
        %parallel_loop3A_1100 = arith.constant 48 : index
        %parallel_loop3A_1101 = tpu.vector_load %arg6[%parallel_loop3A_1098, %parallel_loop3A_1099, %parallel_loop3A_1100] {strides = array<i32>} : memref<4x128x64xf32, #tpu.memory_space<vmem>>, vector<16xf32>,
        tpu.vector_store_idx %arg8[%select_n3A_130, %select_n3A_228, %parallel_loop3A_1081], %parallel_loop3A_1101 : memref<8x8x129xf32, #tpu.memory_space<vmem>>[vector<16xi32>, vector<16xi32>, vector<16xi32>], vector<16xf32>,
      } {sc.loop_unroll_factor = 8 : i64, sc.parallel_access}
      %add3A_814 = arith.addi %mul3A_2, %add3A_785 : i32
      %jit3A_815 = arith.constant 32 : i32
      %div3A_816 = arith.divsi %add3A_814, %jit3A_815 : i32
      %sign3A_817 = arith.constant 0 : i32
      %sign3A_818 = arith.cmpi sgt, %add3A_814, %sign3A_817 : i32
      %sign3A_819 = arith.extui %sign3A_818 : i1 to i32
      %sign3A_820 = arith.constant 0 : i32
      %sign3A_821 = arith.cmpi slt, %add3A_814, %sign3A_820 : i32
      %sign3A_822 = arith.extui %sign3A_821 : i1 to i32
      %sign3A_823 = arith.subi %sign3A_819, %sign3A_822 : i32
      %sign3A_824 = arith.constant 0 : i32
      %sign3A_825 = arith.cmpi sgt, %jit3A_815, %sign3A_824 : i32
      %sign3A_826 = arith.extui %sign3A_825 : i1 to i32
      %sign3A_827 = arith.constant 0 : i32
      %sign3A_828 = arith.cmpi slt, %jit3A_815, %sign3A_827 : i32
      %sign3A_829 = arith.extui %sign3A_828 : i1 to i32
      %sign3A_830 = arith.subi %sign3A_826, %sign3A_829 : i32
      %ne3A_831 = arith.cmpi ne, %sign3A_823, %sign3A_830 : i32
      %rem3A_832 = arith.remsi %add3A_814, %jit3A_815 : i32
      %ne3A_833 = arith.constant 0 : i32
      %ne3A_834 = arith.cmpi ne, %rem3A_832, %ne3A_833 : i32
      %and3A_835 = arith.andi %ne3A_831, %ne3A_834 : i1
      %sub3A_836 = arith.constant 1 : i32
      %sub3A_837 = arith.subi %div3A_816, %sub3A_836 : i32
      %select_n3A_838 = arith.select %and3A_835, %sub3A_837, %div3A_816 : i32
      %jit3A_839 = arith.constant 32 : i32
      %eq3A_840 = arith.constant 0 : i32
      %eq3A_841 = arith.cmpi eq, %jit3A_839, %eq3A_840 : i32
      %jit3A_842 = arith.constant 1 : i32
      %select_n3A_843 = arith.select %eq3A_841, %jit3A_842, %jit3A_839 : i32
      %rem3A_844 = arith.remsi %add3A_814, %select_n3A_843 : i32
      %ne3A_845 = arith.constant 0 : i32
      %ne3A_846 = arith.cmpi ne, %rem3A_844, %ne3A_845 : i32
      %lt3A_847 = arith.constant 0 : i32
      %lt3A_848 = arith.cmpi slt, %rem3A_844, %lt3A_847 : i32
      %lt3A_849 = arith.constant 0 : i32
      %lt3A_850 = arith.cmpi slt, %select_n3A_843, %lt3A_849 : i32
      %ne3A_851 = arith.xori %lt3A_848, %lt3A_850 : i1
      %and3A_852 = arith.andi %ne3A_851, %ne3A_846 : i1
      %add3A_853 = arith.addi %rem3A_844, %select_n3A_843 : i32
      %select_n3A_854 = arith.select %and3A_852, %add3A_853, %rem3A_844 : i32
      %dma_start3A_855 = arith.constant 1 : i32
      %dma_start3A_856 = arith.constant 0 : i32
      %dma_start3A_857 = arith.constant 0 : i32
      %dma_start3A_858 = arith.constant 0 : i32
      %dma_start3A_859 = tpu.memref_slice %arg8[%dma_start3A_856, %dma_start3A_857, %dma_start3A_858] : memref<8x8x129xf32, #tpu.memory_space<vmem>> -> memref<8x8x128xf32, #tpu.memory_space<vmem>>
      %dma_start3A_860 = arith.constant 0 : i32
      %dma_start3A_861 = arith.constant 0 : i32
      %dma_start3A_862 = arith.constant 0 : i32
      %dma_start3A_863 = tpu.memref_slice %arg4[%select_n3A_838, %dma_start3A_860, %select_n3A_854, %dma_start3A_861, %dma_start3A_862] : memref<200x8x32x8x128xf32, #tpu.memory_space<hbm>> -> memref<1x8x1x8x128xf32, #tpu.memory_space<hbm>>
      %dma_start3A_864 = tpu.memref_squeeze %dma_start3A_863 : memref<1x8x1x8x128xf32, #tpu.memory_space<hbm>> -> memref<8x8x128xf32, #tpu.memory_space<hbm>>
      %dma_start3A_865 = tpu.memref_slice %arg13[%dma_start3A_855] : memref<4x!tpu.dma_semaphore, #tpu.memory_space<semaphore_mem>> -> memref<1x!tpu.dma_semaphore, #tpu.memory_space<semaphore_mem>>
      %dma_start3A_866 = tpu.memref_squeeze %dma_start3A_865 : memref<1x!tpu.dma_semaphore, #tpu.memory_space<semaphore_mem>> -> memref<!tpu.dma_semaphore, #tpu.memory_space<semaphore_mem>>
      %dma_start3A_867 = arith.constant 0 : i32
      %dma_start3A_868 = arith.constant 0 : i32
      %dma_start3A_869 = arith.constant 0 : i32
      %dma_start3A_870 = tpu.memref_slice %arg4[%select_n3A_838, %dma_start3A_867, %select_n3A_854, %dma_start3A_868, %dma_start3A_869] : memref<200x8x32x8x128xf32, #tpu.memory_space<hbm>> -> memref<1x8x1x8x128xf32, #tpu.memory_space<hbm>>
      %dma_start3A_871 = tpu.memref_squeeze %dma_start3A_870 : memref<1x8x1x8x128xf32, #tpu.memory_space<hbm>> -> memref<8x8x128xf32, #tpu.memory_space<hbm>>
      %dma_start3A_872 = arith.constant 0 : i32
      %dma_start3A_873 = arith.constant 0 : i32
      %dma_start3A_874 = arith.constant 0 : i32
      %dma_start3A_875 = tpu.memref_slice %arg8[%dma_start3A_872, %dma_start3A_873, %dma_start3A_874] : memref<8x8x129xf32, #tpu.memory_space<vmem>> -> memref<8x8x128xf32, #tpu.memory_space<vmem>>
      tpu.enqueue_dma source(%dma_start3A_875 : memref<8x8x128xf32, #tpu.memory_space<vmem>>) target(%dma_start3A_871 : memref<8x8x128xf32, #tpu.memory_space<hbm>>) target_semaphore(%dma_start3A_866 : memref<!tpu.dma_semaphore, #tpu.memory_space<semaphore_mem>>)
      %lt3A_876 = arith.constant 49 : i32
      %lt3A_877 = arith.cmpi slt, %scan3A_685, %lt3A_876 : i32
      %convert_element_type3A_878 = arith.extui %lt3A_877 : i1 to i32
      %cond3A_879 = arith.constant 0 : i32
      %cond3A_880 = arith.cmpi ne, %convert_element_type3A_878, %cond3A_879 : i32
      scf.if %cond3A_880 {
        %dma_wait3A_1080 = arith.constant 0 : i32
        %dma_wait3A_1081 = arith.constant 1 : i32
        %dma_wait3A_1082 = arith.constant 1 : i32
        %dma_wait3A_1083 = arith.constant 0 : i32
        %dma_wait3A_1084 = tpu.memref_slice %arg5[%dma_wait3A_1081, %dma_wait3A_1083] : memref<4x128xi32, #tpu.memory_space<vmem>> -> memref<1x128xi32, #tpu.memory_space<vmem>>
        %dma_wait3A_1085 = tpu.memref_squeeze %dma_wait3A_1084 : memref<1x128xi32, #tpu.memory_space<vmem>> -> memref<128xi32, #tpu.memory_space<vmem>>
        %dma_wait3A_1086 = arith.constant 0 : i32
        %dma_wait3A_1087 = tpu.memref_slice %arg3[%dma_wait3A_1080, %dma_wait3A_1086] : memref<200x4096xi32, #tpu.memory_space<hbm>> -> memref<1x128xi32, #tpu.memory_space<hbm>>
        %dma_wait3A_1088 = tpu.memref_squeeze %dma_wait3A_1087 : memref<1x128xi32, #tpu.memory_space<hbm>> -> memref<128xi32, #tpu.memory_space<hbm>>
        %dma_wait3A_1089 = tpu.memref_slice %arg11[%dma_wait3A_1082] : memref<4x!tpu.dma_semaphore, #tpu.memory_space<semaphore_mem>> -> memref<1x!tpu.dma_semaphore, #tpu.memory_space<semaphore_mem>>
        %dma_wait3A_1090 = tpu.memref_squeeze %dma_wait3A_1089 : memref<1x!tpu.dma_semaphore, #tpu.memory_space<semaphore_mem>> -> memref<!tpu.dma_semaphore, #tpu.memory_space<semaphore_mem>>
        %dma_wait3A_1091 = arith.constant 0 : i32
        %dma_wait3A_1092 = tpu.memref_slice %arg5[%dma_wait3A_1081, %dma_wait3A_1091] : memref<4x128xi32, #tpu.memory_space<vmem>> -> memref<1x128xi32, #tpu.memory_space<vmem>>
        %dma_wait3A_1093 = tpu.memref_squeeze %dma_wait3A_1092 : memref<1x128xi32, #tpu.memory_space<vmem>> -> memref<128xi32, #tpu.memory_space<vmem>>
        %dma_wait3A_1094 = arith.constant 0 : i32
        %dma_wait3A_1095 = tpu.memref_slice %arg3[%dma_wait3A_1080, %dma_wait3A_1094] : memref<200x4096xi32, #tpu.memory_space<hbm>> -> memref<1x128xi32, #tpu.memory_space<hbm>>
        %dma_wait3A_1096 = tpu.memref_squeeze %dma_wait3A_1095 : memref<1x128xi32, #tpu.memory_space<hbm>> -> memref<128xi32, #tpu.memory_space<hbm>>
        tpu.wait_dma2 semaphore(%dma_wait3A_1090 : memref<!tpu.dma_semaphore, #tpu.memory_space<semaphore_mem>>) src(%dma_wait3A_1096 : memref<128xi32, #tpu.memory_space<hbm>>) dst(%dma_wait3A_1093 : memref<128xi32, #tpu.memory_space<vmem>>)
        %dma_start3A_1097 = arith.constant 1 : i32
        %dma_start3A_1098 = arith.constant 1 : i32
        %dma_start3A_1099 = arith.constant 1 : i32
        %dma_start3A_1100 = arith.constant 0 : i32
        %dma_start3A_1101 = arith.constant 0 : i32
        %dma_start3A_1102 = tpu.memref_slice %arg6[%dma_start3A_1098, %dma_start3A_1100, %dma_start3A_1101] : memref<4x128x64xf32, #tpu.memory_space<vmem>> -> memref<1x128x64xf32, #tpu.memory_space<vmem>>
        %dma_start3A_1103 = tpu.memref_squeeze %dma_start3A_1102 : memref<1x128x64xf32, #tpu.memory_space<vmem>> -> memref<128x64xf32, #tpu.memory_space<vmem>>
        %dma_start3A_1104 = arith.constant 0 : i32
        %dma_start3A_1105 = tpu.memref_slice %arg5[%dma_start3A_1097, %dma_start3A_1104] : memref<4x128xi32, #tpu.memory_space<vmem>> -> memref<1x128xi32, #tpu.memory_space<vmem>>
        %dma_start3A_1106 = tpu.memref_squeeze %dma_start3A_1105 : memref<1x128xi32, #tpu.memory_space<vmem>> -> memref<128xi32, #tpu.memory_space<vmem>>
        %dma_start3A_1107 = arith.constant 0 : i32
        %dma_start3A_1108 = arith.constant 0 : i32
        %dma_start3A_1109 = tpu.memref_slice %arg2[%dma_start3A_1107, %dma_start3A_1108] : memref<100000x64xf32, #tpu.memory_space<hbm>> -> memref<100000x64xf32, #tpu.memory_space<hbm>>
        %dma_start3A_1110 = tpu.memref_slice %arg12[%dma_start3A_1099] : memref<4x!tpu.dma_semaphore, #tpu.memory_space<semaphore_mem>> -> memref<1x!tpu.dma_semaphore, #tpu.memory_space<semaphore_mem>>
        %dma_start3A_1111 = tpu.memref_squeeze %dma_start3A_1110 : memref<1x!tpu.dma_semaphore, #tpu.memory_space<semaphore_mem>> -> memref<!tpu.dma_semaphore, #tpu.memory_space<semaphore_mem>>
        tpu.enqueue_indirect_dma source(%dma_start3A_1109 : memref<100000x64xf32, #tpu.memory_space<hbm>>) target(%dma_start3A_1103 : memref<128x64xf32, #tpu.memory_space<vmem>>) offsets(%dma_start3A_1106 : memref<128xi32, #tpu.memory_space<vmem>>) semaphore(%dma_start3A_1111 : memref<!tpu.dma_semaphore, #tpu.memory_space<semaphore_mem>>)
      } else {
      }
      %mul3A_881 = arith.constant 4 : i32
      %mul3A_882 = arith.muli %scan3A_685, %mul3A_881 : i32
      %add3A_883 = arith.constant 2 : i32
      %add3A_884 = arith.addi %mul3A_882, %add3A_883 : i32
      %dma_wait3A_885 = arith.constant 2 : i32
      %dma_wait3A_886 = arith.constant 2 : i32
      %dma_wait3A_887 = arith.constant 2 : i32
      %dma_wait3A_888 = arith.constant 0 : i32
      %dma_wait3A_889 = arith.constant 0 : i32
      %dma_wait3A_890 = tpu.memref_slice %arg6[%dma_wait3A_886, %dma_wait3A_888, %dma_wait3A_889] : memref<4x128x64xf32, #tpu.memory_space<vmem>> -> memref<1x128x64xf32, #tpu.memory_space<vmem>>
      %dma_wait3A_891 = tpu.memref_squeeze %dma_wait3A_890 : memref<1x128x64xf32, #tpu.memory_space<vmem>> -> memref<128x64xf32, #tpu.memory_space<vmem>>
      %dma_wait3A_892 = arith.constant 0 : i32
      %dma_wait3A_893 = tpu.memref_slice %arg5[%dma_wait3A_885, %dma_wait3A_892] : memref<4x128xi32, #tpu.memory_space<vmem>> -> memref<1x128xi32, #tpu.memory_space<vmem>>
      %dma_wait3A_894 = tpu.memref_squeeze %dma_wait3A_893 : memref<1x128xi32, #tpu.memory_space<vmem>> -> memref<128xi32, #tpu.memory_space<vmem>>
      %dma_wait3A_895 = arith.constant 0 : i32
      %dma_wait3A_896 = arith.constant 0 : i32
      %dma_wait3A_897 = tpu.memref_slice %arg2[%dma_wait3A_895, %dma_wait3A_896] : memref<100000x64xf32, #tpu.memory_space<hbm>> -> memref<100000x64xf32, #tpu.memory_space<hbm>>
      %dma_wait3A_898 = tpu.memref_slice %arg12[%dma_wait3A_887] : memref<4x!tpu.dma_semaphore, #tpu.memory_space<semaphore_mem>> -> memref<1x!tpu.dma_semaphore, #tpu.memory_space<semaphore_mem>>
      %dma_wait3A_899 = tpu.memref_squeeze %dma_wait3A_898 : memref<1x!tpu.dma_semaphore, #tpu.memory_space<semaphore_mem>> -> memref<!tpu.dma_semaphore, #tpu.memory_space<semaphore_mem>>
      tpu.wait_indirect_dma semaphore(%dma_wait3A_899 : memref<!tpu.dma_semaphore, #tpu.memory_space<semaphore_mem>>) src(%dma_wait3A_897 : memref<100000x64xf32, #tpu.memory_space<hbm>>) dst(%dma_wait3A_891 : memref<128x64xf32, #tpu.memory_space<vmem>>)
      %lt3A_900 = arith.constant 49 : i32
      %lt3A_901 = arith.cmpi slt, %scan3A_685, %lt3A_900 : i32
      %convert_element_type3A_902 = arith.extui %lt3A_901 : i1 to i32
      %cond3A_903 = arith.constant 0 : i32
      %cond3A_904 = arith.cmpi ne, %convert_element_type3A_902, %cond3A_903 : i32
      scf.if %cond3A_904 {
        %add3A_1080 = arith.constant 4 : i32
        %add3A_1081 = arith.addi %add3A_884, %add3A_1080 : i32
        %add3A_1082 = arith.addi %mul3A_2, %add3A_1081 : i32
        %jit3A_1083 = arith.constant 32 : i32
        %div3A_1084 = arith.divsi %add3A_1082, %jit3A_1083 : i32
        %sign3A_1085 = arith.constant 0 : i32
        %sign3A_1086 = arith.cmpi sgt, %add3A_1082, %sign3A_1085 : i32
        %sign3A_1087 = arith.extui %sign3A_1086 : i1 to i32
        %sign3A_1088 = arith.constant 0 : i32
        %sign3A_1089 = arith.cmpi slt, %add3A_1082, %sign3A_1088 : i32
        %sign3A_1090 = arith.extui %sign3A_1089 : i1 to i32
        %sign3A_1091 = arith.subi %sign3A_1087, %sign3A_1090 : i32
        %sign3A_1092 = arith.constant 0 : i32
        %sign3A_1093 = arith.cmpi sgt, %jit3A_1083, %sign3A_1092 : i32
        %sign3A_1094 = arith.extui %sign3A_1093 : i1 to i32
        %sign3A_1095 = arith.constant 0 : i32
        %sign3A_1096 = arith.cmpi slt, %jit3A_1083, %sign3A_1095 : i32
        %sign3A_1097 = arith.extui %sign3A_1096 : i1 to i32
        %sign3A_1098 = arith.subi %sign3A_1094, %sign3A_1097 : i32
        %ne3A_1099 = arith.cmpi ne, %sign3A_1091, %sign3A_1098 : i32
        %rem3A_1100 = arith.remsi %add3A_1082, %jit3A_1083 : i32
        %ne3A_1101 = arith.constant 0 : i32
        %ne3A_1102 = arith.cmpi ne, %rem3A_1100, %ne3A_1101 : i32
        %and3A_1103 = arith.andi %ne3A_1099, %ne3A_1102 : i1
        %sub3A_1104 = arith.constant 1 : i32
        %sub3A_1105 = arith.subi %div3A_1084, %sub3A_1104 : i32
        %select_n3A_1106 = arith.select %and3A_1103, %sub3A_1105, %div3A_1084 : i32
        %jit3A_1107 = arith.constant 32 : i32
        %eq3A_1108 = arith.constant 0 : i32
        %eq3A_1109 = arith.cmpi eq, %jit3A_1107, %eq3A_1108 : i32
        %jit3A_1110 = arith.constant 1 : i32
        %select_n3A_1111 = arith.select %eq3A_1109, %jit3A_1110, %jit3A_1107 : i32
        %rem3A_1112 = arith.remsi %add3A_1082, %select_n3A_1111 : i32
        %ne3A_1113 = arith.constant 0 : i32
        %ne3A_1114 = arith.cmpi ne, %rem3A_1112, %ne3A_1113 : i32
        %lt3A_1115 = arith.constant 0 : i32
        %lt3A_1116 = arith.cmpi slt, %rem3A_1112, %lt3A_1115 : i32
        %lt3A_1117 = arith.constant 0 : i32
        %lt3A_1118 = arith.cmpi slt, %select_n3A_1111, %lt3A_1117 : i32
        %ne3A_1119 = arith.xori %lt3A_1116, %lt3A_1118 : i1
        %and3A_1120 = arith.andi %ne3A_1119, %ne3A_1114 : i1
        %add3A_1121 = arith.addi %rem3A_1112, %select_n3A_1111 : i32
        %select_n3A_1122 = arith.select %and3A_1120, %add3A_1121, %rem3A_1112 : i32
        %mul3A_1123 = arith.constant 128 : i32
        %mul3A_1124 = arith.muli %select_n3A_1122, %mul3A_1123 : i32
        %dma_start3A_1125 = arith.constant 2 : i32
        %dma_start3A_1126 = arith.constant 2 : i32
        %dma_start3A_1127 = arith.constant 0 : i32
        %dma_start3A_1128 = tpu.memref_slice %arg5[%dma_start3A_1125, %dma_start3A_1127] : memref<4x128xi32, #tpu.memory_space<vmem>> -> memref<1x128xi32, #tpu.memory_space<vmem>>
        %dma_start3A_1129 = tpu.memref_squeeze %dma_start3A_1128 : memref<1x128xi32, #tpu.memory_space<vmem>> -> memref<128xi32, #tpu.memory_space<vmem>>
        %dma_start3A_1130 = tpu.memref_slice %arg3[%select_n3A_1106, %mul3A_1124] : memref<200x4096xi32, #tpu.memory_space<hbm>> -> memref<1x128xi32, #tpu.memory_space<hbm>>
        %dma_start3A_1131 = tpu.memref_squeeze %dma_start3A_1130 : memref<1x128xi32, #tpu.memory_space<hbm>> -> memref<128xi32, #tpu.memory_space<hbm>>
        %dma_start3A_1132 = tpu.memref_slice %arg11[%dma_start3A_1126] : memref<4x!tpu.dma_semaphore, #tpu.memory_space<semaphore_mem>> -> memref<1x!tpu.dma_semaphore, #tpu.memory_space<semaphore_mem>>
        %dma_start3A_1133 = tpu.memref_squeeze %dma_start3A_1132 : memref<1x!tpu.dma_semaphore, #tpu.memory_space<semaphore_mem>> -> memref<!tpu.dma_semaphore, #tpu.memory_space<semaphore_mem>>
        %dma_start3A_1134 = arith.constant 0 : i32
        %dma_start3A_1135 = tpu.memref_slice %arg5[%dma_start3A_1125, %dma_start3A_1134] : memref<4x128xi32, #tpu.memory_space<vmem>> -> memref<1x128xi32, #tpu.memory_space<vmem>>
        %dma_start3A_1136 = tpu.memref_squeeze %dma_start3A_1135 : memref<1x128xi32, #tpu.memory_space<vmem>> -> memref<128xi32, #tpu.memory_space<vmem>>
        %dma_start3A_1137 = tpu.memref_slice %arg3[%select_n3A_1106, %mul3A_1124] : memref<200x4096xi32, #tpu.memory_space<hbm>> -> memref<1x128xi32, #tpu.memory_space<hbm>>
        %dma_start3A_1138 = tpu.memref_squeeze %dma_start3A_1137 : memref<1x128xi32, #tpu.memory_space<hbm>> -> memref<128xi32, #tpu.memory_space<hbm>>
        tpu.enqueue_dma source(%dma_start3A_1138 : memref<128xi32, #tpu.memory_space<hbm>>) target(%dma_start3A_1136 : memref<128xi32, #tpu.memory_space<vmem>>) target_semaphore(%dma_start3A_1133 : memref<!tpu.dma_semaphore, #tpu.memory_space<semaphore_mem>>)
      } else {
      }
      %gt3A_905 = arith.constant 0 : i32
      %gt3A_906 = arith.cmpi sgt, %scan3A_685, %gt3A_905 : i32
      %convert_element_type3A_907 = arith.extui %gt3A_906 : i1 to i32
      %cond3A_908 = arith.constant 0 : i32
      %cond3A_909 = arith.cmpi ne, %convert_element_type3A_907, %cond3A_908 : i32
      scf.if %cond3A_909 {
        %dma_wait3A_1080 = arith.constant 0 : i32
        %dma_wait3A_1081 = arith.constant 0 : i32
        %dma_wait3A_1082 = arith.constant 2 : i32
        %dma_wait3A_1083 = arith.constant 0 : i32
        %dma_wait3A_1084 = arith.constant 0 : i32
        %dma_wait3A_1085 = arith.constant 0 : i32
        %dma_wait3A_1086 = tpu.memref_slice %arg9[%dma_wait3A_1083, %dma_wait3A_1084, %dma_wait3A_1085] : memref<8x8x129xf32, #tpu.memory_space<vmem>> -> memref<8x8x128xf32, #tpu.memory_space<vmem>>
        %dma_wait3A_1087 = arith.constant 0 : i32
        %dma_wait3A_1088 = arith.constant 0 : i32
        %dma_wait3A_1089 = arith.constant 0 : i32
        %dma_wait3A_1090 = tpu.memref_slice %arg4[%dma_wait3A_1080, %dma_wait3A_1087, %dma_wait3A_1081, %dma_wait3A_1088, %dma_wait3A_1089] : memref<200x8x32x8x128xf32, #tpu.memory_space<hbm>> -> memref<1x8x1x8x128xf32, #tpu.memory_space<hbm>>
        %dma_wait3A_1091 = tpu.memref_squeeze %dma_wait3A_1090 : memref<1x8x1x8x128xf32, #tpu.memory_space<hbm>> -> memref<8x8x128xf32, #tpu.memory_space<hbm>>
        %dma_wait3A_1092 = tpu.memref_slice %arg13[%dma_wait3A_1082] : memref<4x!tpu.dma_semaphore, #tpu.memory_space<semaphore_mem>> -> memref<1x!tpu.dma_semaphore, #tpu.memory_space<semaphore_mem>>
        %dma_wait3A_1093 = tpu.memref_squeeze %dma_wait3A_1092 : memref<1x!tpu.dma_semaphore, #tpu.memory_space<semaphore_mem>> -> memref<!tpu.dma_semaphore, #tpu.memory_space<semaphore_mem>>
        %dma_wait3A_1094 = arith.constant 0 : i32
        %dma_wait3A_1095 = arith.constant 0 : i32
        %dma_wait3A_1096 = arith.constant 0 : i32
        %dma_wait3A_1097 = tpu.memref_slice %arg4[%dma_wait3A_1080, %dma_wait3A_1094, %dma_wait3A_1081, %dma_wait3A_1095, %dma_wait3A_1096] : memref<200x8x32x8x128xf32, #tpu.memory_space<hbm>> -> memref<1x8x1x8x128xf32, #tpu.memory_space<hbm>>
        %dma_wait3A_1098 = tpu.memref_squeeze %dma_wait3A_1097 : memref<1x8x1x8x128xf32, #tpu.memory_space<hbm>> -> memref<8x8x128xf32, #tpu.memory_space<hbm>>
        %dma_wait3A_1099 = arith.constant 0 : i32
        %dma_wait3A_1100 = arith.constant 0 : i32
        %dma_wait3A_1101 = arith.constant 0 : i32
        %dma_wait3A_1102 = tpu.memref_slice %arg9[%dma_wait3A_1099, %dma_wait3A_1100, %dma_wait3A_1101] : memref<8x8x129xf32, #tpu.memory_space<vmem>> -> memref<8x8x128xf32, #tpu.memory_space<vmem>>
        tpu.wait_dma2 semaphore(%dma_wait3A_1093 : memref<!tpu.dma_semaphore, #tpu.memory_space<semaphore_mem>>) src(%dma_wait3A_1102 : memref<8x8x128xf32, #tpu.memory_space<vmem>>) dst(%dma_wait3A_1098 : memref<8x8x128xf32, #tpu.memory_space<hbm>>)
      } else {
      }
      %parallel_loop3A_910 = arith.constant 0 : i32
      %parallel_loop3A_911 = arith.constant 128 : i32
      %parallel_loop3A_912 = arith.constant 1 : i32
      scf.for %parallel_loop3A_1080 = %parallel_loop3A_910 to %parallel_loop3A_911 step %parallel_loop3A_912  : i32 {
        %parallel_loop3A_1081 = vector.broadcast %parallel_loop3A_1080 : i32 to vector<16xi32>
        %parallel_loop3A_1082 = arith.constant 2 : i32
        %parallel_loop3A_1083 = arith.index_cast %parallel_loop3A_1082 : i32 to index
        %parallel_loop3A_1084 = arith.index_cast %parallel_loop3A_1080 : i32 to index
        %parallel_loop3A_1085 = arith.constant 0 : index
        %parallel_loop3A_1086 = tpu.vector_load %arg6[%parallel_loop3A_1083, %parallel_loop3A_1084, %parallel_loop3A_1085] {strides = array<i32>} : memref<4x128x64xf32, #tpu.memory_space<vmem>>, vector<16xf32>,
        tpu.vector_store_idx %arg9[%select_n3A, %select_n3A_153, %parallel_loop3A_1081], %parallel_loop3A_1086 : memref<8x8x129xf32, #tpu.memory_space<vmem>>[vector<16xi32>, vector<16xi32>, vector<16xi32>], vector<16xf32>,
        %parallel_loop3A_1087 = arith.constant 2 : i32
        %parallel_loop3A_1088 = arith.index_cast %parallel_loop3A_1087 : i32 to index
        %parallel_loop3A_1089 = arith.index_cast %parallel_loop3A_1080 : i32 to index
        %parallel_loop3A_1090 = arith.constant 16 : index
        %parallel_loop3A_1091 = tpu.vector_load %arg6[%parallel_loop3A_1088, %parallel_loop3A_1089, %parallel_loop3A_1090] {strides = array<i32>} : memref<4x128x64xf32, #tpu.memory_space<vmem>>, vector<16xf32>,
        tpu.vector_store_idx %arg9[%select_n3A_62, %select_n3A_178, %parallel_loop3A_1081], %parallel_loop3A_1091 : memref<8x8x129xf32, #tpu.memory_space<vmem>>[vector<16xi32>, vector<16xi32>, vector<16xi32>], vector<16xf32>,
        %parallel_loop3A_1092 = arith.constant 2 : i32
        %parallel_loop3A_1093 = arith.index_cast %parallel_loop3A_1092 : i32 to index
        %parallel_loop3A_1094 = arith.index_cast %parallel_loop3A_1080 : i32 to index
        %parallel_loop3A_1095 = arith.constant 32 : index
        %parallel_loop3A_1096 = tpu.vector_load %arg6[%parallel_loop3A_1093, %parallel_loop3A_1094, %parallel_loop3A_1095] {strides = array<i32>} : memref<4x128x64xf32, #tpu.memory_space<vmem>>, vector<16xf32>,
        tpu.vector_store_idx %arg9[%select_n3A_96, %select_n3A_203, %parallel_loop3A_1081], %parallel_loop3A_1096 : memref<8x8x129xf32, #tpu.memory_space<vmem>>[vector<16xi32>, vector<16xi32>, vector<16xi32>], vector<16xf32>,
        %parallel_loop3A_1097 = arith.constant 2 : i32
        %parallel_loop3A_1098 = arith.index_cast %parallel_loop3A_1097 : i32 to index
        %parallel_loop3A_1099 = arith.index_cast %parallel_loop3A_1080 : i32 to index
        %parallel_loop3A_1100 = arith.constant 48 : index
        %parallel_loop3A_1101 = tpu.vector_load %arg6[%parallel_loop3A_1098, %parallel_loop3A_1099, %parallel_loop3A_1100] {strides = array<i32>} : memref<4x128x64xf32, #tpu.memory_space<vmem>>, vector<16xf32>,
        tpu.vector_store_idx %arg9[%select_n3A_130, %select_n3A_228, %parallel_loop3A_1081], %parallel_loop3A_1101 : memref<8x8x129xf32, #tpu.memory_space<vmem>>[vector<16xi32>, vector<16xi32>, vector<16xi32>], vector<16xf32>,
      } {sc.loop_unroll_factor = 8 : i64, sc.parallel_access}
      %add3A_913 = arith.addi %mul3A_2, %add3A_884 : i32
      %jit3A_914 = arith.constant 32 : i32
      %div3A_915 = arith.divsi %add3A_913, %jit3A_914 : i32
      %sign3A_916 = arith.constant 0 : i32
      %sign3A_917 = arith.cmpi sgt, %add3A_913, %sign3A_916 : i32
      %sign3A_918 = arith.extui %sign3A_917 : i1 to i32
      %sign3A_919 = arith.constant 0 : i32
      %sign3A_920 = arith.cmpi slt, %add3A_913, %sign3A_919 : i32
      %sign3A_921 = arith.extui %sign3A_920 : i1 to i32
      %sign3A_922 = arith.subi %sign3A_918, %sign3A_921 : i32
      %sign3A_923 = arith.constant 0 : i32
      %sign3A_924 = arith.cmpi sgt, %jit3A_914, %sign3A_923 : i32
      %sign3A_925 = arith.extui %sign3A_924 : i1 to i32
      %sign3A_926 = arith.constant 0 : i32
      %sign3A_927 = arith.cmpi slt, %jit3A_914, %sign3A_926 : i32
      %sign3A_928 = arith.extui %sign3A_927 : i1 to i32
      %sign3A_929 = arith.subi %sign3A_925, %sign3A_928 : i32
      %ne3A_930 = arith.cmpi ne, %sign3A_922, %sign3A_929 : i32
      %rem3A_931 = arith.remsi %add3A_913, %jit3A_914 : i32
      %ne3A_932 = arith.constant 0 : i32
      %ne3A_933 = arith.cmpi ne, %rem3A_931, %ne3A_932 : i32
      %and3A_934 = arith.andi %ne3A_930, %ne3A_933 : i1
      %sub3A_935 = arith.constant 1 : i32
      %sub3A_936 = arith.subi %div3A_915, %sub3A_935 : i32
      %select_n3A_937 = arith.select %and3A_934, %sub3A_936, %div3A_915 : i32
      %jit3A_938 = arith.constant 32 : i32
      %eq3A_939 = arith.constant 0 : i32
      %eq3A_940 = arith.cmpi eq, %jit3A_938, %eq3A_939 : i32
      %jit3A_941 = arith.constant 1 : i32
      %select_n3A_942 = arith.select %eq3A_940, %jit3A_941, %jit3A_938 : i32
      %rem3A_943 = arith.remsi %add3A_913, %select_n3A_942 : i32
      %ne3A_944 = arith.constant 0 : i32
      %ne3A_945 = arith.cmpi ne, %rem3A_943, %ne3A_944 : i32
      %lt3A_946 = arith.constant 0 : i32
      %lt3A_947 = arith.cmpi slt, %rem3A_943, %lt3A_946 : i32
      %lt3A_948 = arith.constant 0 : i32
      %lt3A_949 = arith.cmpi slt, %select_n3A_942, %lt3A_948 : i32
      %ne3A_950 = arith.xori %lt3A_947, %lt3A_949 : i1
      %and3A_951 = arith.andi %ne3A_950, %ne3A_945 : i1
      %add3A_952 = arith.addi %rem3A_943, %select_n3A_942 : i32
      %select_n3A_953 = arith.select %and3A_951, %add3A_952, %rem3A_943 : i32
      %dma_start3A_954 = arith.constant 2 : i32
      %dma_start3A_955 = arith.constant 0 : i32
      %dma_start3A_956 = arith.constant 0 : i32
      %dma_start3A_957 = arith.constant 0 : i32
      %dma_start3A_958 = tpu.memref_slice %arg9[%dma_start3A_955, %dma_start3A_956, %dma_start3A_957] : memref<8x8x129xf32, #tpu.memory_space<vmem>> -> memref<8x8x128xf32, #tpu.memory_space<vmem>>
      %dma_start3A_959 = arith.constant 0 : i32
      %dma_start3A_960 = arith.constant 0 : i32
      %dma_start3A_961 = arith.constant 0 : i32
      %dma_start3A_962 = tpu.memref_slice %arg4[%select_n3A_937, %dma_start3A_959, %select_n3A_953, %dma_start3A_960, %dma_start3A_961] : memref<200x8x32x8x128xf32, #tpu.memory_space<hbm>> -> memref<1x8x1x8x128xf32, #tpu.memory_space<hbm>>
      %dma_start3A_963 = tpu.memref_squeeze %dma_start3A_962 : memref<1x8x1x8x128xf32, #tpu.memory_space<hbm>> -> memref<8x8x128xf32, #tpu.memory_space<hbm>>
      %dma_start3A_964 = tpu.memref_slice %arg13[%dma_start3A_954] : memref<4x!tpu.dma_semaphore, #tpu.memory_space<semaphore_mem>> -> memref<1x!tpu.dma_semaphore, #tpu.memory_space<semaphore_mem>>
      %dma_start3A_965 = tpu.memref_squeeze %dma_start3A_964 : memref<1x!tpu.dma_semaphore, #tpu.memory_space<semaphore_mem>> -> memref<!tpu.dma_semaphore, #tpu.memory_space<semaphore_mem>>
      %dma_start3A_966 = arith.constant 0 : i32
      %dma_start3A_967 = arith.constant 0 : i32
      %dma_start3A_968 = arith.constant 0 : i32
      %dma_start3A_969 = tpu.memref_slice %arg4[%select_n3A_937, %dma_start3A_966, %select_n3A_953, %dma_start3A_967, %dma_start3A_968] : memref<200x8x32x8x128xf32, #tpu.memory_space<hbm>> -> memref<1x8x1x8x128xf32, #tpu.memory_space<hbm>>
      %dma_start3A_970 = tpu.memref_squeeze %dma_start3A_969 : memref<1x8x1x8x128xf32, #tpu.memory_space<hbm>> -> memref<8x8x128xf32, #tpu.memory_space<hbm>>
      %dma_start3A_971 = arith.constant 0 : i32
      %dma_start3A_972 = arith.constant 0 : i32
      %dma_start3A_973 = arith.constant 0 : i32
      %dma_start3A_974 = tpu.memref_slice %arg9[%dma_start3A_971, %dma_start3A_972, %dma_start3A_973] : memref<8x8x129xf32, #tpu.memory_space<vmem>> -> memref<8x8x128xf32, #tpu.memory_space<vmem>>
      tpu.enqueue_dma source(%dma_start3A_974 : memref<8x8x128xf32, #tpu.memory_space<vmem>>) target(%dma_start3A_970 : memref<8x8x128xf32, #tpu.memory_space<hbm>>) target_semaphore(%dma_start3A_965 : memref<!tpu.dma_semaphore, #tpu.memory_space<semaphore_mem>>)
      %lt3A_975 = arith.constant 49 : i32
      %lt3A_976 = arith.cmpi slt, %scan3A_685, %lt3A_975 : i32
      %convert_element_type3A_977 = arith.extui %lt3A_976 : i1 to i32
      %cond3A_978 = arith.constant 0 : i32
      %cond3A_979 = arith.cmpi ne, %convert_element_type3A_977, %cond3A_978 : i32
      scf.if %cond3A_979 {
        %dma_wait3A_1080 = arith.constant 0 : i32
        %dma_wait3A_1081 = arith.constant 2 : i32
        %dma_wait3A_1082 = arith.constant 2 : i32
        %dma_wait3A_1083 = arith.constant 0 : i32
        %dma_wait3A_1084 = tpu.memref_slice %arg5[%dma_wait3A_1081, %dma_wait3A_1083] : memref<4x128xi32, #tpu.memory_space<vmem>> -> memref<1x128xi32, #tpu.memory_space<vmem>>
        %dma_wait3A_1085 = tpu.memref_squeeze %dma_wait3A_1084 : memref<1x128xi32, #tpu.memory_space<vmem>> -> memref<128xi32, #tpu.memory_space<vmem>>
        %dma_wait3A_1086 = arith.constant 0 : i32
        %dma_wait3A_1087 = tpu.memref_slice %arg3[%dma_wait3A_1080, %dma_wait3A_1086] : memref<200x4096xi32, #tpu.memory_space<hbm>> -> memref<1x128xi32, #tpu.memory_space<hbm>>
        %dma_wait3A_1088 = tpu.memref_squeeze %dma_wait3A_1087 : memref<1x128xi32, #tpu.memory_space<hbm>> -> memref<128xi32, #tpu.memory_space<hbm>>
        %dma_wait3A_1089 = tpu.memref_slice %arg11[%dma_wait3A_1082] : memref<4x!tpu.dma_semaphore, #tpu.memory_space<semaphore_mem>> -> memref<1x!tpu.dma_semaphore, #tpu.memory_space<semaphore_mem>>
        %dma_wait3A_1090 = tpu.memref_squeeze %dma_wait3A_1089 : memref<1x!tpu.dma_semaphore, #tpu.memory_space<semaphore_mem>> -> memref<!tpu.dma_semaphore, #tpu.memory_space<semaphore_mem>>
        %dma_wait3A_1091 = arith.constant 0 : i32
        %dma_wait3A_1092 = tpu.memref_slice %arg5[%dma_wait3A_1081, %dma_wait3A_1091] : memref<4x128xi32, #tpu.memory_space<vmem>> -> memref<1x128xi32, #tpu.memory_space<vmem>>
        %dma_wait3A_1093 = tpu.memref_squeeze %dma_wait3A_1092 : memref<1x128xi32, #tpu.memory_space<vmem>> -> memref<128xi32, #tpu.memory_space<vmem>>
        %dma_wait3A_1094 = arith.constant 0 : i32
        %dma_wait3A_1095 = tpu.memref_slice %arg3[%dma_wait3A_1080, %dma_wait3A_1094] : memref<200x4096xi32, #tpu.memory_space<hbm>> -> memref<1x128xi32, #tpu.memory_space<hbm>>
        %dma_wait3A_1096 = tpu.memref_squeeze %dma_wait3A_1095 : memref<1x128xi32, #tpu.memory_space<hbm>> -> memref<128xi32, #tpu.memory_space<hbm>>
        tpu.wait_dma2 semaphore(%dma_wait3A_1090 : memref<!tpu.dma_semaphore, #tpu.memory_space<semaphore_mem>>) src(%dma_wait3A_1096 : memref<128xi32, #tpu.memory_space<hbm>>) dst(%dma_wait3A_1093 : memref<128xi32, #tpu.memory_space<vmem>>)
        %dma_start3A_1097 = arith.constant 2 : i32
        %dma_start3A_1098 = arith.constant 2 : i32
        %dma_start3A_1099 = arith.constant 2 : i32
        %dma_start3A_1100 = arith.constant 0 : i32
        %dma_start3A_1101 = arith.constant 0 : i32
        %dma_start3A_1102 = tpu.memref_slice %arg6[%dma_start3A_1098, %dma_start3A_1100, %dma_start3A_1101] : memref<4x128x64xf32, #tpu.memory_space<vmem>> -> memref<1x128x64xf32, #tpu.memory_space<vmem>>
        %dma_start3A_1103 = tpu.memref_squeeze %dma_start3A_1102 : memref<1x128x64xf32, #tpu.memory_space<vmem>> -> memref<128x64xf32, #tpu.memory_space<vmem>>
        %dma_start3A_1104 = arith.constant 0 : i32
        %dma_start3A_1105 = tpu.memref_slice %arg5[%dma_start3A_1097, %dma_start3A_1104] : memref<4x128xi32, #tpu.memory_space<vmem>> -> memref<1x128xi32, #tpu.memory_space<vmem>>
        %dma_start3A_1106 = tpu.memref_squeeze %dma_start3A_1105 : memref<1x128xi32, #tpu.memory_space<vmem>> -> memref<128xi32, #tpu.memory_space<vmem>>
        %dma_start3A_1107 = arith.constant 0 : i32
        %dma_start3A_1108 = arith.constant 0 : i32
        %dma_start3A_1109 = tpu.memref_slice %arg2[%dma_start3A_1107, %dma_start3A_1108] : memref<100000x64xf32, #tpu.memory_space<hbm>> -> memref<100000x64xf32, #tpu.memory_space<hbm>>
        %dma_start3A_1110 = tpu.memref_slice %arg12[%dma_start3A_1099] : memref<4x!tpu.dma_semaphore, #tpu.memory_space<semaphore_mem>> -> memref<1x!tpu.dma_semaphore, #tpu.memory_space<semaphore_mem>>
        %dma_start3A_1111 = tpu.memref_squeeze %dma_start3A_1110 : memref<1x!tpu.dma_semaphore, #tpu.memory_space<semaphore_mem>> -> memref<!tpu.dma_semaphore, #tpu.memory_space<semaphore_mem>>
        tpu.enqueue_indirect_dma source(%dma_start3A_1109 : memref<100000x64xf32, #tpu.memory_space<hbm>>) target(%dma_start3A_1103 : memref<128x64xf32, #tpu.memory_space<vmem>>) offsets(%dma_start3A_1106 : memref<128xi32, #tpu.memory_space<vmem>>) semaphore(%dma_start3A_1111 : memref<!tpu.dma_semaphore, #tpu.memory_space<semaphore_mem>>)
      } else {
      }
      %mul3A_980 = arith.constant 4 : i32
      %mul3A_981 = arith.muli %scan3A_685, %mul3A_980 : i32
      %add3A_982 = arith.constant 3 : i32
      %add3A_983 = arith.addi %mul3A_981, %add3A_982 : i32
      %dma_wait3A_984 = arith.constant 3 : i32
      %dma_wait3A_985 = arith.constant 3 : i32
      %dma_wait3A_986 = arith.constant 3 : i32
      %dma_wait3A_987 = arith.constant 0 : i32
      %dma_wait3A_988 = arith.constant 0 : i32
      %dma_wait3A_989 = tpu.memref_slice %arg6[%dma_wait3A_985, %dma_wait3A_987, %dma_wait3A_988] : memref<4x128x64xf32, #tpu.memory_space<vmem>> -> memref<1x128x64xf32, #tpu.memory_space<vmem>>
      %dma_wait3A_990 = tpu.memref_squeeze %dma_wait3A_989 : memref<1x128x64xf32, #tpu.memory_space<vmem>> -> memref<128x64xf32, #tpu.memory_space<vmem>>
      %dma_wait3A_991 = arith.constant 0 : i32
      %dma_wait3A_992 = tpu.memref_slice %arg5[%dma_wait3A_984, %dma_wait3A_991] : memref<4x128xi32, #tpu.memory_space<vmem>> -> memref<1x128xi32, #tpu.memory_space<vmem>>
      %dma_wait3A_993 = tpu.memref_squeeze %dma_wait3A_992 : memref<1x128xi32, #tpu.memory_space<vmem>> -> memref<128xi32, #tpu.memory_space<vmem>>
      %dma_wait3A_994 = arith.constant 0 : i32
      %dma_wait3A_995 = arith.constant 0 : i32
      %dma_wait3A_996 = tpu.memref_slice %arg2[%dma_wait3A_994, %dma_wait3A_995] : memref<100000x64xf32, #tpu.memory_space<hbm>> -> memref<100000x64xf32, #tpu.memory_space<hbm>>
      %dma_wait3A_997 = tpu.memref_slice %arg12[%dma_wait3A_986] : memref<4x!tpu.dma_semaphore, #tpu.memory_space<semaphore_mem>> -> memref<1x!tpu.dma_semaphore, #tpu.memory_space<semaphore_mem>>
      %dma_wait3A_998 = tpu.memref_squeeze %dma_wait3A_997 : memref<1x!tpu.dma_semaphore, #tpu.memory_space<semaphore_mem>> -> memref<!tpu.dma_semaphore, #tpu.memory_space<semaphore_mem>>
      tpu.wait_indirect_dma semaphore(%dma_wait3A_998 : memref<!tpu.dma_semaphore, #tpu.memory_space<semaphore_mem>>) src(%dma_wait3A_996 : memref<100000x64xf32, #tpu.memory_space<hbm>>) dst(%dma_wait3A_990 : memref<128x64xf32, #tpu.memory_space<vmem>>)
      %lt3A_999 = arith.constant 49 : i32
      %lt3A_1000 = arith.cmpi slt, %scan3A_685, %lt3A_999 : i32
      %convert_element_type3A_1001 = arith.extui %lt3A_1000 : i1 to i32
      %cond3A_1002 = arith.constant 0 : i32
      %cond3A_1003 = arith.cmpi ne, %convert_element_type3A_1001, %cond3A_1002 : i32
      scf.if %cond3A_1003 {
        %add3A_1080 = arith.constant 4 : i32
        %add3A_1081 = arith.addi %add3A_983, %add3A_1080 : i32
        %add3A_1082 = arith.addi %mul3A_2, %add3A_1081 : i32
        %jit3A_1083 = arith.constant 32 : i32
        %div3A_1084 = arith.divsi %add3A_1082, %jit3A_1083 : i32
        %sign3A_1085 = arith.constant 0 : i32
        %sign3A_1086 = arith.cmpi sgt, %add3A_1082, %sign3A_1085 : i32
        %sign3A_1087 = arith.extui %sign3A_1086 : i1 to i32
        %sign3A_1088 = arith.constant 0 : i32
        %sign3A_1089 = arith.cmpi slt, %add3A_1082, %sign3A_1088 : i32
        %sign3A_1090 = arith.extui %sign3A_1089 : i1 to i32
        %sign3A_1091 = arith.subi %sign3A_1087, %sign3A_1090 : i32
        %sign3A_1092 = arith.constant 0 : i32
        %sign3A_1093 = arith.cmpi sgt, %jit3A_1083, %sign3A_1092 : i32
        %sign3A_1094 = arith.extui %sign3A_1093 : i1 to i32
        %sign3A_1095 = arith.constant 0 : i32
        %sign3A_1096 = arith.cmpi slt, %jit3A_1083, %sign3A_1095 : i32
        %sign3A_1097 = arith.extui %sign3A_1096 : i1 to i32
        %sign3A_1098 = arith.subi %sign3A_1094, %sign3A_1097 : i32
        %ne3A_1099 = arith.cmpi ne, %sign3A_1091, %sign3A_1098 : i32
        %rem3A_1100 = arith.remsi %add3A_1082, %jit3A_1083 : i32
        %ne3A_1101 = arith.constant 0 : i32
        %ne3A_1102 = arith.cmpi ne, %rem3A_1100, %ne3A_1101 : i32
        %and3A_1103 = arith.andi %ne3A_1099, %ne3A_1102 : i1
        %sub3A_1104 = arith.constant 1 : i32
        %sub3A_1105 = arith.subi %div3A_1084, %sub3A_1104 : i32
        %select_n3A_1106 = arith.select %and3A_1103, %sub3A_1105, %div3A_1084 : i32
        %jit3A_1107 = arith.constant 32 : i32
        %eq3A_1108 = arith.constant 0 : i32
        %eq3A_1109 = arith.cmpi eq, %jit3A_1107, %eq3A_1108 : i32
        %jit3A_1110 = arith.constant 1 : i32
        %select_n3A_1111 = arith.select %eq3A_1109, %jit3A_1110, %jit3A_1107 : i32
        %rem3A_1112 = arith.remsi %add3A_1082, %select_n3A_1111 : i32
        %ne3A_1113 = arith.constant 0 : i32
        %ne3A_1114 = arith.cmpi ne, %rem3A_1112, %ne3A_1113 : i32
        %lt3A_1115 = arith.constant 0 : i32
        %lt3A_1116 = arith.cmpi slt, %rem3A_1112, %lt3A_1115 : i32
        %lt3A_1117 = arith.constant 0 : i32
        %lt3A_1118 = arith.cmpi slt, %select_n3A_1111, %lt3A_1117 : i32
        %ne3A_1119 = arith.xori %lt3A_1116, %lt3A_1118 : i1
        %and3A_1120 = arith.andi %ne3A_1119, %ne3A_1114 : i1
        %add3A_1121 = arith.addi %rem3A_1112, %select_n3A_1111 : i32
        %select_n3A_1122 = arith.select %and3A_1120, %add3A_1121, %rem3A_1112 : i32
        %mul3A_1123 = arith.constant 128 : i32
        %mul3A_1124 = arith.muli %select_n3A_1122, %mul3A_1123 : i32
        %dma_start3A_1125 = arith.constant 3 : i32
        %dma_start3A_1126 = arith.constant 3 : i32
        %dma_start3A_1127 = arith.constant 0 : i32
        %dma_start3A_1128 = tpu.memref_slice %arg5[%dma_start3A_1125, %dma_start3A_1127] : memref<4x128xi32, #tpu.memory_space<vmem>> -> memref<1x128xi32, #tpu.memory_space<vmem>>
        %dma_start3A_1129 = tpu.memref_squeeze %dma_start3A_1128 : memref<1x128xi32, #tpu.memory_space<vmem>> -> memref<128xi32, #tpu.memory_space<vmem>>
        %dma_start3A_1130 = tpu.memref_slice %arg3[%select_n3A_1106, %mul3A_1124] : memref<200x4096xi32, #tpu.memory_space<hbm>> -> memref<1x128xi32, #tpu.memory_space<hbm>>
        %dma_start3A_1131 = tpu.memref_squeeze %dma_start3A_1130 : memref<1x128xi32, #tpu.memory_space<hbm>> -> memref<128xi32, #tpu.memory_space<hbm>>
        %dma_start3A_1132 = tpu.memref_slice %arg11[%dma_start3A_1126] : memref<4x!tpu.dma_semaphore, #tpu.memory_space<semaphore_mem>> -> memref<1x!tpu.dma_semaphore, #tpu.memory_space<semaphore_mem>>
        %dma_start3A_1133 = tpu.memref_squeeze %dma_start3A_1132 : memref<1x!tpu.dma_semaphore, #tpu.memory_space<semaphore_mem>> -> memref<!tpu.dma_semaphore, #tpu.memory_space<semaphore_mem>>
        %dma_start3A_1134 = arith.constant 0 : i32
        %dma_start3A_1135 = tpu.memref_slice %arg5[%dma_start3A_1125, %dma_start3A_1134] : memref<4x128xi32, #tpu.memory_space<vmem>> -> memref<1x128xi32, #tpu.memory_space<vmem>>
        %dma_start3A_1136 = tpu.memref_squeeze %dma_start3A_1135 : memref<1x128xi32, #tpu.memory_space<vmem>> -> memref<128xi32, #tpu.memory_space<vmem>>
        %dma_start3A_1137 = tpu.memref_slice %arg3[%select_n3A_1106, %mul3A_1124] : memref<200x4096xi32, #tpu.memory_space<hbm>> -> memref<1x128xi32, #tpu.memory_space<hbm>>
        %dma_start3A_1138 = tpu.memref_squeeze %dma_start3A_1137 : memref<1x128xi32, #tpu.memory_space<hbm>> -> memref<128xi32, #tpu.memory_space<hbm>>
        tpu.enqueue_dma source(%dma_start3A_1138 : memref<128xi32, #tpu.memory_space<hbm>>) target(%dma_start3A_1136 : memref<128xi32, #tpu.memory_space<vmem>>) target_semaphore(%dma_start3A_1133 : memref<!tpu.dma_semaphore, #tpu.memory_space<semaphore_mem>>)
      } else {
      }
      %gt3A_1004 = arith.constant 0 : i32
      %gt3A_1005 = arith.cmpi sgt, %scan3A_685, %gt3A_1004 : i32
      %convert_element_type3A_1006 = arith.extui %gt3A_1005 : i1 to i32
      %cond3A_1007 = arith.constant 0 : i32
      %cond3A_1008 = arith.cmpi ne, %convert_element_type3A_1006, %cond3A_1007 : i32
      scf.if %cond3A_1008 {
        %dma_wait3A_1080 = arith.constant 0 : i32
        %dma_wait3A_1081 = arith.constant 0 : i32
        %dma_wait3A_1082 = arith.constant 3 : i32
        %dma_wait3A_1083 = arith.constant 0 : i32
        %dma_wait3A_1084 = arith.constant 0 : i32
        %dma_wait3A_1085 = arith.constant 0 : i32
        %dma_wait3A_1086 = tpu.memref_slice %arg10[%dma_wait3A_1083, %dma_wait3A_1084, %dma_wait3A_1085] : memref<8x8x129xf32, #tpu.memory_space<vmem>> -> memref<8x8x128xf32, #tpu.memory_space<vmem>>
        %dma_wait3A_1087 = arith.constant 0 : i32
        %dma_wait3A_1088 = arith.constant 0 : i32
        %dma_wait3A_1089 = arith.constant 0 : i32
        %dma_wait3A_1090 = tpu.memref_slice %arg4[%dma_wait3A_1080, %dma_wait3A_1087, %dma_wait3A_1081, %dma_wait3A_1088, %dma_wait3A_1089] : memref<200x8x32x8x128xf32, #tpu.memory_space<hbm>> -> memref<1x8x1x8x128xf32, #tpu.memory_space<hbm>>
        %dma_wait3A_1091 = tpu.memref_squeeze %dma_wait3A_1090 : memref<1x8x1x8x128xf32, #tpu.memory_space<hbm>> -> memref<8x8x128xf32, #tpu.memory_space<hbm>>
        %dma_wait3A_1092 = tpu.memref_slice %arg13[%dma_wait3A_1082] : memref<4x!tpu.dma_semaphore, #tpu.memory_space<semaphore_mem>> -> memref<1x!tpu.dma_semaphore, #tpu.memory_space<semaphore_mem>>
        %dma_wait3A_1093 = tpu.memref_squeeze %dma_wait3A_1092 : memref<1x!tpu.dma_semaphore, #tpu.memory_space<semaphore_mem>> -> memref<!tpu.dma_semaphore, #tpu.memory_space<semaphore_mem>>
        %dma_wait3A_1094 = arith.constant 0 : i32
        %dma_wait3A_1095 = arith.constant 0 : i32
        %dma_wait3A_1096 = arith.constant 0 : i32
        %dma_wait3A_1097 = tpu.memref_slice %arg4[%dma_wait3A_1080, %dma_wait3A_1094, %dma_wait3A_1081, %dma_wait3A_1095, %dma_wait3A_1096] : memref<200x8x32x8x128xf32, #tpu.memory_space<hbm>> -> memref<1x8x1x8x128xf32, #tpu.memory_space<hbm>>
        %dma_wait3A_1098 = tpu.memref_squeeze %dma_wait3A_1097 : memref<1x8x1x8x128xf32, #tpu.memory_space<hbm>> -> memref<8x8x128xf32, #tpu.memory_space<hbm>>
        %dma_wait3A_1099 = arith.constant 0 : i32
        %dma_wait3A_1100 = arith.constant 0 : i32
        %dma_wait3A_1101 = arith.constant 0 : i32
        %dma_wait3A_1102 = tpu.memref_slice %arg10[%dma_wait3A_1099, %dma_wait3A_1100, %dma_wait3A_1101] : memref<8x8x129xf32, #tpu.memory_space<vmem>> -> memref<8x8x128xf32, #tpu.memory_space<vmem>>
        tpu.wait_dma2 semaphore(%dma_wait3A_1093 : memref<!tpu.dma_semaphore, #tpu.memory_space<semaphore_mem>>) src(%dma_wait3A_1102 : memref<8x8x128xf32, #tpu.memory_space<vmem>>) dst(%dma_wait3A_1098 : memref<8x8x128xf32, #tpu.memory_space<hbm>>)
      } else {
      }
      %parallel_loop3A_1009 = arith.constant 0 : i32
      %parallel_loop3A_1010 = arith.constant 128 : i32
      %parallel_loop3A_1011 = arith.constant 1 : i32
      scf.for %parallel_loop3A_1080 = %parallel_loop3A_1009 to %parallel_loop3A_1010 step %parallel_loop3A_1011  : i32 {
        %parallel_loop3A_1081 = vector.broadcast %parallel_loop3A_1080 : i32 to vector<16xi32>
        %parallel_loop3A_1082 = arith.constant 3 : i32
        %parallel_loop3A_1083 = arith.index_cast %parallel_loop3A_1082 : i32 to index
        %parallel_loop3A_1084 = arith.index_cast %parallel_loop3A_1080 : i32 to index
        %parallel_loop3A_1085 = arith.constant 0 : index
        %parallel_loop3A_1086 = tpu.vector_load %arg6[%parallel_loop3A_1083, %parallel_loop3A_1084, %parallel_loop3A_1085] {strides = array<i32>} : memref<4x128x64xf32, #tpu.memory_space<vmem>>, vector<16xf32>,
        tpu.vector_store_idx %arg10[%select_n3A, %select_n3A_153, %parallel_loop3A_1081], %parallel_loop3A_1086 : memref<8x8x129xf32, #tpu.memory_space<vmem>>[vector<16xi32>, vector<16xi32>, vector<16xi32>], vector<16xf32>,
        %parallel_loop3A_1087 = arith.constant 3 : i32
        %parallel_loop3A_1088 = arith.index_cast %parallel_loop3A_1087 : i32 to index
        %parallel_loop3A_1089 = arith.index_cast %parallel_loop3A_1080 : i32 to index
        %parallel_loop3A_1090 = arith.constant 16 : index
        %parallel_loop3A_1091 = tpu.vector_load %arg6[%parallel_loop3A_1088, %parallel_loop3A_1089, %parallel_loop3A_1090] {strides = array<i32>} : memref<4x128x64xf32, #tpu.memory_space<vmem>>, vector<16xf32>,
        tpu.vector_store_idx %arg10[%select_n3A_62, %select_n3A_178, %parallel_loop3A_1081], %parallel_loop3A_1091 : memref<8x8x129xf32, #tpu.memory_space<vmem>>[vector<16xi32>, vector<16xi32>, vector<16xi32>], vector<16xf32>,
        %parallel_loop3A_1092 = arith.constant 3 : i32
        %parallel_loop3A_1093 = arith.index_cast %parallel_loop3A_1092 : i32 to index
        %parallel_loop3A_1094 = arith.index_cast %parallel_loop3A_1080 : i32 to index
        %parallel_loop3A_1095 = arith.constant 32 : index
        %parallel_loop3A_1096 = tpu.vector_load %arg6[%parallel_loop3A_1093, %parallel_loop3A_1094, %parallel_loop3A_1095] {strides = array<i32>} : memref<4x128x64xf32, #tpu.memory_space<vmem>>, vector<16xf32>,
        tpu.vector_store_idx %arg10[%select_n3A_96, %select_n3A_203, %parallel_loop3A_1081], %parallel_loop3A_1096 : memref<8x8x129xf32, #tpu.memory_space<vmem>>[vector<16xi32>, vector<16xi32>, vector<16xi32>], vector<16xf32>,
        %parallel_loop3A_1097 = arith.constant 3 : i32
        %parallel_loop3A_1098 = arith.index_cast %parallel_loop3A_1097 : i32 to index
        %parallel_loop3A_1099 = arith.index_cast %parallel_loop3A_1080 : i32 to index
        %parallel_loop3A_1100 = arith.constant 48 : index
        %parallel_loop3A_1101 = tpu.vector_load %arg6[%parallel_loop3A_1098, %parallel_loop3A_1099, %parallel_loop3A_1100] {strides = array<i32>} : memref<4x128x64xf32, #tpu.memory_space<vmem>>, vector<16xf32>,
        tpu.vector_store_idx %arg10[%select_n3A_130, %select_n3A_228, %parallel_loop3A_1081], %parallel_loop3A_1101 : memref<8x8x129xf32, #tpu.memory_space<vmem>>[vector<16xi32>, vector<16xi32>, vector<16xi32>], vector<16xf32>,
      } {sc.loop_unroll_factor = 8 : i64, sc.parallel_access}
      %add3A_1012 = arith.addi %mul3A_2, %add3A_983 : i32
      %jit3A_1013 = arith.constant 32 : i32
      %div3A_1014 = arith.divsi %add3A_1012, %jit3A_1013 : i32
      %sign3A_1015 = arith.constant 0 : i32
      %sign3A_1016 = arith.cmpi sgt, %add3A_1012, %sign3A_1015 : i32
      %sign3A_1017 = arith.extui %sign3A_1016 : i1 to i32
      %sign3A_1018 = arith.constant 0 : i32
      %sign3A_1019 = arith.cmpi slt, %add3A_1012, %sign3A_1018 : i32
      %sign3A_1020 = arith.extui %sign3A_1019 : i1 to i32
      %sign3A_1021 = arith.subi %sign3A_1017, %sign3A_1020 : i32
      %sign3A_1022 = arith.constant 0 : i32
      %sign3A_1023 = arith.cmpi sgt, %jit3A_1013, %sign3A_1022 : i32
      %sign3A_1024 = arith.extui %sign3A_1023 : i1 to i32
      %sign3A_1025 = arith.constant 0 : i32
      %sign3A_1026 = arith.cmpi slt, %jit3A_1013, %sign3A_1025 : i32
      %sign3A_1027 = arith.extui %sign3A_1026 : i1 to i32
      %sign3A_1028 = arith.subi %sign3A_1024, %sign3A_1027 : i32
      %ne3A_1029 = arith.cmpi ne, %sign3A_1021, %sign3A_1028 : i32
      %rem3A_1030 = arith.remsi %add3A_1012, %jit3A_1013 : i32
      %ne3A_1031 = arith.constant 0 : i32
      %ne3A_1032 = arith.cmpi ne, %rem3A_1030, %ne3A_1031 : i32
      %and3A_1033 = arith.andi %ne3A_1029, %ne3A_1032 : i1
      %sub3A_1034 = arith.constant 1 : i32
      %sub3A_1035 = arith.subi %div3A_1014, %sub3A_1034 : i32
      %select_n3A_1036 = arith.select %and3A_1033, %sub3A_1035, %div3A_1014 : i32
      %jit3A_1037 = arith.constant 32 : i32
      %eq3A_1038 = arith.constant 0 : i32
      %eq3A_1039 = arith.cmpi eq, %jit3A_1037, %eq3A_1038 : i32
      %jit3A_1040 = arith.constant 1 : i32
      %select_n3A_1041 = arith.select %eq3A_1039, %jit3A_1040, %jit3A_1037 : i32
      %rem3A_1042 = arith.remsi %add3A_1012, %select_n3A_1041 : i32
      %ne3A_1043 = arith.constant 0 : i32
      %ne3A_1044 = arith.cmpi ne, %rem3A_1042, %ne3A_1043 : i32
      %lt3A_1045 = arith.constant 0 : i32
      %lt3A_1046 = arith.cmpi slt, %rem3A_1042, %lt3A_1045 : i32
      %lt3A_1047 = arith.constant 0 : i32
      %lt3A_1048 = arith.cmpi slt, %select_n3A_1041, %lt3A_1047 : i32
      %ne3A_1049 = arith.xori %lt3A_1046, %lt3A_1048 : i1
      %and3A_1050 = arith.andi %ne3A_1049, %ne3A_1044 : i1
      %add3A_1051 = arith.addi %rem3A_1042, %select_n3A_1041 : i32
      %select_n3A_1052 = arith.select %and3A_1050, %add3A_1051, %rem3A_1042 : i32
      %dma_start3A_1053 = arith.constant 3 : i32
      %dma_start3A_1054 = arith.constant 0 : i32
      %dma_start3A_1055 = arith.constant 0 : i32
      %dma_start3A_1056 = arith.constant 0 : i32
      %dma_start3A_1057 = tpu.memref_slice %arg10[%dma_start3A_1054, %dma_start3A_1055, %dma_start3A_1056] : memref<8x8x129xf32, #tpu.memory_space<vmem>> -> memref<8x8x128xf32, #tpu.memory_space<vmem>>
      %dma_start3A_1058 = arith.constant 0 : i32
      %dma_start3A_1059 = arith.constant 0 : i32
      %dma_start3A_1060 = arith.constant 0 : i32
      %dma_start3A_1061 = tpu.memref_slice %arg4[%select_n3A_1036, %dma_start3A_1058, %select_n3A_1052, %dma_start3A_1059, %dma_start3A_1060] : memref<200x8x32x8x128xf32, #tpu.memory_space<hbm>> -> memref<1x8x1x8x128xf32, #tpu.memory_space<hbm>>
      %dma_start3A_1062 = tpu.memref_squeeze %dma_start3A_1061 : memref<1x8x1x8x128xf32, #tpu.memory_space<hbm>> -> memref<8x8x128xf32, #tpu.memory_space<hbm>>
      %dma_start3A_1063 = tpu.memref_slice %arg13[%dma_start3A_1053] : memref<4x!tpu.dma_semaphore, #tpu.memory_space<semaphore_mem>> -> memref<1x!tpu.dma_semaphore, #tpu.memory_space<semaphore_mem>>
      %dma_start3A_1064 = tpu.memref_squeeze %dma_start3A_1063 : memref<1x!tpu.dma_semaphore, #tpu.memory_space<semaphore_mem>> -> memref<!tpu.dma_semaphore, #tpu.memory_space<semaphore_mem>>
      %dma_start3A_1065 = arith.constant 0 : i32
      %dma_start3A_1066 = arith.constant 0 : i32
      %dma_start3A_1067 = arith.constant 0 : i32
      %dma_start3A_1068 = tpu.memref_slice %arg4[%select_n3A_1036, %dma_start3A_1065, %select_n3A_1052, %dma_start3A_1066, %dma_start3A_1067] : memref<200x8x32x8x128xf32, #tpu.memory_space<hbm>> -> memref<1x8x1x8x128xf32, #tpu.memory_space<hbm>>
      %dma_start3A_1069 = tpu.memref_squeeze %dma_start3A_1068 : memref<1x8x1x8x128xf32, #tpu.memory_space<hbm>> -> memref<8x8x128xf32, #tpu.memory_space<hbm>>
      %dma_start3A_1070 = arith.constant 0 : i32
      %dma_start3A_1071 = arith.constant 0 : i32
      %dma_start3A_1072 = arith.constant 0 : i32
      %dma_start3A_1073 = tpu.memref_slice %arg10[%dma_start3A_1070, %dma_start3A_1071, %dma_start3A_1072] : memref<8x8x129xf32, #tpu.memory_space<vmem>> -> memref<8x8x128xf32, #tpu.memory_space<vmem>>
      tpu.enqueue_dma source(%dma_start3A_1073 : memref<8x8x128xf32, #tpu.memory_space<vmem>>) target(%dma_start3A_1069 : memref<8x8x128xf32, #tpu.memory_space<hbm>>) target_semaphore(%dma_start3A_1064 : memref<!tpu.dma_semaphore, #tpu.memory_space<semaphore_mem>>)
      %lt3A_1074 = arith.constant 49 : i32
      %lt3A_1075 = arith.cmpi slt, %scan3A_685, %lt3A_1074 : i32
      %convert_element_type3A_1076 = arith.extui %lt3A_1075 : i1 to i32
      %cond3A_1077 = arith.constant 0 : i32
      %cond3A_1078 = arith.cmpi ne, %convert_element_type3A_1076, %cond3A_1077 : i32
      scf.if %cond3A_1078 {
        %dma_wait3A_1080 = arith.constant 0 : i32
        %dma_wait3A_1081 = arith.constant 3 : i32
        %dma_wait3A_1082 = arith.constant 3 : i32
        %dma_wait3A_1083 = arith.constant 0 : i32
        %dma_wait3A_1084 = tpu.memref_slice %arg5[%dma_wait3A_1081, %dma_wait3A_1083] : memref<4x128xi32, #tpu.memory_space<vmem>> -> memref<1x128xi32, #tpu.memory_space<vmem>>
        %dma_wait3A_1085 = tpu.memref_squeeze %dma_wait3A_1084 : memref<1x128xi32, #tpu.memory_space<vmem>> -> memref<128xi32, #tpu.memory_space<vmem>>
        %dma_wait3A_1086 = arith.constant 0 : i32
        %dma_wait3A_1087 = tpu.memref_slice %arg3[%dma_wait3A_1080, %dma_wait3A_1086] : memref<200x4096xi32, #tpu.memory_space<hbm>> -> memref<1x128xi32, #tpu.memory_space<hbm>>
        %dma_wait3A_1088 = tpu.memref_squeeze %dma_wait3A_1087 : memref<1x128xi32, #tpu.memory_space<hbm>> -> memref<128xi32, #tpu.memory_space<hbm>>
        %dma_wait3A_1089 = tpu.memref_slice %arg11[%dma_wait3A_1082] : memref<4x!tpu.dma_semaphore, #tpu.memory_space<semaphore_mem>> -> memref<1x!tpu.dma_semaphore, #tpu.memory_space<semaphore_mem>>
        %dma_wait3A_1090 = tpu.memref_squeeze %dma_wait3A_1089 : memref<1x!tpu.dma_semaphore, #tpu.memory_space<semaphore_mem>> -> memref<!tpu.dma_semaphore, #tpu.memory_space<semaphore_mem>>
        %dma_wait3A_1091 = arith.constant 0 : i32
        %dma_wait3A_1092 = tpu.memref_slice %arg5[%dma_wait3A_1081, %dma_wait3A_1091] : memref<4x128xi32, #tpu.memory_space<vmem>> -> memref<1x128xi32, #tpu.memory_space<vmem>>
        %dma_wait3A_1093 = tpu.memref_squeeze %dma_wait3A_1092 : memref<1x128xi32, #tpu.memory_space<vmem>> -> memref<128xi32, #tpu.memory_space<vmem>>
        %dma_wait3A_1094 = arith.constant 0 : i32
        %dma_wait3A_1095 = tpu.memref_slice %arg3[%dma_wait3A_1080, %dma_wait3A_1094] : memref<200x4096xi32, #tpu.memory_space<hbm>> -> memref<1x128xi32, #tpu.memory_space<hbm>>
        %dma_wait3A_1096 = tpu.memref_squeeze %dma_wait3A_1095 : memref<1x128xi32, #tpu.memory_space<hbm>> -> memref<128xi32, #tpu.memory_space<hbm>>
        tpu.wait_dma2 semaphore(%dma_wait3A_1090 : memref<!tpu.dma_semaphore, #tpu.memory_space<semaphore_mem>>) src(%dma_wait3A_1096 : memref<128xi32, #tpu.memory_space<hbm>>) dst(%dma_wait3A_1093 : memref<128xi32, #tpu.memory_space<vmem>>)
        %dma_start3A_1097 = arith.constant 3 : i32
        %dma_start3A_1098 = arith.constant 3 : i32
        %dma_start3A_1099 = arith.constant 3 : i32
        %dma_start3A_1100 = arith.constant 0 : i32
        %dma_start3A_1101 = arith.constant 0 : i32
        %dma_start3A_1102 = tpu.memref_slice %arg6[%dma_start3A_1098, %dma_start3A_1100, %dma_start3A_1101] : memref<4x128x64xf32, #tpu.memory_space<vmem>> -> memref<1x128x64xf32, #tpu.memory_space<vmem>>
        %dma_start3A_1103 = tpu.memref_squeeze %dma_start3A_1102 : memref<1x128x64xf32, #tpu.memory_space<vmem>> -> memref<128x64xf32, #tpu.memory_space<vmem>>
        %dma_start3A_1104 = arith.constant 0 : i32
        %dma_start3A_1105 = tpu.memref_slice %arg5[%dma_start3A_1097, %dma_start3A_1104] : memref<4x128xi32, #tpu.memory_space<vmem>> -> memref<1x128xi32, #tpu.memory_space<vmem>>
        %dma_start3A_1106 = tpu.memref_squeeze %dma_start3A_1105 : memref<1x128xi32, #tpu.memory_space<vmem>> -> memref<128xi32, #tpu.memory_space<vmem>>
        %dma_start3A_1107 = arith.constant 0 : i32
        %dma_start3A_1108 = arith.constant 0 : i32
        %dma_start3A_1109 = tpu.memref_slice %arg2[%dma_start3A_1107, %dma_start3A_1108] : memref<100000x64xf32, #tpu.memory_space<hbm>> -> memref<100000x64xf32, #tpu.memory_space<hbm>>
        %dma_start3A_1110 = tpu.memref_slice %arg12[%dma_start3A_1099] : memref<4x!tpu.dma_semaphore, #tpu.memory_space<semaphore_mem>> -> memref<1x!tpu.dma_semaphore, #tpu.memory_space<semaphore_mem>>
        %dma_start3A_1111 = tpu.memref_squeeze %dma_start3A_1110 : memref<1x!tpu.dma_semaphore, #tpu.memory_space<semaphore_mem>> -> memref<!tpu.dma_semaphore, #tpu.memory_space<semaphore_mem>>
        tpu.enqueue_indirect_dma source(%dma_start3A_1109 : memref<100000x64xf32, #tpu.memory_space<hbm>>) target(%dma_start3A_1103 : memref<128x64xf32, #tpu.memory_space<vmem>>) offsets(%dma_start3A_1106 : memref<128xi32, #tpu.memory_space<vmem>>) semaphore(%dma_start3A_1111 : memref<!tpu.dma_semaphore, #tpu.memory_space<semaphore_mem>>)
      } else {
      }
      %scan3A_1079 = arith.constant 0 : i32
      scf.yield %scan3A_1079 : i32
    }
    %scan3A_592 = arith.constant 50 : i32
    %dma_wait3A_593 = arith.constant 0 : i32
    %dma_wait3A_594 = arith.constant 0 : i32
    %dma_wait3A_595 = arith.constant 0 : i32
    %dma_wait3A_596 = arith.constant 0 : i32
    %dma_wait3A_597 = arith.constant 0 : i32
    %dma_wait3A_598 = arith.constant 0 : i32
    %dma_wait3A_599 = tpu.memref_slice %arg7[%dma_wait3A_596, %dma_wait3A_597, %dma_wait3A_598] : memref<8x8x129xf32, #tpu.memory_space<vmem>> -> memref<8x8x128xf32, #tpu.memory_space<vmem>>
    %dma_wait3A_600 = arith.constant 0 : i32
    %dma_wait3A_601 = arith.constant 0 : i32
    %dma_wait3A_602 = arith.constant 0 : i32
    %dma_wait3A_603 = tpu.memref_slice %arg4[%dma_wait3A_593, %dma_wait3A_600, %dma_wait3A_594, %dma_wait3A_601, %dma_wait3A_602] : memref<200x8x32x8x128xf32, #tpu.memory_space<hbm>> -> memref<1x8x1x8x128xf32, #tpu.memory_space<hbm>>
    %dma_wait3A_604 = tpu.memref_squeeze %dma_wait3A_603 : memref<1x8x1x8x128xf32, #tpu.memory_space<hbm>> -> memref<8x8x128xf32, #tpu.memory_space<hbm>>
    %dma_wait3A_605 = tpu.memref_slice %arg13[%dma_wait3A_595] : memref<4x!tpu.dma_semaphore, #tpu.memory_space<semaphore_mem>> -> memref<1x!tpu.dma_semaphore, #tpu.memory_space<semaphore_mem>>
    %dma_wait3A_606 = tpu.memref_squeeze %dma_wait3A_605 : memref<1x!tpu.dma_semaphore, #tpu.memory_space<semaphore_mem>> -> memref<!tpu.dma_semaphore, #tpu.memory_space<semaphore_mem>>
    %dma_wait3A_607 = arith.constant 0 : i32
    %dma_wait3A_608 = arith.constant 0 : i32
    %dma_wait3A_609 = arith.constant 0 : i32
    %dma_wait3A_610 = tpu.memref_slice %arg4[%dma_wait3A_593, %dma_wait3A_607, %dma_wait3A_594, %dma_wait3A_608, %dma_wait3A_609] : memref<200x8x32x8x128xf32, #tpu.memory_space<hbm>> -> memref<1x8x1x8x128xf32, #tpu.memory_space<hbm>>
    %dma_wait3A_611 = tpu.memref_squeeze %dma_wait3A_610 : memref<1x8x1x8x128xf32, #tpu.memory_space<hbm>> -> memref<8x8x128xf32, #tpu.memory_space<hbm>>
    %dma_wait3A_612 = arith.constant 0 : i32
    %dma_wait3A_613 = arith.constant 0 : i32
    %dma_wait3A_614 = arith.constant 0 : i32
    %dma_wait3A_615 = tpu.memref_slice %arg7[%dma_wait3A_612, %dma_wait3A_613, %dma_wait3A_614] : memref<8x8x129xf32, #tpu.memory_space<vmem>> -> memref<8x8x128xf32, #tpu.memory_space<vmem>>
    tpu.wait_dma2 semaphore(%dma_wait3A_606 : memref<!tpu.dma_semaphore, #tpu.memory_space<semaphore_mem>>) src(%dma_wait3A_615 : memref<8x8x128xf32, #tpu.memory_space<vmem>>) dst(%dma_wait3A_611 : memref<8x8x128xf32, #tpu.memory_space<hbm>>)
    %dma_wait3A_616 = arith.constant 0 : i32
    %dma_wait3A_617 = arith.constant 0 : i32
    %dma_wait3A_618 = arith.constant 1 : i32
    %dma_wait3A_619 = arith.constant 0 : i32
    %dma_wait3A_620 = arith.constant 0 : i32
    %dma_wait3A_621 = arith.constant 0 : i32
    %dma_wait3A_622 = tpu.memref_slice %arg8[%dma_wait3A_619, %dma_wait3A_620, %dma_wait3A_621] : memref<8x8x129xf32, #tpu.memory_space<vmem>> -> memref<8x8x128xf32, #tpu.memory_space<vmem>>
    %dma_wait3A_623 = arith.constant 0 : i32
    %dma_wait3A_624 = arith.constant 0 : i32
    %dma_wait3A_625 = arith.constant 0 : i32
    %dma_wait3A_626 = tpu.memref_slice %arg4[%dma_wait3A_616, %dma_wait3A_623, %dma_wait3A_617, %dma_wait3A_624, %dma_wait3A_625] : memref<200x8x32x8x128xf32, #tpu.memory_space<hbm>> -> memref<1x8x1x8x128xf32, #tpu.memory_space<hbm>>
    %dma_wait3A_627 = tpu.memref_squeeze %dma_wait3A_626 : memref<1x8x1x8x128xf32, #tpu.memory_space<hbm>> -> memref<8x8x128xf32, #tpu.memory_space<hbm>>
    %dma_wait3A_628 = tpu.memref_slice %arg13[%dma_wait3A_618] : memref<4x!tpu.dma_semaphore, #tpu.memory_space<semaphore_mem>> -> memref<1x!tpu.dma_semaphore, #tpu.memory_space<semaphore_mem>>
    %dma_wait3A_629 = tpu.memref_squeeze %dma_wait3A_628 : memref<1x!tpu.dma_semaphore, #tpu.memory_space<semaphore_mem>> -> memref<!tpu.dma_semaphore, #tpu.memory_space<semaphore_mem>>
    %dma_wait3A_630 = arith.constant 0 : i32
    %dma_wait3A_631 = arith.constant 0 : i32
    %dma_wait3A_632 = arith.constant 0 : i32
    %dma_wait3A_633 = tpu.memref_slice %arg4[%dma_wait3A_616, %dma_wait3A_630, %dma_wait3A_617, %dma_wait3A_631, %dma_wait3A_632] : memref<200x8x32x8x128xf32, #tpu.memory_space<hbm>> -> memref<1x8x1x8x128xf32, #tpu.memory_space<hbm>>
    %dma_wait3A_634 = tpu.memref_squeeze %dma_wait3A_633 : memref<1x8x1x8x128xf32, #tpu.memory_space<hbm>> -> memref<8x8x128xf32, #tpu.memory_space<hbm>>
    %dma_wait3A_635 = arith.constant 0 : i32
    %dma_wait3A_636 = arith.constant 0 : i32
    %dma_wait3A_637 = arith.constant 0 : i32
    %dma_wait3A_638 = tpu.memref_slice %arg8[%dma_wait3A_635, %dma_wait3A_636, %dma_wait3A_637] : memref<8x8x129xf32, #tpu.memory_space<vmem>> -> memref<8x8x128xf32, #tpu.memory_space<vmem>>
    tpu.wait_dma2 semaphore(%dma_wait3A_629 : memref<!tpu.dma_semaphore, #tpu.memory_space<semaphore_mem>>) src(%dma_wait3A_638 : memref<8x8x128xf32, #tpu.memory_space<vmem>>) dst(%dma_wait3A_634 : memref<8x8x128xf32, #tpu.memory_space<hbm>>)
    %dma_wait3A_639 = arith.constant 0 : i32
    %dma_wait3A_640 = arith.constant 0 : i32
    %dma_wait3A_641 = arith.constant 2 : i32
    %dma_wait3A_642 = arith.constant 0 : i32
    %dma_wait3A_643 = arith.constant 0 : i32
    %dma_wait3A_644 = arith.constant 0 : i32
    %dma_wait3A_645 = tpu.memref_slice %arg9[%dma_wait3A_642, %dma_wait3A_643, %dma_wait3A_644] : memref<8x8x129xf32, #tpu.memory_space<vmem>> -> memref<8x8x128xf32, #tpu.memory_space<vmem>>
    %dma_wait3A_646 = arith.constant 0 : i32
    %dma_wait3A_647 = arith.constant 0 : i32
    %dma_wait3A_648 = arith.constant 0 : i32
    %dma_wait3A_649 = tpu.memref_slice %arg4[%dma_wait3A_639, %dma_wait3A_646, %dma_wait3A_640, %dma_wait3A_647, %dma_wait3A_648] : memref<200x8x32x8x128xf32, #tpu.memory_space<hbm>> -> memref<1x8x1x8x128xf32, #tpu.memory_space<hbm>>
    %dma_wait3A_650 = tpu.memref_squeeze %dma_wait3A_649 : memref<1x8x1x8x128xf32, #tpu.memory_space<hbm>> -> memref<8x8x128xf32, #tpu.memory_space<hbm>>
    %dma_wait3A_651 = tpu.memref_slice %arg13[%dma_wait3A_641] : memref<4x!tpu.dma_semaphore, #tpu.memory_space<semaphore_mem>> -> memref<1x!tpu.dma_semaphore, #tpu.memory_space<semaphore_mem>>
    %dma_wait3A_652 = tpu.memref_squeeze %dma_wait3A_651 : memref<1x!tpu.dma_semaphore, #tpu.memory_space<semaphore_mem>> -> memref<!tpu.dma_semaphore, #tpu.memory_space<semaphore_mem>>
    %dma_wait3A_653 = arith.constant 0 : i32
    %dma_wait3A_654 = arith.constant 0 : i32
    %dma_wait3A_655 = arith.constant 0 : i32
    %dma_wait3A_656 = tpu.memref_slice %arg4[%dma_wait3A_639, %dma_wait3A_653, %dma_wait3A_640, %dma_wait3A_654, %dma_wait3A_655] : memref<200x8x32x8x128xf32, #tpu.memory_space<hbm>> -> memref<1x8x1x8x128xf32, #tpu.memory_space<hbm>>
    %dma_wait3A_657 = tpu.memref_squeeze %dma_wait3A_656 : memref<1x8x1x8x128xf32, #tpu.memory_space<hbm>> -> memref<8x8x128xf32, #tpu.memory_space<hbm>>
    %dma_wait3A_658 = arith.constant 0 : i32
    %dma_wait3A_659 = arith.constant 0 : i32
    %dma_wait3A_660 = arith.constant 0 : i32
    %dma_wait3A_661 = tpu.memref_slice %arg9[%dma_wait3A_658, %dma_wait3A_659, %dma_wait3A_660] : memref<8x8x129xf32, #tpu.memory_space<vmem>> -> memref<8x8x128xf32, #tpu.memory_space<vmem>>
    tpu.wait_dma2 semaphore(%dma_wait3A_652 : memref<!tpu.dma_semaphore, #tpu.memory_space<semaphore_mem>>) src(%dma_wait3A_661 : memref<8x8x128xf32, #tpu.memory_space<vmem>>) dst(%dma_wait3A_657 : memref<8x8x128xf32, #tpu.memory_space<hbm>>)
    %dma_wait3A_662 = arith.constant 0 : i32
    %dma_wait3A_663 = arith.constant 0 : i32
    %dma_wait3A_664 = arith.constant 3 : i32
    %dma_wait3A_665 = arith.constant 0 : i32
    %dma_wait3A_666 = arith.constant 0 : i32
    %dma_wait3A_667 = arith.constant 0 : i32
    %dma_wait3A_668 = tpu.memref_slice %arg10[%dma_wait3A_665, %dma_wait3A_666, %dma_wait3A_667] : memref<8x8x129xf32, #tpu.memory_space<vmem>> -> memref<8x8x128xf32, #tpu.memory_space<vmem>>
    %dma_wait3A_669 = arith.constant 0 : i32
    %dma_wait3A_670 = arith.constant 0 : i32
    %dma_wait3A_671 = arith.constant 0 : i32
    %dma_wait3A_672 = tpu.memref_slice %arg4[%dma_wait3A_662, %dma_wait3A_669, %dma_wait3A_663, %dma_wait3A_670, %dma_wait3A_671] : memref<200x8x32x8x128xf32, #tpu.memory_space<hbm>> -> memref<1x8x1x8x128xf32, #tpu.memory_space<hbm>>
    %dma_wait3A_673 = tpu.memref_squeeze %dma_wait3A_672 : memref<1x8x1x8x128xf32, #tpu.memory_space<hbm>> -> memref<8x8x128xf32, #tpu.memory_space<hbm>>
    %dma_wait3A_674 = tpu.memref_slice %arg13[%dma_wait3A_664] : memref<4x!tpu.dma_semaphore, #tpu.memory_space<semaphore_mem>> -> memref<1x!tpu.dma_semaphore, #tpu.memory_space<semaphore_mem>>
    %dma_wait3A_675 = tpu.memref_squeeze %dma_wait3A_674 : memref<1x!tpu.dma_semaphore, #tpu.memory_space<semaphore_mem>> -> memref<!tpu.dma_semaphore, #tpu.memory_space<semaphore_mem>>
    %dma_wait3A_676 = arith.constant 0 : i32
    %dma_wait3A_677 = arith.constant 0 : i32
    %dma_wait3A_678 = arith.constant 0 : i32
    %dma_wait3A_679 = tpu.memref_slice %arg4[%dma_wait3A_662, %dma_wait3A_676, %dma_wait3A_663, %dma_wait3A_677, %dma_wait3A_678] : memref<200x8x32x8x128xf32, #tpu.memory_space<hbm>> -> memref<1x8x1x8x128xf32, #tpu.memory_space<hbm>>
    %dma_wait3A_680 = tpu.memref_squeeze %dma_wait3A_679 : memref<1x8x1x8x128xf32, #tpu.memory_space<hbm>> -> memref<8x8x128xf32, #tpu.memory_space<hbm>>
    %dma_wait3A_681 = arith.constant 0 : i32
    %dma_wait3A_682 = arith.constant 0 : i32
    %dma_wait3A_683 = arith.constant 0 : i32
    %dma_wait3A_684 = tpu.memref_slice %arg10[%dma_wait3A_681, %dma_wait3A_682, %dma_wait3A_683] : memref<8x8x129xf32, #tpu.memory_space<vmem>> -> memref<8x8x128xf32, #tpu.memory_space<vmem>>
    tpu.wait_dma2 semaphore(%dma_wait3A_675 : memref<!tpu.dma_semaphore, #tpu.memory_space<semaphore_mem>>) src(%dma_wait3A_684 : memref<8x8x128xf32, #tpu.memory_space<vmem>>) dst(%dma_wait3A_680 : memref<8x8x128xf32, #tpu.memory_space<hbm>>)
    return
  }
}

</mosaic_0001>

<sc_bundles>
// kernel: kernel.3.cloned.1.call-start
scs
__scs_entry_jumppad:
0x0: {  	(pc) =	sbr.rel $0x88, $3  }
0x1: {  	(tag) =	ssettag $0x0;
	lr =	simm.s32 $0x1  }
0x2: {  	[smem:$0x3F9F] =	sst lr;
	_ =	strace $0xD0000000  }
0x3: {  	_ = 	snop  }
0x4: {  	_ = 	snop  }
0x5: {  	_ = 	snop  }
0x6: {  	_ = 	snop  }
0x7: {  	_ = 	snop  }
__scs_overlays_trampoline_lowered:
0x8: {  	[smem:$0x3FAE] =	sst s0  }
0x9: {  	[smem:$0x3FAF] =	sst s1  }
0xa: {  	[smem:$0x3FB0] =	sst s2  }
0xb: {  	[smem:$0x3FB1] =	sst s3  }
0xc: {  	[smem:$0x3FB2] =	sst s4  }
0xd: {  	[smem:$0x3FB3] =	sst s5  }
0xe: {  	[smem:$0x3FB4] =	sst s6  }
0xf: {  	[smem:$0x3FB5] =	sst s7  }
0x10: {  	[smem:$0x3FB6] =	sst s8  }
0x11: {  	[smem:$0x3FB7] =	sst s9;
	s0 =	simm.s32 @!p0 $0x0  }
0x12: {  	s1 =	sld [smem:$0x3F9D];
	s0 =	simm.s32 @p0 $0x1  }
0x13: {  	[smem:$0x3FB8] =	sst s0;
	s0 =	simm.s32 @!p1 $0x0  }
0x14: {  	s2 =	sld [smem:$0x3F9C];
	s0 =	simm.s32 @p1 $0x1  }
0x15: {  	[smem:$0x3FB9] =	sst s0;
	s0 =	simm.s32 @!p2 $0x0  }
0x16: {  	s3 =	sld [smem:$0x3FDB];
	s0 =	simm.s32 @p2 $0x1  }
0x17: {  	s4 =	simm.s32 $0x1BF5;
	[smem:$0x3FBB] =	sst s0  }
0x18: {  	s0 =	sld [smem:$0x3F9E];
	_ =	swait.ge [sflag:s4], $0x0  }
0x19: {  	s7 =	sld [smem:$0x3F9F]  }
0x1a: {  	s8 =	sadd.s32 $0xFFFFE003, lr  }
0x1b: {  	s9 =	sadd.s32 $0xFFFFFEF7, lr;
	s5 =	simm.s32 $0xFFFFFFFF;
	p2 =	slt.u32 s8, $0xFFFFF086  }
0x1c: {  	p1 =	slt.u32 s9, $0xF7A;
	s5 =	simm.s32 @!p2 $0x0  }
0x1d: {  	s5 =	simm.s32 @p1 $0x1;
	p0 =	seq.s32 s7, s2  }
0x1e: {  	s7 =	smul.u32 @!p0 $0xF7A, s2;
	p2 =	seq.s32 @!p0 s5, $0x0  }
0x1f: {  	s9 =	smul.u32 $0xF7A, s1;
	s8 =	simm.s32 @!p0 $0x1BF5;
	p2 =	por !p2, p0  }
0x20: {  	[sflag:s8] =	ssyncset.s32 @!p0 $0xFFFFF086;
	s6 =	sadd.s32 @!p0 s3, s7;
	s7 =	simm.s32 @!p0 $0x108  }
0x21: {  	s3 =	sadd.s32 s3, s9;
	s6 =	sadd.s32 @!p0 $0x88, s6;
	s7 =	simm.s32 @p2 $0x1082  }
0x22: {  	[simem:s7], [sflag:s8] =	dma.local @!p0 [hbm:s6], $0xF7A  }
0x23: {  	s9 =	sor.u32 $0xD0000000, s2;
	s6 =	simm.s32 $0x108;
	_ =	swait.ge @!p0 [sflag:s8], $0x0  }
0x24: {  	s3 =	sadd.s32 $0x88, s3;
	s6 =	simm.s32 @!p1 $0x1082;
	[sflag:s4] =	ssyncset.s32 $0xFFFFF086  }
0x25: {  	[simem:s6], [sflag:s4] =	dma.local [hbm:s3], $0xF7A  }
0x26: {  	[smem:$0x3F9F] =	sst s1;
	(tag) =	ssettag s2;
	_ =	strace s9  }
0x27: {  	s1 =	sld [smem:$0x3FAF]  }
0x28: {  	s2 =	sld [smem:$0x3FB0]  }
0x29: {  	s4 =	sld [smem:$0x3FB2]  }
0x2a: {  	p0 =	seq.s32 s5, $0x0;
	s5 =	sld [smem:$0x3FB3]  }
0x2b: {  	s6 =	sld [smem:$0x3FB4]  }
0x2c: {  	s7 =	sld [smem:$0x3FB5]  }
0x2d: {  	s3 =	simm.s32 $0x108;
	s8 =	sld [smem:$0x3FB6]  }
0x2e: {  	s3 =	simm.s32 @!p0 $0x1082;
	s9 =	sld [smem:$0x3FB7]  }
0x2f: {  	lr =	sadd.s32 s0, s3;
	s0 =	sld [smem:$0x3FAE]  }
0x30: {  	s3 =	sld [smem:$0x3FB1]  }
0x31: {  	[smem:$0x3FBA] =	sst s10  }
0x32: {  	s10 =	sld [smem:$0x3FB8];
	_ =	sdelay $0x3  }
0x33: {  	p0 =	seq.s32 s10, $0x1;
	s10 =	sld [smem:$0x3FBA];
	_ =	sdelay $0x3  }
0x34: {  	[smem:$0x3FBA] =	sst s10  }
0x35: {  	s10 =	sld [smem:$0x3FB9];
	_ =	sdelay $0x3  }
0x36: {  	p1 =	seq.s32 s10, $0x1;
	s10 =	sld [smem:$0x3FBA];
	_ =	sdelay $0x3  }
0x37: {  	[smem:$0x3FBA] =	sst s10  }
0x38: {  	s10 =	sld [smem:$0x3FBB]  }
0x39: {  	_ = 	snop;
	(pc) =	sbr.ind lr, $3  }
0x3a: {  	_ = 	snop  }
0x3b: {  	_ = 	snop  }
0x3c: {  	p2 =	seq.s32 s10, $0x1;
	s10 =	sld [smem:$0x3FBA]  }
0x3d: {  	_ =	shalt  }
0x3e: {  	_ =	shalt  }
0x3f: {  	_ =	shalt  }
0x40: {  	_ =	shalt  }
0x41: {  	_ =	shalt  }
0x42: {  	_ =	shalt  }
0x43: {  	_ =	shalt  }
0x44: {  	_ =	shalt  }
0x45: {  	_ =	shalt  }
0x46: {  	_ =	shalt  }
0x47: {  	_ =	shalt  }
0x48: {  	_ =	shalt  }
0x49: {  	_ =	shalt  }
0x4a: {  	_ =	shalt  }
0x4b: {  	_ =	shalt  }
0x4c: {  	_ =	shalt  }
0x4d: {  	_ =	shalt  }
0x4e: {  	_ =	shalt  }
0x4f: {  	_ =	shalt  }
0x50: {  	_ =	shalt  }
0x51: {  	_ =	shalt  }
0x52: {  	_ =	shalt  }
0x53: {  	_ =	shalt  }
0x54: {  	_ =	shalt  }
0x55: {  	_ =	shalt  }
0x56: {  	_ =	shalt  }
0x57: {  	_ =	shalt  }
0x58: {  	_ =	shalt  }
0x59: {  	_ =	shalt  }
0x5a: {  	_ =	shalt  }
0x5b: {  	_ =	shalt  }
0x5c: {  	_ =	shalt  }
0x5d: {  	_ =	shalt  }
0x5e: {  	_ =	shalt  }
0x5f: {  	_ =	shalt  }
0x60: {  	_ =	shalt  }
0x61: {  	_ =	shalt  }
0x62: {  	_ =	shalt  }
0x63: {  	_ =	shalt  }
0x64: {  	_ =	shalt  }
0x65: {  	_ =	shalt  }
0x66: {  	_ =	shalt  }
0x67: {  	_ =	shalt  }
0x68: {  	_ =	shalt  }
0x69: {  	_ =	shalt  }
0x6a: {  	_ =	shalt  }
0x6b: {  	_ =	shalt  }
0x6c: {  	_ =	shalt  }
0x6d: {  	_ =	shalt  }
0x6e: {  	_ =	shalt  }
0x6f: {  	_ =	shalt  }
0x70: {  	_ =	shalt  }
0x71: {  	_ =	shalt  }
0x72: {  	_ =	shalt  }
0x73: {  	_ =	shalt  }
0x74: {  	_ =	shalt  }
0x75: {  	_ =	shalt  }
0x76: {  	_ =	shalt  }
0x77: {  	_ =	shalt  }
0x78: {  	_ =	shalt  }
0x79: {  	_ =	shalt  }
0x7a: {  	_ =	shalt  }
0x7b: {  	_ =	shalt  }
0x7c: {  	_ =	shalt  }
0x7d: {  	_ =	shalt  }
0x7e: {  	_ =	shalt  }
0x7f: {  	_ =	shalt  }
0x80: {  	_ =	shalt  }
0x81: {  	_ =	shalt  }
0x82: {  	_ =	shalt  }
0x83: {  	_ =	shalt  }
0x84: {  	_ =	shalt  }
0x85: {  	_ =	shalt  }
0x86: {  	_ =	shalt  }
0x87: {  	_ =	shalt  }
.Lfunc_end0:
.L_simem_size_0:
called_computation_lowered:
.L_overlay_start_0:
0x88: {  	s2 =	sld [smem:$0x3FD9]  }
0x89: {  	s3 =	sld [smem:$0x3FFE];
	_ =	sdelay $0x1  }
0x8a: {  	s1 =	srdreg.scid  }
0x8b: {  	s0 =	sand.u32 $0x1, s1  }
0x8c: {  	s17 =	sshll.u32 s0, $0xA;
	s2 =	sadd.s32 s3, s2  }
0x8d: {  	s2 =	sadd.s32 s2, s17  }
0x8e: {  	[smem:$0x3FC6] =	sst s2  }
0x8f: {  	_ = 	snop  }
0x90: {  	s2 =	sld [smem:$0x3FD0];
	(tm) =	ssettm $0x1  }
0x91: {  	s18 =	sld [smem:$0x3FFB];
	_ =	sdelay $0x3  }
0x92: {  	_ =	strace s18  }
0x93: {  	s3 =	sld [smem:$0x3FFC];
	_ =	sdelay $0x3  }
0x94: {  	_ =	strace s3  }
0x95: {  	s3 =	sld [smem:$0x3FFD];
	_ =	sdelay $0x3  }
0x96: {  	_ =	strace s3  }
0x97: {  	_ =	strace $0x8FFFFFFF  }
0x98: {  	s19 =	sld [smem:$0x3FDB];
	_ =	sdelay $0x1  }
0x99: {  	s4 =	simm.s32 $_scs_section_size  }
0x9a: {  	s5 =	simm.s32 $_size__tile_overlayer_lowered;
	s6 =	simm.s32 $_tile_overlayer_lowered  }
0x9b: {  	s22 =	simm.s32 $0x1BFF;
	s21 =	sshll.u32 s6, $0x1;
	s3 =	sadd.s32 s4, s19  }
0x9c: {  	s7 =	simm.s32 $0x0;
	s20 =	sshll.u32 s5, $0x1;
	s5 =	sadd.s32 s21, s3  }
0x9d: {  	[timem:s7], [sflag:s22] =	dma.local [hbm:s5], s20  }
0x9e: {  	_ =	swait.ge [sflag:s22], s20  }
0x9f: {  	s4 =	ssub.s32 $0x0, s20;
	[sflag:s22] =	ssyncset.done $0x0  }
0xa0: {  	[sflag:s22] =	ssyncadd.s32 s4;
	_ =	sdelay $0x1  }
0xa1: {  	s23 =	simm.s32 $0x1B8B  }
0xa2: {  	_ =	swait.ge [sflag:s23], $0x1  }
0xa3: {  	[sflag:s23] =	ssyncset.done $0x0  }
0xa4: {  	s25 =	simm.s32 $0x1B8E;
	s24 =	sld [smem:$0x3FFE];
	[sflag:s23] =	ssyncadd.s32 $0xFFFFFFFF  }
0xa5: {  	s26 =	simm.s32 $execute0_lowered;
	[smem:$0x3FD2] =	sst s25  }
0xa6: {  	s5 =	sshll.u32 s26, $0x1;
	_ =	strace $0x80000046;
	[dreg:$0x1] =	wrdreg $0xFFFFFFFF  }
0xa7: {  	s28 =	simm.s32 $_size_execute0_lowered;
	s3 =	sadd.s32 s3, s5;
	[dreg:$0x0] =	wrdreg $0x0  }
0xa8: {  	s5 =	sshll.u32 s28, $0x1;
	[dreg:$0x2] =	wrdreg s3  }
0xa9: {  	[dreg:$0x3] =	wrdreg s5  }
0xaa: {  	[dreg:$0x4] =	wrdreg $0xC0  }
0xab: {  	_ =	task [dreg:s7], $0x5FFFF  }
0xac: {  	[dreg:$0x1] =	wrdreg $0xFFFFFFFF  }
0xad: {  	[dreg:$0x0] =	wrdreg $0x60  }
0xae: {  	[dreg:$0x2] =	wrdreg s24  }
0xaf: {  	[dreg:$0x3] =	wrdreg s2  }
0xb0: {  	[dreg:$0x4] =	wrdreg $0x9  }
0xb1: {  	_ =	task.clear_ibuf [dreg:s7], $0x5FFFF;
	_ =	strace $0x90000046  }
0xb2: {  	s29 =	simm.s32 $0x9;
	_ =	strace $0x80000048  }
0xb3: {  	_ =	swait.ge [sflag:s29], $0x1  }
0xb4: {  	[sflag:s29] =	ssyncadd.s32 $0xFFFFFFFF  }
0xb5: {  	_ =	strace $0x90000048  }
0xb6: {  	_ =	sfence  }
0xb7: {  	s30 =	sld [smem:$0x0];
	_ =	sdelay $0x2  }
0xb8: {  	s31 =	sshll.u32 s1, $0xD;
	s1 =	sshrl.u32 s1, $0x2  }
0xb9: {  	s3 =	sand.u32 $0x4000, s31;
	s1 =	sadd.s32 s1, s30  }
0xba: {  	s0 =	sor.u32 s3, s0;
	s1 =	sshll.u32 s1, $0x11  }
0xbb: {  	s0 =	sor.u32 s1, s0  }
0xbc: {  	s0 =	sadd.s32 $0x8F2B, s0  }
0xbd: {  	[sflag:s0] =	ssyncadd.remote.s32 $0x1  }
0xbe: {  	_ =	sfence.sel $0xFFFF  }
0xbf: {  	[dreg:$0x0] =	wrdreg $0xFFFFFFFF;
	(pc) =	sbr.abs _section_cstart, $3  }
0xc0: {  	[dreg:$0x1] =	wrdreg $0xFFFFFFFF  }
0xc1: {  	_ =	task.clear_ibuf [dreg:s7], $0x2FFFF;
	_ =	strace $0x9FFFFFFF  }
0xc2: {  	(tm) =	ssettm $0x7FFFFFFF  }
0xc3: {  	_ =	shalt  }
tec
execute0_lowered:
.L_overlay_start_1:
0x0: {  	(tag) =	ssettag $0x1  }
0x1: {  	s0 =	srdreg.scid  }
0x2: {  	s1 =	stileid.u32;
	s5 =	rddreg [dreg:$0x0]  }
0x3: {  	s2 =	rddreg [dreg:$0x1];
	s3 =	simm.s32 $0x0;
	s16 =	simm.s32 $0x80  }
0x4: {  	s18 =	simm.s32 $0x180;
	s28 =	simm.s32 $0x5;
	s29 =	simm.s32 $0x8200  }
0x5: {  	v0 =	vlaneseq.u32;
	s30 =	simm.s32 $0x6;
	s31 =	simm.s32 $0xA400;
	s20 =	simm.s32 $0x8  }
0x6: {  	s22 =	simm.s32 $0xE800;
	s0 =	sand.u32 $0x1, s0;
	s1 =	sshll.u32 s1, $0x1;
	v0 =	vmul.u32 $0x88, v0  }
0x7: {  	v1 =	vimm.s32 $0x0;
	vm0 =	vcmask $0x300;
	s24 =	simm.s32 $0x9;
	s10 =	simm.s32 $0x0;
	s1 =	sor.u32 s0, s1  }
0x8: {  	[smem:$0x7FF] =	sst s3;
	v1 =	vsel vm0, $0x3, v1;
	s0 =	ssub.s32 $0x2, s0;
	s4 =	smul.u32 $0x6400, s1;
	v2 =	vadd.s32 $0x880, v0  }
0x9: {  	_ =	strace $0x80000047;
	s6 =	sshll.u32 s1, $0xA;
	s8 =	sshrl.u32 s0, $0x1;
	v3 =	vadd.s32 $0x1100, v0;
	v4 =	vadd.s32 $0x1980, v0;
	v5 =	vor.u32 $0x1, v0  }
0xa: {  	v6 =	vadd.s32 $0x881, v0;
	v7 =	vadd.s32 $0x1101, v0;
	v8 =	vadd.s32 $0x1981, v0;
	s6 =	sand.u32 $0xC00, s6;
	s0 =	ssub.s32 s0, s8;
	s7 =	sand.u32 $0xFF000, s4  }
0xb: {  	v9 =	vor.u32 $0x2, v0;
	v10 =	vadd.s32 $0x882, v0;
	v11 =	vadd.s32 $0x1102, v0;
	s4 =	sadd.s32 $0x19400, s5;
	s0 =	smax.u32 s0, $0x1;
	s6 =	sor.u32 s6, s7  }
0xc: {  	v12 =	vadd.s32 $0x1982, v0;
	v13 =	vor.u32 $0x3, v0;
	v14 =	vadd.s32 $0x883, v0;
	s5 =	sadd.s32 $0x400, s5;
	[dreg:$0x7] =	wrdreg s0;
	s7 =	sshrl.u32 s6, $0x3  }
0xd: {  	v15 =	vadd.s32 $0x1103, v0;
	v16 =	vadd.s32 $0x1983, v0;
	v17 =	vor.u32 $0x4, v0;
	s0 =	simm.s32 $0xC600;
	s6 =	smul.u32 $0xC8, s1;
	s25 =	sadd.s32 s5, s7  }
.Ltmp0:
0xe: {  	v18 =	vadd.s32 $0x884, v0;
	v19 =	vadd.s32 $0x1104, v0;
	v20 =	vadd.s32 $0x1984, v0;
	s7 =	sadd.s32 $0x10, s25;
	s26 =	sadd.s32 $0x20, s25;
	(pc) =	sbr.rel .LBB2_1-.Ltmp0, $4  }
0xf: {  	v21 =	vor.u32 $0x5, v0;
	v22 =	vadd.s32 $0x885, v0;
	v23 =	vadd.s32 $0x1105, v0;
	[dreg:$0x3] =	wrdreg s25;
	s1 =	sadd.s32 $0x30, s25;
	s11 =	sor.u32 $0x4, s6  }
0x10: {  	v24 =	vadd.s32 $0x1985, v0;
	v25 =	vor.u32 $0x6, v0;
	v26 =	vadd.s32 $0x886, v0;
	s12 =	sor.u32 $0x5, s6;
	s13 =	sor.u32 $0x6, s6;
	[dreg:$0x4] =	wrdreg s7  }
0x11: {  	v27 =	vadd.s32 $0x1106, v0;
	v28 =	vadd.s32 $0x1986, v0;
	v29 =	vor.u32 $0x7, v0;
	s14 =	sor.u32 $0x7, s6;
	s25 =	simm.s32 $0x4;
	[dreg:$0x5] =	wrdreg s26  }
0x12: {  	v30 =	vadd.s32 $0x887, v0;
	v31 =	vadd.s32 $0x1107, v0;
	v32 =	vadd.s32 $0x1987, v0;
	[dreg:$0x6] =	wrdreg s1;
	s26 =	simm.s32 $0x6200;
	s1 =	simm.s32 $0x7  }
.LBB2_23:
0x13: {  	_ =	swait.ge [sflag:s24], $0x2000  }
0x14: {  	[sflag:s24] =	ssyncset.done $0x0  }
0x15: {  	s7 =	simm.s32 $0xA;
	[sflag:s24] =	ssyncadd.s32 $0xFFFFE000  }
0x16: {  	_ =	swait.ge [sflag:s7], $0x2000  }
0x17: {  	[sflag:s7] =	ssyncset.done $0x0  }
0x18: {  	s21 =	simm.s32 $0xB;
	[sflag:s7] =	ssyncadd.s32 $0xFFFFE000  }
0x19: {  	_ =	swait.ge [sflag:s21], $0x2000  }
0x1a: {  	[sflag:s21] =	ssyncset.done $0x0  }
0x1b: {  	s8 =	simm.s32 $0xC;
	[sflag:s21] =	ssyncadd.s32 $0xFFFFE000  }
0x1c: {  	_ =	swait.ge [sflag:s8], $0x2000  }
0x1d: {  	s10 =	sadd.s32 $0x1, s10;
	s23 =	rddreg [dreg:$0x7]  }
0x1e: {  	p0 =	sne.s32 s10, s23  }
.Ltmp1:
0x1f: {  	_ = 	snop;
	(pc) =	sbr.rel @!p0 .LBB2_24-.Ltmp1, $3  }
0x20: {  	_ =	sdelay $0x1  }
0x21: {  	[sflag:s8] =	ssyncset.done $0x0  }
0x22: {  	[sflag:s8] =	ssyncadd.s32 $0xFFFFE000  }
.LBB2_1:
0x23: {  	s7 =	rddreg [dreg:$0x3]  }
0x24: {  	[tilespmem:s3], [sflag:$0x1] =	stream.linear.gather [hbm4b:s7+s3], $0x80, $0x38;
	[tilespmem:$0x10A00] =	vst v63  }
0x25: {  	s19 =	rddreg [dreg:$0x4]  }
0x26: {  	[tilespmem:s16], [sflag:$0x2] =	stream.linear.gather [hbm4b:s19+s3], $0x80, $0x38;
	[tilespmem:$0x10A00] =	vst v63  }
0x27: {  	s21 =	rddreg [dreg:$0x5];
	s8 =	simm.s32 $0x100  }
0x28: {  	[tilespmem:s8], [sflag:$0x3] =	stream.linear.gather [hbm4b:s21+s3], $0x80, $0x38;
	[tilespmem:$0x10A00] =	vst v63  }
0x29: {  	s23 =	rddreg [dreg:$0x6];
	s9 =	simm.s32 $0x1  }
0x2a: {  	[tilespmem:s18], [sflag:$0x4] =	stream.linear.gather [hbm4b:s23+s3], $0x80, $0x38;
	[tilespmem:$0x10A00] =	vst v63  }
0x2b: {  	_ =	swait.ge [sflag:s9], $0x80  }
0x2c: {  	[sflag:s9] =	ssyncset.done $0x0  }
0x2d: {  	s15 =	simm.s32 $0x200;
	s17 =	simm.s32 $0x2;
	[sflag:s9] =	ssyncadd.s32 $0xFFFFFF80  }
0x2e: {  	[tilespmem:s15], [sflag:$0x5] =	stream.indirect.gather [hbm4b:s4+s16], $0x40, s3, s16, $0xb8;
	[tilespmem:$0x10A00] =	vst v63  }
0x2f: {  	_ =	swait.ge [sflag:s17], $0x80  }
0x30: {  	[sflag:s17] =	ssyncset.done $0x0  }
0x31: {  	s19 =	simm.s32 $0x2200;
	s21 =	simm.s32 $0x3;
	[sflag:s17] =	ssyncadd.s32 $0xFFFFFF80  }
0x32: {  	[tilespmem:s19], [sflag:$0x6] =	stream.indirect.gather [hbm4b:s4+s16], $0x40, s16, s16, $0xb8;
	[tilespmem:$0x10A00] =	vst v63  }
0x33: {  	_ =	swait.ge [sflag:s21], $0x80  }
0x34: {  	[sflag:s21] =	ssyncset.done $0x0  }
0x35: {  	s23 =	simm.s32 $0x4200;
	[sflag:s21] =	ssyncadd.s32 $0xFFFFFF80  }
0x36: {  	[tilespmem:s23], [sflag:$0x7] =	stream.indirect.gather [hbm4b:s4+s16], $0x40, s8, s16, $0xb8;
	[tilespmem:$0x10A00] =	vst v63  }
0x37: {  	_ =	swait.ge [sflag:s25], $0x80  }
0x38: {  	[sflag:s25] =	ssyncset.done $0x0  }
0x39: {  	s15 =	simm.s32 $0x0;
	[sflag:s25] =	ssyncadd.s32 $0xFFFFFF80  }
0x3a: {  	[tilespmem:s26], [sflag:$0x8] =	stream.indirect.gather [hbm4b:s4+s16], $0x40, s18, s16, $0xb8;
	[tilespmem:$0x10A00] =	vst v63  }
.LBB2_2:
0x3b: {  	p0 =	seq.s32 s15, $0x31  }
0x3c: {  	p1 =	seq.s32 @!p0 s15, $0x0  }
0x3d: {  	s7 =	sshll.u32 s15, $0x2;
	p1 =	por p0, !p1  }
.Ltmp2:
0x3e: {  	s8 =	sadd.s32 @!p0 s7, s11;
	(pc) =	sbr.rel @!p1 .LBB2_3-.Ltmp2, $4  }
0x3f: {  	_ =	swait.ge [sflag:s28], $0x2000;
	s8 =	sshll.u32 @!p0 s8, $0x4  }
0x40: {  	[sflag:s28] =	ssyncset.done $0x0;
	s8 =	sand.u32 @!p0 $0xFFFFFC0, s8  }
0x41: {  	s17 =	simm.s32 @!p0 $0x0;
	[sflag:s28] =	ssyncadd.s32 $0xFFFFE000;
	s8 =	sadd.s32 @!p0 s5, s8  }
0x42: {  	[tilespmem:s17], [sflag:$0x1] =	stream.linear.gather @!p0 [hbm4b:s8+s17], $0x80, $0x38;
	[tilespmem:$0x10A00] =	vst v63  }
.Ltmp3:
0x43: {  	(pc) =	sbr.rel .LBB2_5-.Ltmp3, $4  }
0x44: {  	_ = 	snop  }
0x45: {  	_ =	swait.ge [sflag:s24], $0x2000  }
0x46: {  	[sflag:s24] =	ssyncset.done $0x0  }
0x47: {  	p1 =	por $0x0, $0x0;
	[sflag:s24] =	ssyncadd.s32 $0xFFFFE000  }
.LBB2_3:
0x48: {  	p1 =	por @!p0 $0x1, $0x1  }
.LBB2_5:
0x49: {  	s8 =	simm.s32 $0x0;
	s23 =	simm.s32 $0x1;
	s17 =	simm.s32 $0x2  }
0x4a: {  	s9 =	simm.s32 $0x3;
	s21 =	simm.s32 $0x4;
	s19 =	simm.s32 $0x7;
	v33 =	vmov s8;
	v34 =	vmov s23;
	v35 =	vmov s17  }
0x4b: {  	v36 =	vmov s9;
	s23 =	simm.s32 $0x5;
	v37 =	vmov s21;
	v38 =	vmov s19  }
0x4c: {  	s9 =	simm.s32 $0x6;
	v33 =	vshrl.u32 v33, $0x3;
	v39 =	vmov s23;
	v38 =	vshrl.u32 v38, $0x3  }
0x4d: {  	v40 =	vmov s9;
	v34 =	vshrl.u32 v34, $0x3;
	v35 =	vshrl.u32 v35, $0x3  }
0x4e: {  	v36 =	vshrl.u32 v36, $0x3;
	v37 =	vshrl.u32 v37, $0x3;
	v38 =	vshll.u32 v38, v1  }
0x4f: {  	v33 =	vshll.u32 v33, v1;
	v34 =	vshll.u32 v34, v1;
	v38 =	vbroadcast v38, $0x0  }
0x50: {  	s19 =	simm.s32 $0x300;
	v52 =	vshll.u32 v35, v1;
	v53 =	vshll.u32 v36, v1;
	v33 =	vbroadcast v33, $0x0  }
0x51: {  	v41 =	vld [tilespmem:s19+$0xC0];
	v54 =	vshll.u32 v37, v1;
	v45 =	vbroadcast v34, $0x0;
	v42 =	vadd.s32 v29, v38  }
0x52: {  	v43 =	vld [tilespmem:s19+$0xFFFFFF00];
	v55 =	vshrl.u32 v39, $0x3;
	v52 =	vbroadcast v52, $0x0;
	v44 =	vadd.s32 v0, v33  }
0x53: {  	v46 =	vld [tilespmem:s19+$0xFFFFFF40];
	v40 =	vshrl.u32 v40, $0x3;
	v35 =	vbroadcast v53, $0x0;
	v47 =	vadd.s32 v5, v45  }
0x54: {  	v48 =	vld [tilespmem:s19+$0xFFFFFF80];
	v34 =	vbroadcast v54, $0x0;
	v36 =	vshll.u32 v55, v1;
	v49 =	vadd.s32 v9, v52  }
0x55: {  	v39 =	vld [tilespmem:s19+$0xFFFFFFC0];
	v56 =	vshll.u32 v40, v1;
	v37 =	vbroadcast v36, $0x0;
	v50 =	vadd.s32 v13, v35  }
0x56: {  	v51 =	vld [tilespmem:s19+$0x0];
	v36 =	vbroadcast v56, $0x0;
	v53 =	vadd.s32 v17, v34;
	[tilespmem:v42+s29+$0x0] =	vst.idx.msk $0xffff, v41  }
0x57: {  	v59 =	vld [tilespmem:s19+$0x40];
	v60 =	vadd.s32 v21, v37;
	[tilespmem:v44+s29+$0x0] =	vst.idx.msk $0xffff, v43  }
0x58: {  	v61 =	vld [tilespmem:s19+$0x80];
	v62 =	vadd.s32 v25, v36;
	[tilespmem:v47+s29+$0x0] =	vst.idx.msk $0xffff, v46  }
0x59: {  	v58 =	vadd.s32 v30, v38;
	[tilespmem:v49+s29+$0x0] =	vst.idx.msk $0xffff, v48;
	v57 =	vld [tilespmem:s19+$0xD0]  }
0x5a: {  	v63 =	vadd.s32 v6, v45;
	[tilespmem:v50+s29+$0x0] =	vst.idx.msk $0xffff, v39;
	v47 =	vld [tilespmem:s19+$0xFFFFFF50]  }
0x5b: {  	v55 =	vadd.s32 v10, v52;
	[tilespmem:v53+s29+$0x0] =	vst.idx.msk $0xffff, v51;
	v54 =	vld [tilespmem:s19+$0xFFFFFF90]  }
0x5c: {  	v56 =	vadd.s32 v14, v35;
	v50 =	vld [tilespmem:s19+$0xFFFFFFD0];
	[tilespmem:v60+s29+$0x0] =	vst.idx.msk $0xffff, v59  }
0x5d: {  	[tilespmem:v62+s29+$0x0] =	vst.idx.msk $0xffff, v61;
	v61 =	vld [tilespmem:s19+$0xFFFFFF10];
	v62 =	vadd.s32 v2, v33  }
0x5e: {  	v59 =	vadd.s32 v18, v34;
	[tilespmem:v58+s29+$0x0] =	vst.idx.msk $0xffff, v57;
	v58 =	vld [tilespmem:s19+$0x10]  }
0x5f: {  	v57 =	vadd.s32 v31, v38;
	[tilespmem:v63+s29+$0x0] =	vst.idx.msk $0xffff, v47;
	v40 =	vld [tilespmem:s19+$0xE0]  }
0x60: {  	v46 =	vadd.s32 v22, v37;
	v44 =	vld [tilespmem:s19+$0x50];
	[tilespmem:v55+s29+$0x0] =	vst.idx.msk $0xffff, v54  }
0x61: {  	v60 =	vadd.s32 v26, v36;
	v63 =	vld [tilespmem:s19+$0x90];
	[tilespmem:v56+s29+$0x0] =	vst.idx.msk $0xffff, v50  }
0x62: {  	v51 =	vadd.s32 v7, v45;
	[tilespmem:v62+s29+$0x0] =	vst.idx.msk $0xffff, v61;
	v50 =	vld [tilespmem:s19+$0xFFFFFF60]  }
0x63: {  	v56 =	vadd.s32 v11, v52;
	v55 =	vld [tilespmem:s19+$0xFFFFFFA0];
	[tilespmem:v59+s29+$0x0] =	vst.idx.msk $0xffff, v58  }
0x64: {  	v58 =	vadd.s32 v15, v35;
	[tilespmem:v57+s29+$0x0] =	vst.idx.msk $0xffff, v40;
	v57 =	vld [tilespmem:s19+$0xFFFFFFE0]  }
0x65: {  	v38 =	vadd.s32 v32, v38;
	[tilespmem:v46+s29+$0x0] =	vst.idx.msk $0xffff, v44;
	v54 =	vld [tilespmem:s19+$0xF0]  }
0x66: {  	s21 =	simm.s32 $0x9;
	[tilespmem:v60+s29+$0x0] =	vst.idx.msk $0xffff, v63;
	v60 =	vadd.s32 v19, v34;
	v59 =	vld [tilespmem:s19+$0x20]  }
0x67: {  	s17 =	simm.s32 $0x8;
	v41 =	vadd.s32 v23, v37;
	v53 =	vmov s21;
	[tilespmem:v51+s29+$0x0] =	vst.idx.msk $0xffff, v50;
	v40 =	vld [tilespmem:s19+$0x60]  }
0x68: {  	s9 =	simm.s32 $0xB;
	v43 =	vadd.s32 v27, v36;
	v48 =	vadd.s32 v3, v33;
	v63 =	vmov s17;
	v42 =	vld [tilespmem:s19+$0xA0];
	[tilespmem:v56+s29+$0x0] =	vst.idx.msk $0xffff, v55  }
0x69: {  	s23 =	simm.s32 $0xA;
	v52 =	vadd.s32 v12, v52;
	v44 =	vmov s9;
	v46 =	vld [tilespmem:s19+$0xFFFFFF20];
	s17 =	simm.s32 $0xC;
	v39 =	vshrl.u32 v63, $0x3;
	[tilespmem:v58+s29+$0x0] =	vst.idx.msk $0xffff, v57  }
0x6a: {  	s21 =	simm.s32 $0xD;
	v47 =	vmov s17;
	v51 =	vadd.s32 v8, v45;
	v49 =	vld [tilespmem:s19+$0xFFFFFF70];
	[tilespmem:v38+s29+$0x0] =	vst.idx.msk $0xffff, v54;
	v54 =	vmov s23;
	s23 =	simm.s32 $0xE  }
0x6b: {  	v45 =	vshll.u32 v39, v1;
	v50 =	vld [tilespmem:s19+$0xFFFFFFB0];
	[tilespmem:v60+s29+$0x0] =	vst.idx.msk $0xffff, v59;
	v38 =	vmov s21;
	s21 =	simm.s32 $0x10;
	v39 =	vmov s23;
	s23 =	simm.s32 $0xF  }
.LBB2_6:
0x6c: {  	p2 =	slt.u32 s21, $0x78;
	v53 =	vshrl.u32 v53, $0x3;
	v55 =	vmov s23;
	v56 =	vld [tilespmem:s19+$0xFFFFFFF0];
	v35 =	vadd.s32 v16, v35;
	[tilespmem:v41+s29+$0x0] =	vst.idx.msk $0xffff, v40  }
0x6d: {  	v40 =	vshrl.u32 v54, $0x3;
	v34 =	vadd.s32 v20, v34;
	v41 =	vshrl.u32 v55, $0x3;
	v54 =	vld [tilespmem:s19+$0x30];
	[tilespmem:v43+s29+$0x0] =	vst.idx.msk $0xffff, v42  }
0x6e: {  	v37 =	vadd.s32 v24, v37;
	v42 =	vshrl.u32 v44, $0x3;
	v41 =	vshll.u32 v41, v1;
	[tilespmem:v48+s29+$0x0] =	vst.idx.msk $0xffff, v46;
	v43 =	vld [tilespmem:s19+$0x70]  }
0x6f: {  	v36 =	vadd.s32 v28, v36;
	v44 =	vshrl.u32 v47, $0x3;
	v41 =	vbroadcast v41, $0x0;
	[tilespmem:v51+s29+$0x0] =	vst.idx.msk $0xffff, v49;
	v46 =	vld [tilespmem:s19+$0xB0]  }
0x70: {  	v47 =	vshll.u32 v53, v1;
	v49 =	vadd.s32 v4, v33;
	v33 =	vbroadcast v45, $0x0;
	v48 =	vld [tilespmem:s19+$0xFFFFFF30];
	[tilespmem:v52+s29+$0x0] =	vst.idx.msk $0xffff, v50;
	s19 =	sadd.s32 $0x200, s19  }
0x71: {  	v40 =	vshll.u32 v40, v1;
	v45 =	vbroadcast v47, $0x0;
	v47 =	vld [tilespmem:s19+$0xC0];
	v50 =	vadd.s32 v29, v41;
	[tilespmem:v35+s29+$0x0] =	vst.idx.msk $0xffff, v56  }
0x72: {  	v55 =	vbroadcast v40, $0x0;
	v52 =	vadd.s32 v0, v33;
	v35 =	vshll.u32 v42, v1;
	v51 =	vld [tilespmem:s19+$0xFFFFFF00];
	[tilespmem:v34+s29+$0x0] =	vst.idx.msk $0xffff, v54  }
0x73: {  	v42 =	vadd.s32 v5, v45;
	v35 =	vbroadcast v35, $0x0;
	v34 =	vshll.u32 v44, v1;
	v40 =	vld [tilespmem:s19+$0xFFFFFF40];
	[tilespmem:v37+s29+$0x0] =	vst.idx.msk $0xffff, v43  }
0x74: {  	v44 =	vadd.s32 v9, v55;
	v34 =	vbroadcast v34, $0x0;
	v37 =	vshrl.u32 v38, $0x3;
	v43 =	vld [tilespmem:s19+$0xFFFFFF80];
	[tilespmem:v36+s29+$0x0] =	vst.idx.msk $0xffff, v46  }
0x75: {  	v39 =	vshrl.u32 v39, $0x3;
	v46 =	vadd.s32 v13, v35;
	v36 =	vshll.u32 v37, v1;
	v38 =	vld [tilespmem:s19+$0xFFFFFFC0];
	[tilespmem:v49+s29+$0x0] =	vst.idx.msk $0xffff, v48  }
0x76: {  	v49 =	vadd.s32 v17, v34;
	v37 =	vbroadcast v36, $0x0;
	v36 =	vshll.u32 v39, v1;
	v48 =	vld [tilespmem:s19+$0x0];
	[tilespmem:v50+s29+$0x0] =	vst.idx.msk $0xffff, v47  }
0x77: {  	v36 =	vbroadcast v36, $0x0;
	v47 =	vadd.s32 v30, v41;
	[tilespmem:v52+s29+$0x0] =	vst.idx.msk $0xffff, v51;
	v39 =	vld [tilespmem:s19+$0xD0]  }
0x78: {  	[tilespmem:v42+s29+$0x0] =	vst.idx.msk $0xffff, v40;
	v40 =	vld [tilespmem:s19+$0x40];
	v42 =	vadd.s32 v21, v37  }
0x79: {  	[tilespmem:v44+s29+$0x0] =	vst.idx.msk $0xffff, v43;
	v43 =	vld [tilespmem:s19+$0x80];
	v44 =	vadd.s32 v25, v36  }
0x7a: {  	v51 =	vadd.s32 v6, v45;
	v50 =	vld [tilespmem:s19+$0xFFFFFF50];
	[tilespmem:v46+s29+$0x0] =	vst.idx.msk $0xffff, v38  }
0x7b: {  	v46 =	vadd.s32 v10, v55;
	v38 =	vld [tilespmem:s19+$0xFFFFFF90];
	[tilespmem:v49+s29+$0x0] =	vst.idx.msk $0xffff, v48  }
0x7c: {  	v49 =	vadd.s32 v14, v35;
	v48 =	vld [tilespmem:s19+$0xFFFFFFD0];
	[tilespmem:v47+s29+$0x0] =	vst.idx.msk $0xffff, v39  }
0x7d: {  	[tilespmem:v42+s29+$0x0] =	vst.idx.msk $0xffff, v40;
	v39 =	vld [tilespmem:s19+$0xE0];
	v40 =	vadd.s32 v31, v41  }
0x7e: {  	v47 =	vadd.s32 v18, v34;
	v42 =	vld [tilespmem:s19+$0x10];
	[tilespmem:v44+s29+$0x0] =	vst.idx.msk $0xffff, v43  }
0x7f: {  	v44 =	vadd.s32 v22, v37;
	[tilespmem:v51+s29+$0x0] =	vst.idx.msk $0xffff, v50;
	v43 =	vld [tilespmem:s19+$0x50]  }
0x80: {  	[tilespmem:v46+s29+$0x0] =	vst.idx.msk $0xffff, v38;
	v38 =	vld [tilespmem:s19+$0x90];
	v46 =	vadd.s32 v26, v36  }
0x81: {  	v51 =	vadd.s32 v2, v33;
	v50 =	vld [tilespmem:s19+$0xFFFFFF10];
	[tilespmem:v49+s29+$0x0] =	vst.idx.msk $0xffff, v48  }
0x82: {  	v49 =	vadd.s32 v7, v45;
	v48 =	vld [tilespmem:s19+$0xFFFFFF60];
	[tilespmem:v40+s29+$0x0] =	vst.idx.msk $0xffff, v39  }
0x83: {  	[tilespmem:v47+s29+$0x0] =	vst.idx.msk $0xffff, v42;
	v39 =	vld [tilespmem:s19+$0xF0];
	v47 =	vadd.s32 v32, v41  }
0x84: {  	v56 =	vadd.s32 v11, v55;
	v52 =	vld [tilespmem:s19+$0xFFFFFFA0];
	[tilespmem:v44+s29+$0x0] =	vst.idx.msk $0xffff, v43  }
0x85: {  	v58 =	vadd.s32 v15, v35;
	v57 =	vld [tilespmem:s19+$0xFFFFFFE0];
	[tilespmem:v46+s29+$0x0] =	vst.idx.msk $0xffff, v38  }
0x86: {  	v60 =	vadd.s32 v19, v34;
	[tilespmem:v51+s29+$0x0] =	vst.idx.msk $0xffff, v50;
	v59 =	vld [tilespmem:s19+$0x20]  }
.Ltmp4:
0x87: {  	s8 =	sadd.s32 $0x1, s21;
	v41 =	vadd.s32 v23, v37;
	v38 =	vmov s21;
	[tilespmem:v49+s29+$0x0] =	vst.idx.msk $0xffff, v48;
	v40 =	vld [tilespmem:s19+$0x60];
	(pc) =	sbr.rel @p2 .LBB2_6-.Ltmp4, $4  }
0x88: {  	s17 =	sadd.s32 $0x3, s21;
	v53 =	vmov s8;
	s8 =	sadd.s32 $0x2, s21;
	v43 =	vadd.s32 v27, v36;
	v50 =	vshrl.u32 v38, $0x3;
	v42 =	vld [tilespmem:s19+$0xA0];
	[tilespmem:v47+s29+$0x0] =	vst.idx.msk $0xffff, v39  }
0x89: {  	v54 =	vmov s8;
	s8 =	sadd.s32 $0x4, s21;
	v44 =	vmov s17;
	s17 =	sadd.s32 $0x5, s21;
	v48 =	vadd.s32 v3, v33;
	v46 =	vld [tilespmem:s19+$0xFFFFFF20];
	[tilespmem:v56+s29+$0x0] =	vst.idx.msk $0xffff, v52  }
0x8a: {  	v38 =	vmov s17;
	v51 =	vadd.s32 v8, v45;
	v47 =	vmov s8;
	s8 =	sadd.s32 $0x6, s21;
	v49 =	vld [tilespmem:s19+$0xFFFFFF70];
	[tilespmem:v58+s29+$0x0] =	vst.idx.msk $0xffff, v57  }
0x8b: {  	s23 =	sadd.s32 $0x7, s21;
	v45 =	vshll.u32 v50, v1;
	s21 =	sadd.s32 $0x8, s21;
	v39 =	vmov s8;
	v52 =	vadd.s32 v12, v55;
	v50 =	vld [tilespmem:s19+$0xFFFFFFB0];
	[tilespmem:v60+s29+$0x0] =	vst.idx.msk $0xffff, v59  }
0x8c: {  	_ =	sdelay $0x2  }
0x8d: {  	v53 =	vshrl.u32 v53, $0x3  }
0x8e: {  	v55 =	vmov s23;
	v56 =	vld [tilespmem:s19+$0xFFFFFFF0];
	v35 =	vadd.s32 v16, v35;
	[tilespmem:v41+s29+$0x0] =	vst.idx.msk $0xffff, v40;
	v57 =	vshrl.u32 v54, $0x3  }
0x8f: {  	v59 =	vld [tilespmem:s19+$0x30];
	v34 =	vadd.s32 v20, v34;
	v60 =	vshrl.u32 v44, $0x3;
	v58 =	vshrl.u32 v55, $0x3;
	[tilespmem:v43+s29+$0x0] =	vst.idx.msk $0xffff, v42  }
0x90: {  	v37 =	vadd.s32 v24, v37;
	v62 =	vshrl.u32 v47, $0x3;
	v61 =	vld [tilespmem:s19+$0x70];
	v41 =	vshll.u32 v58, v1;
	[tilespmem:v48+s29+$0x0] =	vst.idx.msk $0xffff, v46  }
0x91: {  	v36 =	vadd.s32 v28, v36;
	v45 =	vbroadcast v45, $0x0;
	v63 =	vld [tilespmem:s19+$0xB0];
	v41 =	vbroadcast v41, $0x0;
	[tilespmem:v51+s29+$0x0] =	vst.idx.msk $0xffff, v49  }
0x92: {  	v33 =	vadd.s32 v4, v33;
	s21 =	sadd.s32 $0x200, s19;
	v38 =	vshrl.u32 v38, $0x3;
	v55 =	vshll.u32 v53, v1;
	v48 =	vld [tilespmem:s19+$0xFFFFFF30];
	[tilespmem:v52+s29+$0x0] =	vst.idx.msk $0xffff, v50  }
0x93: {  	v40 =	vshll.u32 v57, v1;
	v47 =	vbroadcast v55, $0x0;
	v49 =	vld [tilespmem:s21+$0xC0];
	v50 =	vadd.s32 v29, v41;
	[tilespmem:v35+s29+$0x0] =	vst.idx.msk $0xffff, v56  }
0x94: {  	v42 =	vshll.u32 v60, v1;
	v40 =	vbroadcast v40, $0x0;
	v35 =	vld [tilespmem:s21+$0xFFFFFF00];
	v56 =	vadd.s32 v0, v45;
	[tilespmem:v34+s29+$0x0] =	vst.idx.msk $0xffff, v59  }
0x95: {  	v57 =	vld [tilespmem:s21+$0xFFFFFF40];
	v44 =	vshll.u32 v62, v1;
	v42 =	vbroadcast v42, $0x0;
	v58 =	vadd.s32 v5, v47;
	[tilespmem:v37+s29+$0x0] =	vst.idx.msk $0xffff, v61  }
0x96: {  	v38 =	vshll.u32 v38, v1;
	v44 =	vbroadcast v44, $0x0;
	v60 =	vadd.s32 v9, v40;
	v59 =	vld [tilespmem:s21+$0xFFFFFF80];
	[tilespmem:v36+s29+$0x0] =	vst.idx.msk $0xffff, v63  }
0x97: {  	v38 =	vbroadcast v38, $0x0;
	v62 =	vadd.s32 v13, v42;
	v61 =	vld [tilespmem:s21+$0xFFFFFFC0];
	[tilespmem:v33+s29+$0x0] =	vst.idx.msk $0xffff, v48  }
0x98: {  	v39 =	vshrl.u32 v39, $0x3;
	v63 =	vadd.s32 v17, v44;
	v33 =	vld [tilespmem:s21+$0x0];
	[tilespmem:v50+s29+$0x0] =	vst.idx.msk $0xffff, v49  }
0x99: {  	v39 =	vshll.u32 v39, v1;
	v34 =	vld [tilespmem:s21+$0x40];
	[tilespmem:v56+s29+$0x0] =	vst.idx.msk $0xffff, v35;
	v56 =	vadd.s32 v21, v38  }
0x9a: {  	[tilespmem:v58+s29+$0x0] =	vst.idx.msk $0xffff, v57;
	v35 =	vbroadcast v39, $0x0;
	v49 =	vadd.s32 v30, v41;
	v39 =	vld [tilespmem:s21+$0xD0]  }
0x9b: {  	[tilespmem:v60+s29+$0x0] =	vst.idx.msk $0xffff, v59;
	v59 =	vld [tilespmem:s21+$0xFFFFFF50];
	v60 =	vadd.s32 v6, v47  }
0x9c: {  	v57 =	vld [tilespmem:s21+$0x80];
	[tilespmem:v62+s29+$0x0] =	vst.idx.msk $0xffff, v61;
	v58 =	vadd.s32 v25, v35  }
0x9d: {  	v61 =	vld [tilespmem:s21+$0xFFFFFF90];
	v62 =	vadd.s32 v10, v40;
	[tilespmem:v63+s29+$0x0] =	vst.idx.msk $0xffff, v33  }
0x9e: {  	v33 =	vld [tilespmem:s21+$0xFFFFFFD0];
	v63 =	vadd.s32 v14, v42;
	[tilespmem:v56+s29+$0x0] =	vst.idx.msk $0xffff, v34  }
0x9f: {  	v56 =	vadd.s32 v18, v44;
	[tilespmem:v49+s29+$0x0] =	vst.idx.msk $0xffff, v39;
	v49 =	vld [tilespmem:s21+$0x10]  }
0xa0: {  	[tilespmem:v60+s29+$0x0] =	vst.idx.msk $0xffff, v59;
	v39 =	vadd.s32 v31, v41;
	v34 =	vld [tilespmem:s21+$0xE0]  }
0xa1: {  	[tilespmem:v58+s29+$0x0] =	vst.idx.msk $0xffff, v57;
	v57 =	vld [tilespmem:s21+$0x50];
	v58 =	vadd.s32 v22, v38  }
0xa2: {  	[tilespmem:v62+s29+$0x0] =	vst.idx.msk $0xffff, v61;
	v61 =	vld [tilespmem:s21+$0xFFFFFF10];
	v62 =	vadd.s32 v2, v45  }
0xa3: {  	v60 =	vadd.s32 v26, v35;
	v59 =	vld [tilespmem:s21+$0x90];
	[tilespmem:v63+s29+$0x0] =	vst.idx.msk $0xffff, v33  }
0xa4: {  	v55 =	vadd.s32 v11, v40;
	v54 =	vadd.s32 v32, v41;
	v41 =	vld [tilespmem:s21+$0xFFFFFFA0];
	[tilespmem:v56+s29+$0x0] =	vst.idx.msk $0xffff, v49  }
0xa5: {  	v53 =	vadd.s32 v7, v47;
	v63 =	vld [tilespmem:s21+$0xFFFFFF60];
	[tilespmem:v39+s29+$0x0] =	vst.idx.msk $0xffff, v34  }
0xa6: {  	v56 =	vld [tilespmem:s21+$0xFFFFFFE0];
	[tilespmem:v58+s29+$0x0] =	vst.idx.msk $0xffff, v57;
	v57 =	vadd.s32 v15, v42  }
0xa7: {  	[tilespmem:v62+s29+$0x0] =	vst.idx.msk $0xffff, v61;
	v34 =	vld [tilespmem:s21+$0xF0]  }
0xa8: {  	v58 =	vld [tilespmem:s21+$0x20];
	[tilespmem:v60+s29+$0x0] =	vst.idx.msk $0xffff, v59;
	v59 =	vadd.s32 v19, v44  }
0xa9: {  	v61 =	vadd.s32 v23, v38;
	[tilespmem:v55+s29+$0x0] =	vst.idx.msk $0xffff, v41;
	v60 =	vld [tilespmem:s21+$0x60]  }
0xaa: {  	[tilespmem:v53+s29+$0x0] =	vst.idx.msk $0xffff, v63;
	v63 =	vadd.s32 v27, v35;
	v62 =	vld [tilespmem:s21+$0xA0]  }
0xab: {  	v47 =	vadd.s32 v8, v47;
	v55 =	vld [tilespmem:s21+$0xFFFFFF70];
	[tilespmem:v57+s29+$0x0] =	vst.idx.msk $0xffff, v56  }
0xac: {  	v53 =	vld [tilespmem:s21+$0xFFFFFF20];
	[tilespmem:v54+s29+$0x0] =	vst.idx.msk $0xffff, v34;
	v54 =	vadd.s32 v3, v45  }
0xad: {  	v40 =	vadd.s32 v12, v40;
	v56 =	vld [tilespmem:s21+$0xFFFFFFB0];
	[tilespmem:v59+s29+$0x0] =	vst.idx.msk $0xffff, v58  }
0xae: {  	v42 =	vadd.s32 v16, v42;
	v57 =	vld [tilespmem:s21+$0xFFFFFFF0];
	[tilespmem:v61+s29+$0x0] =	vst.idx.msk $0xffff, v60  }
0xaf: {  	v59 =	vadd.s32 v20, v44;
	v58 =	vld [tilespmem:s21+$0x30];
	[tilespmem:v63+s29+$0x0] =	vst.idx.msk $0xffff, v62  }
0xb0: {  	v38 =	vadd.s32 v24, v38;
	v60 =	vld [tilespmem:s21+$0x70];
	[tilespmem:v47+s29+$0x0] =	vst.idx.msk $0xffff, v55  }
0xb1: {  	v35 =	vadd.s32 v28, v35;
	v61 =	vld [tilespmem:s21+$0xB0];
	[tilespmem:v54+s29+$0x0] =	vst.idx.msk $0xffff, v53  }
0xb2: {  	v63 =	vadd.s32 v4, v45;
	[tilespmem:v40+s29+$0x0] =	vst.idx.msk $0xffff, v56;
	v62 =	vld [tilespmem:s21+$0xFFFFFF30]  }
0xb3: {  	s8 =	sadd.s32 s6, s7;
	[tilespmem:v42+s29+$0x0] =	vst.idx.msk $0xffff, v57  }
0xb4: {  	s17 =	sshll.u32 s8, $0x7;
	[tilespmem:v59+s29+$0x0] =	vst.idx.msk $0xffff, v58  }
0xb5: {  	s8 =	sshll.u32 s8, $0xA;
	s17 =	sand.u32 $0xE00, s17;
	[tilespmem:v38+s29+$0x0] =	vst.idx.msk $0xffff, v60  }
0xb6: {  	s8 =	sand.u32 $0xFFF8000, s8;
	s17 =	sadd.s32 s2, s17;
	[tilespmem:v35+s29+$0x0] =	vst.idx.msk $0xffff, v61  }
0xb7: {  	s23 =	simm.s32 $0x8200;
	s21 =	sadd.s32 s8, s17;
	[tilespmem:v63+s29+$0x0] =	vst.idx.msk $0xffff, v62  }
0xb8: {  	[hbm4b:s21+s3] =	stream.linear.scatter [tilespmem:s23], [sflag:$0x9], $0x80, $0x38;
	[tilespmem:$0x10A00] =	vst v63  }
0xb9: {  	s9 =	simm.s32 $0x8288;
	s17 =	sadd.s32 $0x10, s21  }
0xba: {  	[hbm4b:s17+s3] =	stream.linear.scatter [tilespmem:s9], [sflag:$0x9], $0x80, $0x38;
	[tilespmem:$0x10A00] =	vst v63  }
0xbb: {  	s19 =	sadd.s32 $0x20, s21;
	s17 =	simm.s32 $0x8310  }
0xbc: {  	[hbm4b:s19+s3] =	stream.linear.scatter [tilespmem:s17], [sflag:$0x9], $0x80, $0x38;
	[tilespmem:$0x10A00] =	vst v63  }
0xbd: {  	s23 =	simm.s32 $0x8398;
	s9 =	sadd.s32 $0x30, s21  }
0xbe: {  	[hbm4b:s9+s3] =	stream.linear.scatter [tilespmem:s23], [sflag:$0x9], $0x80, $0x38;
	[tilespmem:$0x10A00] =	vst v63  }
0xbf: {  	s17 =	simm.s32 $0x8420;
	s19 =	sadd.s32 $0x40, s21  }
0xc0: {  	[hbm4b:s19+s3] =	stream.linear.scatter [tilespmem:s17], [sflag:$0x9], $0x80, $0x38;
	[tilespmem:$0x10A00] =	vst v63  }
0xc1: {  	s8 =	sadd.s32 $0x70, s21;
	s23 =	simm.s32 $0x84A8;
	s9 =	sadd.s32 $0x50, s21  }
0xc2: {  	[hbm4b:s9+s3] =	stream.linear.scatter [tilespmem:s23], [sflag:$0x9], $0x80, $0x38;
	[tilespmem:$0x10A00] =	vst v63  }
0xc3: {  	s19 =	simm.s32 $0x8530;
	s17 =	simm.s32 $0x85B8;
	s23 =	sadd.s32 $0x60, s21  }
0xc4: {  	[hbm4b:s23+s3] =	stream.linear.scatter [tilespmem:s19], [sflag:$0x9], $0x80, $0x38;
	[tilespmem:$0x10A00] =	vst v63  }
0xc5: {  	s21 =	sadd.s32 $0x1000, s21;
	s19 =	simm.s32 $0x440;
	s23 =	simm.s32 $0x2200  }
.LBB2_8:
0xc6: {  	[hbm4b:s8+s3] =	stream.linear.scatter [tilespmem:s17], [sflag:$0x9], $0x80, $0x38;
	[tilespmem:$0x10A00] =	vst v63  }
0xc7: {  	s8 =	smov.u32 s19;
	s17 =	smov.u32 s23  }
0xc8: {  	s9 =	sadd.s32 $0x1100, s23;
	s19 =	sshra.s32 s17, $0x2;
	s17 =	sadd.s32 $0x8200, s8  }
0xc9: {  	[hbm4b:s21+s3] =	stream.linear.scatter [tilespmem:s17], [sflag:$0x9], $0x80, $0x38;
	[tilespmem:$0x10A00] =	vst v63  }
0xca: {  	p2 =	sne.s32 s23, $0x7700;
	s23 =	sadd.s32 $0x10, s21;
	s17 =	sadd.s32 $0x8288, s8  }
0xcb: {  	[hbm4b:s23+s3] =	stream.linear.scatter [tilespmem:s17], [sflag:$0x9], $0x80, $0x38;
	[tilespmem:$0x10A00] =	vst v63  }
0xcc: {  	s17 =	sadd.s32 $0x8310, s8;
	s23 =	sadd.s32 $0x20, s21  }
0xcd: {  	[hbm4b:s23+s3] =	stream.linear.scatter [tilespmem:s17], [sflag:$0x9], $0x80, $0x38;
	[tilespmem:$0x10A00] =	vst v63  }
0xce: {  	s17 =	sadd.s32 $0x8398, s8;
	s23 =	sadd.s32 $0x30, s21  }
0xcf: {  	[hbm4b:s23+s3] =	stream.linear.scatter [tilespmem:s17], [sflag:$0x9], $0x80, $0x38;
	[tilespmem:$0x10A00] =	vst v63  }
0xd0: {  	s17 =	sadd.s32 $0x8420, s8;
	s23 =	sadd.s32 $0x40, s21  }
0xd1: {  	[hbm4b:s23+s3] =	stream.linear.scatter [tilespmem:s17], [sflag:$0x9], $0x80, $0x38;
	[tilespmem:$0x10A00] =	vst v63  }
0xd2: {  	s17 =	sadd.s32 $0x84A8, s8;
	s23 =	sadd.s32 $0x50, s21  }
0xd3: {  	[hbm4b:s23+s3] =	stream.linear.scatter [tilespmem:s17], [sflag:$0x9], $0x80, $0x38;
	[tilespmem:$0x10A00] =	vst v63  }
.Ltmp5:
0xd4: {  	_ = 	snop;
	(pc) =	sbr.rel @p2 .LBB2_8-.Ltmp5, $4  }
0xd5: {  	s17 =	sadd.s32 $0x8530, s8;
	s23 =	sadd.s32 $0x60, s21  }
0xd6: {  	[hbm4b:s23+s3] =	stream.linear.scatter [tilespmem:s17], [sflag:$0x9], $0x80, $0x38;
	[tilespmem:$0x10A00] =	vst v63  }
0xd7: {  	s17 =	sadd.s32 $0x85B8, s8  }
0xd8: {  	s8 =	sadd.s32 $0x70, s21;
	s21 =	sadd.s32 $0x1000, s21;
	s23 =	smov.u32 s9  }
0xd9: {  	[hbm4b:s8+s3] =	stream.linear.scatter [tilespmem:s17], [sflag:$0x9], $0x80, $0x38;
	[tilespmem:$0x10A00] =	vst v63  }
0xda: {  	s17 =	sadd.s32 $0x8200, s19  }
0xdb: {  	[hbm4b:s21+s3] =	stream.linear.scatter [tilespmem:s17], [sflag:$0x9], $0x80, $0x38;
	[tilespmem:$0x10A00] =	vst v63  }
0xdc: {  	s23 =	sadd.s32 $0x8288, s19;
	s9 =	sadd.s32 $0x10, s21  }
0xdd: {  	[hbm4b:s9+s3] =	stream.linear.scatter [tilespmem:s23], [sflag:$0x9], $0x80, $0x38;
	[tilespmem:$0x10A00] =	vst v63  }
0xde: {  	s17 =	sadd.s32 $0x8310, s19;
	s23 =	sadd.s32 $0x20, s21  }
0xdf: {  	[hbm4b:s23+s3] =	stream.linear.scatter [tilespmem:s17], [sflag:$0x9], $0x80, $0x38;
	[tilespmem:$0x10A00] =	vst v63  }
0xe0: {  	s17 =	sadd.s32 $0x8398, s19;
	s23 =	sadd.s32 $0x30, s21  }
0xe1: {  	[hbm4b:s23+s3] =	stream.linear.scatter [tilespmem:s17], [sflag:$0x9], $0x80, $0x38;
	[tilespmem:$0x10A00] =	vst v63  }
0xe2: {  	s17 =	sadd.s32 $0x8420, s19;
	s23 =	sadd.s32 $0x40, s21  }
0xe3: {  	[hbm4b:s23+s3] =	stream.linear.scatter [tilespmem:s17], [sflag:$0x9], $0x80, $0x38;
	[tilespmem:$0x10A00] =	vst v63  }
0xe4: {  	s17 =	sadd.s32 $0x84A8, s19;
	s23 =	sadd.s32 $0x50, s21  }
0xe5: {  	[hbm4b:s23+s3] =	stream.linear.scatter [tilespmem:s17], [sflag:$0x9], $0x80, $0x38;
	[tilespmem:$0x10A00] =	vst v63  }
0xe6: {  	s9 =	sadd.s32 $0x8530, s19;
	s17 =	sadd.s32 $0x60, s21  }
0xe7: {  	[hbm4b:s17+s3] =	stream.linear.scatter [tilespmem:s9], [sflag:$0x9], $0x80, $0x38;
	[tilespmem:$0x10A00] =	vst v63  }
0xe8: {  	s8 =	simm.s32 @!p0 $0x1;
	s19 =	sadd.s32 $0x85B8, s19;
	s23 =	sadd.s32 $0x70, s21  }
0xe9: {  	[hbm4b:s23+s3] =	stream.linear.scatter [tilespmem:s19], [sflag:$0x9], $0x80, $0x38;
	[tilespmem:$0x10A00] =	vst v63  }
0xea: {  	_ =	swait.ge @!p0 [sflag:s8], $0x80  }
0xeb: {  	s21 =	simm.s32 $0x2;
	s9 =	simm.s32 @!p0 $0x0;
	[sflag:s8] =	ssyncset.done @!p0 $0x0  }
0xec: {  	s17 =	simm.s32 @!p0 $0x200;
	[sflag:s8] =	ssyncadd.s32 @!p0 $0xFFFFFF80;
	s8 =	simm.s32 @!p0 $0x80  }
0xed: {  	[tilespmem:s17], [sflag:$0x5] =	stream.indirect.gather @!p0 [hbm4b:s4+s8], $0x40, s9, s8, $0xb8;
	[tilespmem:$0x10A00] =	vst v63  }
0xee: {  	v35 =	vmov s21;
	s21 =	simm.s32 $0x5;
	s19 =	simm.s32 $0x1;
	s17 =	sadd.s32 @!p0 s7, s12  }
0xef: {  	s23 =	simm.s32 $0x3;
	_ =	swait.ge [sflag:s30], $0x2000;
	s17 =	sshll.u32 @!p0 s17, $0x4  }
0xf0: {  	v39 =	vmov s21;
	v35 =	vshrl.u32 v35, $0x3;
	v34 =	vmov s19;
	s19 =	simm.s32 $0x7;
	[sflag:s30] =	ssyncset.done $0x0;
	s17 =	sand.u32 @!p0 $0xFFFFFD0, s17  }
0xf1: {  	v51 =	vshll.u32 v35, v1;
	v55 =	vshrl.u32 v39, $0x3;
	v36 =	vmov s23;
	s23 =	simm.s32 $0x6;
	[sflag:s30] =	ssyncadd.s32 $0xFFFFE000;
	s17 =	sadd.s32 @!p0 s5, s17  }
0xf2: {  	v53 =	vbroadcast v51, $0x0;
	v38 =	vmov s19;
	v40 =	vmov s23;
	[tilespmem:s8], [sflag:$0x2] =	stream.linear.gather @!p0 [hbm4b:s17+s9], $0x80, $0x38;
	[tilespmem:$0x10A00] =	vst v63  }
0xf3: {  	v34 =	vshrl.u32 v34, $0x3;
	v36 =	vshrl.u32 v36, $0x3;
	v38 =	vshrl.u32 v38, $0x3;
	s9 =	simm.s32 @!p1 $0xA  }
0xf4: {  	v49 =	vadd.s32 v9, v53;
	v34 =	vshll.u32 v34, v1;
	v38 =	vshll.u32 v38, v1;
	_ =	swait.ge @!p1 [sflag:s9], $0x2000  }
0xf5: {  	v52 =	vshll.u32 v36, v1;
	v36 =	vshll.u32 v55, v1;
	v38 =	vbroadcast v38, $0x0;
	s17 =	simm.s32 $0x0;
	[sflag:s9] =	ssyncset.done @!p1 $0x0  }
0xf6: {  	s21 =	simm.s32 $0x23F0;
	v40 =	vshrl.u32 v40, $0x3;
	v47 =	vbroadcast v34, $0x0;
	v33 =	vmov s17;
	[sflag:s9] =	ssyncadd.s32 @!p1 $0xFFFFE000  }
0xf7: {  	v35 =	vbroadcast v52, $0x0;
	v42 =	vadd.s32 v29, v38;
	s17 =	simm.s32 $0x4;
	v33 =	vshrl.u32 v33, $0x3;
	v41 =	vld [tilespmem:s21+$0xFFFFFFD0]  }
0xf8: {  	v46 =	vadd.s32 v5, v47;
	v37 =	vmov s17;
	v33 =	vshll.u32 v33, v1;
	v45 =	vld [tilespmem:s21+$0xFFFFFE50]  }
0xf9: {  	v56 =	vshll.u32 v40, v1;
	v37 =	vshrl.u32 v37, $0x3;
	v33 =	vbroadcast v33, $0x0;
	v48 =	vld [tilespmem:s21+$0xFFFFFE90]  }
0xfa: {  	v50 =	vadd.s32 v13, v35;
	v54 =	vshll.u32 v37, v1;
	v39 =	vld [tilespmem:s21+$0xFFFFFED0];
	v37 =	vbroadcast v36, $0x0  }
0xfb: {  	v43 =	vld [tilespmem:s21+$0xFFFFFE10];
	v36 =	vbroadcast v56, $0x0;
	v44 =	vadd.s32 v0, v33  }
0xfc: {  	v59 =	vld [tilespmem:s21+$0xFFFFFF50];
	v34 =	vbroadcast v54, $0x0;
	v60 =	vadd.s32 v21, v37;
	[tilespmem:v42+s31+$0x0] =	vst.idx.msk $0xffff, v41  }
0xfd: {  	v61 =	vld [tilespmem:s21+$0xFFFFFF90];
	v62 =	vadd.s32 v25, v36;
	[tilespmem:v46+s31+$0x0] =	vst.idx.msk $0xffff, v45  }
0xfe: {  	v51 =	vld [tilespmem:s21+$0xFFFFFF10];
	v52 =	vadd.s32 v17, v34;
	[tilespmem:v49+s31+$0x0] =	vst.idx.msk $0xffff, v48  }
0xff: {  	v58 =	vadd.s32 v30, v38;
	[tilespmem:v50+s31+$0x0] =	vst.idx.msk $0xffff, v39;
	v57 =	vld [tilespmem:s21+$0xFFFFFFE0]  }
0x100: {  	v63 =	vadd.s32 v6, v47;
	v46 =	vld [tilespmem:s21+$0xFFFFFE60];
	[tilespmem:v44+s31+$0x0] =	vst.idx.msk $0xffff, v43  }
0x101: {  	v55 =	vadd.s32 v10, v53;
	v54 =	vld [tilespmem:s21+$0xFFFFFEA0];
	[tilespmem:v60+s31+$0x0] =	vst.idx.msk $0xffff, v59  }
0x102: {  	v56 =	vadd.s32 v14, v35;
	v50 =	vld [tilespmem:s21+$0xFFFFFEE0];
	[tilespmem:v62+s31+$0x0] =	vst.idx.msk $0xffff, v61  }
0x103: {  	v45 =	vadd.s32 v22, v37;
	[tilespmem:v52+s31+$0x0] =	vst.idx.msk $0xffff, v51;
	v44 =	vld [tilespmem:s21+$0xFFFFFF60]  }
0x104: {  	v59 =	vadd.s32 v18, v34;
	[tilespmem:v58+s31+$0x0] =	vst.idx.msk $0xffff, v57;
	v58 =	vld [tilespmem:s21+$0xFFFFFF20]  }
0x105: {  	v57 =	vadd.s32 v31, v38;
	[tilespmem:v63+s31+$0x0] =	vst.idx.msk $0xffff, v46;
	v40 =	vld [tilespmem:s21+$0xFFFFFFF0]  }
0x106: {  	v62 =	vadd.s32 v2, v33;
	v61 =	vld [tilespmem:s21+$0xFFFFFE20];
	[tilespmem:v55+s31+$0x0] =	vst.idx.msk $0xffff, v54  }
0x107: {  	v60 =	vadd.s32 v26, v36;
	v63 =	vld [tilespmem:s21+$0xFFFFFFA0];
	[tilespmem:v56+s31+$0x0] =	vst.idx.msk $0xffff, v50  }
0x108: {  	v51 =	vadd.s32 v7, v47;
	v50 =	vld [tilespmem:s21+$0xFFFFFE70];
	[tilespmem:v45+s31+$0x0] =	vst.idx.msk $0xffff, v44  }
0x109: {  	v56 =	vadd.s32 v11, v53;
	v55 =	vld [tilespmem:s21+$0xFFFFFEB0];
	[tilespmem:v59+s31+$0x0] =	vst.idx.msk $0xffff, v58  }
0x10a: {  	v58 =	vadd.s32 v15, v35;
	[tilespmem:v57+s31+$0x0] =	vst.idx.msk $0xffff, v40;
	v57 =	vld [tilespmem:s21+$0xFFFFFEF0]  }
0x10b: {  	v38 =	vadd.s32 v32, v38;
	[tilespmem:v62+s31+$0x0] =	vst.idx.msk $0xffff, v61;
	v54 =	vld [tilespmem:s21+$0x0]  }
0x10c: {  	s17 =	simm.s32 $0x9;
	[tilespmem:v60+s31+$0x0] =	vst.idx.msk $0xffff, v63;
	v60 =	vadd.s32 v19, v34;
	v59 =	vld [tilespmem:s21+$0xFFFFFF30]  }
0x10d: {  	v41 =	vadd.s32 v23, v37;
	v52 =	vmov s17;
	s17 =	simm.s32 $0xC;
	[tilespmem:v51+s31+$0x0] =	vst.idx.msk $0xffff, v50;
	v40 =	vld [tilespmem:s21+$0xFFFFFF70]  }
0x10e: {  	s23 =	simm.s32 $0xB;
	s9 =	simm.s32 $0x8;
	v48 =	vadd.s32 v3, v33;
	v43 =	vadd.s32 v27, v36;
	v46 =	vmov s17;
	v42 =	vld [tilespmem:s21+$0xFFFFFFB0];
	[tilespmem:v56+s31+$0x0] =	vst.idx.msk $0xffff, v55  }
0x10f: {  	s19 =	simm.s32 $0xA;
	v53 =	vadd.s32 v12, v53;
	v44 =	vmov s23;
	v45 =	vld [tilespmem:s21+$0xFFFFFE30];
	v63 =	vmov s9;
	[tilespmem:v58+s31+$0x0] =	vst.idx.msk $0xffff, v57  }
0x110: {  	s23 =	simm.s32 $0xE;
	v39 =	vshrl.u32 v63, $0x3;
	v51 =	vadd.s32 v8, v47;
	v49 =	vld [tilespmem:s21+$0xFFFFFE80];
	[tilespmem:v38+s31+$0x0] =	vst.idx.msk $0xffff, v54;
	v54 =	vmov s19;
	s19 =	simm.s32 $0xD  }
0x111: {  	s17 =	simm.s32 $0xF;
	v47 =	vshll.u32 v39, v1;
	v39 =	vmov s23;
	s23 =	simm.s32 $0x10;
	v50 =	vld [tilespmem:s21+$0xFFFFFEC0];
	[tilespmem:v60+s31+$0x0] =	vst.idx.msk $0xffff, v59;
	v38 =	vmov s19;
	s19 =	sor.u32 $0x1, s7  }
.LBB2_10:
0x112: {  	p2 =	slt.u32 s23, $0x78;
	v52 =	vshrl.u32 v52, $0x3;
	v55 =	vmov s17;
	v56 =	vld [tilespmem:s21+$0xFFFFFF00];
	v35 =	vadd.s32 v16, v35;
	[tilespmem:v41+s31+$0x0] =	vst.idx.msk $0xffff, v40  }
0x113: {  	v40 =	vshrl.u32 v54, $0x3;
	v34 =	vadd.s32 v20, v34;
	v41 =	vshrl.u32 v55, $0x3;
	v54 =	vld [tilespmem:s21+$0xFFFFFF40];
	[tilespmem:v43+s31+$0x0] =	vst.idx.msk $0xffff, v42  }
0x114: {  	v37 =	vadd.s32 v24, v37;
	v42 =	vshrl.u32 v44, $0x3;
	v41 =	vshll.u32 v41, v1;
	[tilespmem:v48+s31+$0x0] =	vst.idx.msk $0xffff, v45;
	v43 =	vld [tilespmem:s21+$0xFFFFFF80]  }
0x115: {  	v36 =	vadd.s32 v28, v36;
	v44 =	vshrl.u32 v46, $0x3;
	v41 =	vbroadcast v41, $0x0;
	[tilespmem:v51+s31+$0x0] =	vst.idx.msk $0xffff, v49;
	v45 =	vld [tilespmem:s21+$0xFFFFFFC0]  }
0x116: {  	v46 =	vshll.u32 v52, v1;
	v49 =	vadd.s32 v4, v33;
	v33 =	vbroadcast v47, $0x0;
	v48 =	vld [tilespmem:s21+$0xFFFFFE40];
	[tilespmem:v53+s31+$0x0] =	vst.idx.msk $0xffff, v50;
	s21 =	sadd.s32 $0x200, s21  }
0x117: {  	v40 =	vshll.u32 v40, v1;
	v47 =	vbroadcast v46, $0x0;
	v46 =	vld [tilespmem:s21+$0xFFFFFFD0];
	v50 =	vadd.s32 v29, v41;
	[tilespmem:v35+s31+$0x0] =	vst.idx.msk $0xffff, v56  }
0x118: {  	v53 =	vbroadcast v40, $0x0;
	v52 =	vadd.s32 v0, v33;
	v35 =	vshll.u32 v42, v1;
	v51 =	vld [tilespmem:s21+$0xFFFFFE10];
	[tilespmem:v34+s31+$0x0] =	vst.idx.msk $0xffff, v54  }
0x119: {  	v42 =	vadd.s32 v5, v47;
	v35 =	vbroadcast v35, $0x0;
	v34 =	vshll.u32 v44, v1;
	v40 =	vld [tilespmem:s21+$0xFFFFFE50];
	[tilespmem:v37+s31+$0x0] =	vst.idx.msk $0xffff, v43  }
0x11a: {  	v44 =	vadd.s32 v9, v53;
	v34 =	vbroadcast v34, $0x0;
	v37 =	vshrl.u32 v38, $0x3;
	v43 =	vld [tilespmem:s21+$0xFFFFFE90];
	[tilespmem:v36+s31+$0x0] =	vst.idx.msk $0xffff, v45  }
0x11b: {  	v39 =	vshrl.u32 v39, $0x3;
	v45 =	vadd.s32 v13, v35;
	v36 =	vshll.u32 v37, v1;
	v38 =	vld [tilespmem:s21+$0xFFFFFED0];
	[tilespmem:v49+s31+$0x0] =	vst.idx.msk $0xffff, v48  }
0x11c: {  	v49 =	vadd.s32 v17, v34;
	v37 =	vbroadcast v36, $0x0;
	v36 =	vshll.u32 v39, v1;
	v48 =	vld [tilespmem:s21+$0xFFFFFF10];
	[tilespmem:v50+s31+$0x0] =	vst.idx.msk $0xffff, v46  }
0x11d: {  	v36 =	vbroadcast v36, $0x0;
	v46 =	vadd.s32 v30, v41;
	[tilespmem:v52+s31+$0x0] =	vst.idx.msk $0xffff, v51;
	v39 =	vld [tilespmem:s21+$0xFFFFFFE0]  }
0x11e: {  	[tilespmem:v42+s31+$0x0] =	vst.idx.msk $0xffff, v40;
	v40 =	vld [tilespmem:s21+$0xFFFFFF50];
	v42 =	vadd.s32 v21, v37  }
0x11f: {  	[tilespmem:v44+s31+$0x0] =	vst.idx.msk $0xffff, v43;
	v43 =	vld [tilespmem:s21+$0xFFFFFF90];
	v44 =	vadd.s32 v25, v36  }
0x120: {  	v51 =	vadd.s32 v6, v47;
	v50 =	vld [tilespmem:s21+$0xFFFFFE60];
	[tilespmem:v45+s31+$0x0] =	vst.idx.msk $0xffff, v38  }
0x121: {  	v45 =	vadd.s32 v10, v53;
	v38 =	vld [tilespmem:s21+$0xFFFFFEA0];
	[tilespmem:v49+s31+$0x0] =	vst.idx.msk $0xffff, v48  }
0x122: {  	v49 =	vadd.s32 v14, v35;
	v48 =	vld [tilespmem:s21+$0xFFFFFEE0];
	[tilespmem:v46+s31+$0x0] =	vst.idx.msk $0xffff, v39  }
0x123: {  	[tilespmem:v42+s31+$0x0] =	vst.idx.msk $0xffff, v40;
	v39 =	vld [tilespmem:s21+$0xFFFFFFF0];
	v40 =	vadd.s32 v31, v41  }
0x124: {  	v46 =	vadd.s32 v18, v34;
	v42 =	vld [tilespmem:s21+$0xFFFFFF20];
	[tilespmem:v44+s31+$0x0] =	vst.idx.msk $0xffff, v43  }
0x125: {  	v44 =	vadd.s32 v22, v37;
	[tilespmem:v51+s31+$0x0] =	vst.idx.msk $0xffff, v50;
	v43 =	vld [tilespmem:s21+$0xFFFFFF60]  }
0x126: {  	[tilespmem:v45+s31+$0x0] =	vst.idx.msk $0xffff, v38;
	v38 =	vld [tilespmem:s21+$0xFFFFFFA0];
	v45 =	vadd.s32 v26, v36  }
0x127: {  	v51 =	vadd.s32 v2, v33;
	v50 =	vld [tilespmem:s21+$0xFFFFFE20];
	[tilespmem:v49+s31+$0x0] =	vst.idx.msk $0xffff, v48  }
0x128: {  	v49 =	vadd.s32 v7, v47;
	v48 =	vld [tilespmem:s21+$0xFFFFFE70];
	[tilespmem:v40+s31+$0x0] =	vst.idx.msk $0xffff, v39  }
0x129: {  	[tilespmem:v46+s31+$0x0] =	vst.idx.msk $0xffff, v42;
	v39 =	vld [tilespmem:s21+$0x0];
	v46 =	vadd.s32 v32, v41  }
0x12a: {  	v56 =	vadd.s32 v11, v53;
	v55 =	vld [tilespmem:s21+$0xFFFFFEB0];
	[tilespmem:v44+s31+$0x0] =	vst.idx.msk $0xffff, v43  }
0x12b: {  	v58 =	vadd.s32 v15, v35;
	v57 =	vld [tilespmem:s21+$0xFFFFFEF0];
	[tilespmem:v45+s31+$0x0] =	vst.idx.msk $0xffff, v38  }
0x12c: {  	v60 =	vadd.s32 v19, v34;
	[tilespmem:v51+s31+$0x0] =	vst.idx.msk $0xffff, v50;
	v59 =	vld [tilespmem:s21+$0xFFFFFF30]  }
.Ltmp6:
0x12d: {  	s8 =	sadd.s32 $0x1, s23;
	v41 =	vadd.s32 v23, v37;
	v38 =	vmov s23;
	[tilespmem:v49+s31+$0x0] =	vst.idx.msk $0xffff, v48;
	v40 =	vld [tilespmem:s21+$0xFFFFFF70];
	(pc) =	sbr.rel @p2 .LBB2_10-.Ltmp6, $4  }
0x12e: {  	s9 =	sadd.s32 $0x3, s23;
	v52 =	vmov s8;
	s8 =	sadd.s32 $0x2, s23;
	v43 =	vadd.s32 v27, v36;
	v50 =	vshrl.u32 v38, $0x3;
	v42 =	vld [tilespmem:s21+$0xFFFFFFB0];
	[tilespmem:v46+s31+$0x0] =	vst.idx.msk $0xffff, v39  }
0x12f: {  	v54 =	vmov s8;
	s8 =	sadd.s32 $0x4, s23;
	v44 =	vmov s9;
	s9 =	sadd.s32 $0x5, s23;
	v48 =	vadd.s32 v3, v33;
	v45 =	vld [tilespmem:s21+$0xFFFFFE30];
	[tilespmem:v56+s31+$0x0] =	vst.idx.msk $0xffff, v55  }
0x130: {  	v38 =	vmov s9;
	v51 =	vadd.s32 v8, v47;
	v46 =	vmov s8;
	s8 =	sadd.s32 $0x6, s23;
	v49 =	vld [tilespmem:s21+$0xFFFFFE80];
	[tilespmem:v58+s31+$0x0] =	vst.idx.msk $0xffff, v57  }
0x131: {  	s17 =	sadd.s32 $0x7, s23;
	v53 =	vadd.s32 v12, v53;
	v47 =	vshll.u32 v50, v1;
	s23 =	sadd.s32 $0x8, s23;
	v39 =	vmov s8;
	v50 =	vld [tilespmem:s21+$0xFFFFFEC0];
	[tilespmem:v60+s31+$0x0] =	vst.idx.msk $0xffff, v59  }
0x132: {  	_ =	sdelay $0x2  }
0x133: {  	v52 =	vshrl.u32 v52, $0x3  }
0x134: {  	v55 =	vmov s17;
	v56 =	vld [tilespmem:s21+$0xFFFFFF00];
	v35 =	vadd.s32 v16, v35;
	[tilespmem:v41+s31+$0x0] =	vst.idx.msk $0xffff, v40;
	v57 =	vshrl.u32 v54, $0x3  }
0x135: {  	v59 =	vld [tilespmem:s21+$0xFFFFFF40];
	v34 =	vadd.s32 v20, v34;
	v60 =	vshrl.u32 v44, $0x3;
	v58 =	vshrl.u32 v55, $0x3;
	[tilespmem:v43+s31+$0x0] =	vst.idx.msk $0xffff, v42  }
0x136: {  	v37 =	vadd.s32 v24, v37;
	v62 =	vshrl.u32 v46, $0x3;
	v61 =	vld [tilespmem:s21+$0xFFFFFF80];
	v41 =	vshll.u32 v58, v1;
	[tilespmem:v48+s31+$0x0] =	vst.idx.msk $0xffff, v45  }
0x137: {  	v36 =	vadd.s32 v28, v36;
	v46 =	vbroadcast v47, $0x0;
	v63 =	vld [tilespmem:s21+$0xFFFFFFC0];
	v41 =	vbroadcast v41, $0x0;
	[tilespmem:v51+s31+$0x0] =	vst.idx.msk $0xffff, v49  }
0x138: {  	v33 =	vadd.s32 v4, v33;
	s17 =	sadd.s32 $0x200, s21;
	v38 =	vshrl.u32 v38, $0x3;
	v55 =	vshll.u32 v52, v1;
	v48 =	vld [tilespmem:s21+$0xFFFFFE40];
	[tilespmem:v53+s31+$0x0] =	vst.idx.msk $0xffff, v50  }
0x139: {  	v40 =	vshll.u32 v57, v1;
	v47 =	vbroadcast v55, $0x0;
	v49 =	vld [tilespmem:s17+$0xFFFFFFD0];
	v50 =	vadd.s32 v29, v41;
	[tilespmem:v35+s31+$0x0] =	vst.idx.msk $0xffff, v56  }
0x13a: {  	v42 =	vshll.u32 v60, v1;
	v40 =	vbroadcast v40, $0x0;
	v35 =	vld [tilespmem:s17+$0xFFFFFE10];
	v56 =	vadd.s32 v0, v46;
	[tilespmem:v34+s31+$0x0] =	vst.idx.msk $0xffff, v59  }
0x13b: {  	v57 =	vld [tilespmem:s17+$0xFFFFFE50];
	v44 =	vshll.u32 v62, v1;
	v42 =	vbroadcast v42, $0x0;
	v58 =	vadd.s32 v5, v47;
	[tilespmem:v37+s31+$0x0] =	vst.idx.msk $0xffff, v61  }
0x13c: {  	v38 =	vshll.u32 v38, v1;
	v44 =	vbroadcast v44, $0x0;
	v60 =	vadd.s32 v9, v40;
	v59 =	vld [tilespmem:s17+$0xFFFFFE90];
	[tilespmem:v36+s31+$0x0] =	vst.idx.msk $0xffff, v63  }
0x13d: {  	v38 =	vbroadcast v38, $0x0;
	v62 =	vadd.s32 v13, v42;
	v61 =	vld [tilespmem:s17+$0xFFFFFED0];
	[tilespmem:v33+s31+$0x0] =	vst.idx.msk $0xffff, v48  }
0x13e: {  	v39 =	vshrl.u32 v39, $0x3;
	v63 =	vadd.s32 v17, v44;
	v33 =	vld [tilespmem:s17+$0xFFFFFF10];
	[tilespmem:v50+s31+$0x0] =	vst.idx.msk $0xffff, v49  }
0x13f: {  	v39 =	vshll.u32 v39, v1;
	v34 =	vld [tilespmem:s17+$0xFFFFFF50];
	[tilespmem:v56+s31+$0x0] =	vst.idx.msk $0xffff, v35;
	v56 =	vadd.s32 v21, v38  }
0x140: {  	[tilespmem:v58+s31+$0x0] =	vst.idx.msk $0xffff, v57;
	v35 =	vbroadcast v39, $0x0;
	v49 =	vadd.s32 v30, v41;
	v39 =	vld [tilespmem:s17+$0xFFFFFFE0]  }
0x141: {  	[tilespmem:v60+s31+$0x0] =	vst.idx.msk $0xffff, v59;
	v59 =	vld [tilespmem:s17+$0xFFFFFE60];
	v60 =	vadd.s32 v6, v47  }
0x142: {  	v57 =	vld [tilespmem:s17+$0xFFFFFF90];
	[tilespmem:v62+s31+$0x0] =	vst.idx.msk $0xffff, v61;
	v58 =	vadd.s32 v25, v35  }
0x143: {  	v61 =	vld [tilespmem:s17+$0xFFFFFEA0];
	v62 =	vadd.s32 v10, v40;
	[tilespmem:v63+s31+$0x0] =	vst.idx.msk $0xffff, v33  }
0x144: {  	v33 =	vld [tilespmem:s17+$0xFFFFFEE0];
	v63 =	vadd.s32 v14, v42;
	[tilespmem:v56+s31+$0x0] =	vst.idx.msk $0xffff, v34  }
0x145: {  	v56 =	vadd.s32 v18, v44;
	[tilespmem:v49+s31+$0x0] =	vst.idx.msk $0xffff, v39;
	v49 =	vld [tilespmem:s17+$0xFFFFFF20]  }
0x146: {  	[tilespmem:v60+s31+$0x0] =	vst.idx.msk $0xffff, v59;
	v39 =	vadd.s32 v31, v41;
	v34 =	vld [tilespmem:s17+$0xFFFFFFF0]  }
0x147: {  	[tilespmem:v58+s31+$0x0] =	vst.idx.msk $0xffff, v57;
	v57 =	vld [tilespmem:s17+$0xFFFFFF60];
	v58 =	vadd.s32 v22, v38  }
0x148: {  	[tilespmem:v62+s31+$0x0] =	vst.idx.msk $0xffff, v61;
	v61 =	vld [tilespmem:s17+$0xFFFFFE20];
	v62 =	vadd.s32 v2, v46  }
0x149: {  	v60 =	vadd.s32 v26, v35;
	v59 =	vld [tilespmem:s17+$0xFFFFFFA0];
	[tilespmem:v63+s31+$0x0] =	vst.idx.msk $0xffff, v33  }
0x14a: {  	v55 =	vadd.s32 v11, v40;
	v54 =	vadd.s32 v32, v41;
	v41 =	vld [tilespmem:s17+$0xFFFFFEB0];
	[tilespmem:v56+s31+$0x0] =	vst.idx.msk $0xffff, v49  }
0x14b: {  	v53 =	vadd.s32 v7, v47;
	v63 =	vld [tilespmem:s17+$0xFFFFFE70];
	[tilespmem:v39+s31+$0x0] =	vst.idx.msk $0xffff, v34  }
0x14c: {  	v56 =	vld [tilespmem:s17+$0xFFFFFEF0];
	[tilespmem:v58+s31+$0x0] =	vst.idx.msk $0xffff, v57;
	v57 =	vadd.s32 v15, v42  }
0x14d: {  	[tilespmem:v62+s31+$0x0] =	vst.idx.msk $0xffff, v61;
	v34 =	vld [tilespmem:s17+$0x0]  }
0x14e: {  	v58 =	vld [tilespmem:s17+$0xFFFFFF30];
	[tilespmem:v60+s31+$0x0] =	vst.idx.msk $0xffff, v59;
	v59 =	vadd.s32 v19, v44  }
0x14f: {  	v61 =	vadd.s32 v23, v38;
	[tilespmem:v55+s31+$0x0] =	vst.idx.msk $0xffff, v41;
	v60 =	vld [tilespmem:s17+$0xFFFFFF70]  }
0x150: {  	[tilespmem:v53+s31+$0x0] =	vst.idx.msk $0xffff, v63;
	v63 =	vadd.s32 v27, v35;
	v62 =	vld [tilespmem:s17+$0xFFFFFFB0]  }
0x151: {  	v47 =	vadd.s32 v8, v47;
	v55 =	vld [tilespmem:s17+$0xFFFFFE80];
	[tilespmem:v57+s31+$0x0] =	vst.idx.msk $0xffff, v56  }
0x152: {  	v53 =	vld [tilespmem:s17+$0xFFFFFE30];
	[tilespmem:v54+s31+$0x0] =	vst.idx.msk $0xffff, v34;
	v54 =	vadd.s32 v3, v46  }
0x153: {  	v40 =	vadd.s32 v12, v40;
	v56 =	vld [tilespmem:s17+$0xFFFFFEC0];
	[tilespmem:v59+s31+$0x0] =	vst.idx.msk $0xffff, v58  }
0x154: {  	v42 =	vadd.s32 v16, v42;
	v57 =	vld [tilespmem:s17+$0xFFFFFF00];
	[tilespmem:v61+s31+$0x0] =	vst.idx.msk $0xffff, v60  }
0x155: {  	v59 =	vadd.s32 v20, v44;
	v58 =	vld [tilespmem:s17+$0xFFFFFF40];
	[tilespmem:v63+s31+$0x0] =	vst.idx.msk $0xffff, v62  }
0x156: {  	v38 =	vadd.s32 v24, v38;
	v60 =	vld [tilespmem:s17+$0xFFFFFF80];
	[tilespmem:v47+s31+$0x0] =	vst.idx.msk $0xffff, v55  }
0x157: {  	v35 =	vadd.s32 v28, v35;
	v61 =	vld [tilespmem:s17+$0xFFFFFFC0];
	[tilespmem:v54+s31+$0x0] =	vst.idx.msk $0xffff, v53  }
0x158: {  	v63 =	vadd.s32 v4, v46;
	[tilespmem:v40+s31+$0x0] =	vst.idx.msk $0xffff, v56;
	v62 =	vld [tilespmem:s17+$0xFFFFFE40]  }
0x159: {  	s8 =	sadd.s32 s6, s19;
	[tilespmem:v42+s31+$0x0] =	vst.idx.msk $0xffff, v57  }
0x15a: {  	s9 =	sshll.u32 s8, $0x7;
	[tilespmem:v59+s31+$0x0] =	vst.idx.msk $0xffff, v58  }
0x15b: {  	s8 =	sshll.u32 s8, $0xA;
	s9 =	sand.u32 $0xE80, s9;
	[tilespmem:v38+s31+$0x0] =	vst.idx.msk $0xffff, v60  }
0x15c: {  	s8 =	sand.u32 $0xFFF8000, s8;
	s9 =	sadd.s32 s2, s9;
	[tilespmem:v35+s31+$0x0] =	vst.idx.msk $0xffff, v61  }
0x15d: {  	s23 =	simm.s32 $0xA400;
	s9 =	sadd.s32 s8, s9;
	[tilespmem:v63+s31+$0x0] =	vst.idx.msk $0xffff, v62  }
0x15e: {  	[hbm4b:s9+s3] =	stream.linear.scatter [tilespmem:s23], [sflag:$0xA], $0x80, $0x38;
	[tilespmem:$0x10A00] =	vst v63  }
0x15f: {  	s19 =	sadd.s32 $0x10, s9;
	s17 =	simm.s32 $0xA488  }
0x160: {  	[hbm4b:s19+s3] =	stream.linear.scatter [tilespmem:s17], [sflag:$0xA], $0x80, $0x38;
	[tilespmem:$0x10A00] =	vst v63  }
0x161: {  	s21 =	simm.s32 $0xA510;
	s23 =	sadd.s32 $0x20, s9  }
0x162: {  	[hbm4b:s23+s3] =	stream.linear.scatter [tilespmem:s21], [sflag:$0xA], $0x80, $0x38;
	[tilespmem:$0x10A00] =	vst v63  }
0x163: {  	s17 =	simm.s32 $0xA598;
	s19 =	sadd.s32 $0x30, s9  }
0x164: {  	[hbm4b:s19+s3] =	stream.linear.scatter [tilespmem:s17], [sflag:$0xA], $0x80, $0x38;
	[tilespmem:$0x10A00] =	vst v63  }
0x165: {  	s21 =	simm.s32 $0xA620;
	s23 =	sadd.s32 $0x40, s9  }
0x166: {  	[hbm4b:s23+s3] =	stream.linear.scatter [tilespmem:s21], [sflag:$0xA], $0x80, $0x38;
	[tilespmem:$0x10A00] =	vst v63  }
0x167: {  	s8 =	sadd.s32 $0x70, s9;
	s17 =	simm.s32 $0xA6A8;
	s19 =	sadd.s32 $0x50, s9  }
0x168: {  	[hbm4b:s19+s3] =	stream.linear.scatter [tilespmem:s17], [sflag:$0xA], $0x80, $0x38;
	[tilespmem:$0x10A00] =	vst v63  }
0x169: {  	s21 =	simm.s32 $0xA730;
	s23 =	sadd.s32 $0x60, s9;
	s19 =	simm.s32 $0x440  }
0x16a: {  	[hbm4b:s23+s3] =	stream.linear.scatter [tilespmem:s21], [sflag:$0xA], $0x80, $0x38;
	[tilespmem:$0x10A00] =	vst v63  }
0x16b: {  	s17 =	simm.s32 $0xA7B8;
	s23 =	simm.s32 $0x2200;
	s21 =	sadd.s32 $0x1000, s9  }
.LBB2_12:
0x16c: {  	[hbm4b:s8+s3] =	stream.linear.scatter [tilespmem:s17], [sflag:$0xA], $0x80, $0x38;
	[tilespmem:$0x10A00] =	vst v63  }
0x16d: {  	s8 =	smov.u32 s19;
	s9 =	smov.u32 s23  }
0x16e: {  	s19 =	sshra.s32 s9, $0x2;
	s9 =	sadd.s32 $0x1100, s23;
	s17 =	sadd.s32 $0xA400, s8  }
0x16f: {  	[hbm4b:s21+s3] =	stream.linear.scatter [tilespmem:s17], [sflag:$0xA], $0x80, $0x38;
	[tilespmem:$0x10A00] =	vst v63  }
0x170: {  	p2 =	sne.s32 s23, $0x7700;
	s23 =	sadd.s32 $0x10, s21;
	s17 =	sadd.s32 $0xA488, s8  }
0x171: {  	[hbm4b:s23+s3] =	stream.linear.scatter [tilespmem:s17], [sflag:$0xA], $0x80, $0x38;
	[tilespmem:$0x10A00] =	vst v63  }
0x172: {  	s17 =	sadd.s32 $0xA510, s8;
	s23 =	sadd.s32 $0x20, s21  }
0x173: {  	[hbm4b:s23+s3] =	stream.linear.scatter [tilespmem:s17], [sflag:$0xA], $0x80, $0x38;
	[tilespmem:$0x10A00] =	vst v63  }
0x174: {  	s17 =	sadd.s32 $0xA598, s8;
	s23 =	sadd.s32 $0x30, s21  }
0x175: {  	[hbm4b:s23+s3] =	stream.linear.scatter [tilespmem:s17], [sflag:$0xA], $0x80, $0x38;
	[tilespmem:$0x10A00] =	vst v63  }
0x176: {  	s17 =	sadd.s32 $0xA620, s8;
	s23 =	sadd.s32 $0x40, s21  }
0x177: {  	[hbm4b:s23+s3] =	stream.linear.scatter [tilespmem:s17], [sflag:$0xA], $0x80, $0x38;
	[tilespmem:$0x10A00] =	vst v63  }
0x178: {  	s17 =	sadd.s32 $0xA6A8, s8;
	s23 =	sadd.s32 $0x50, s21  }
0x179: {  	[hbm4b:s23+s3] =	stream.linear.scatter [tilespmem:s17], [sflag:$0xA], $0x80, $0x38;
	[tilespmem:$0x10A00] =	vst v63  }
.Ltmp7:
0x17a: {  	_ = 	snop;
	(pc) =	sbr.rel @p2 .LBB2_12-.Ltmp7, $4  }
0x17b: {  	s17 =	sadd.s32 $0xA730, s8;
	s23 =	sadd.s32 $0x60, s21  }
0x17c: {  	[hbm4b:s23+s3] =	stream.linear.scatter [tilespmem:s17], [sflag:$0xA], $0x80, $0x38;
	[tilespmem:$0x10A00] =	vst v63  }
0x17d: {  	s17 =	sadd.s32 $0xA7B8, s8  }
0x17e: {  	s8 =	sadd.s32 $0x70, s21;
	s21 =	sadd.s32 $0x1000, s21;
	s23 =	smov.u32 s9  }
0x17f: {  	[hbm4b:s8+s3] =	stream.linear.scatter [tilespmem:s17], [sflag:$0xA], $0x80, $0x38;
	[tilespmem:$0x10A00] =	vst v63  }
0x180: {  	s17 =	sadd.s32 $0xA400, s19  }
0x181: {  	[hbm4b:s21+s3] =	stream.linear.scatter [tilespmem:s17], [sflag:$0xA], $0x80, $0x38;
	[tilespmem:$0x10A00] =	vst v63  }
0x182: {  	s23 =	sadd.s32 $0xA488, s19;
	s9 =	sadd.s32 $0x10, s21  }
0x183: {  	[hbm4b:s9+s3] =	stream.linear.scatter [tilespmem:s23], [sflag:$0xA], $0x80, $0x38;
	[tilespmem:$0x10A00] =	vst v63  }
0x184: {  	s17 =	sadd.s32 $0xA510, s19;
	s23 =	sadd.s32 $0x20, s21  }
0x185: {  	[hbm4b:s23+s3] =	stream.linear.scatter [tilespmem:s17], [sflag:$0xA], $0x80, $0x38;
	[tilespmem:$0x10A00] =	vst v63  }
0x186: {  	s17 =	sadd.s32 $0xA598, s19;
	s23 =	sadd.s32 $0x30, s21  }
0x187: {  	[hbm4b:s23+s3] =	stream.linear.scatter [tilespmem:s17], [sflag:$0xA], $0x80, $0x38;
	[tilespmem:$0x10A00] =	vst v63  }
0x188: {  	s17 =	sadd.s32 $0xA620, s19;
	s23 =	sadd.s32 $0x40, s21  }
0x189: {  	[hbm4b:s23+s3] =	stream.linear.scatter [tilespmem:s17], [sflag:$0xA], $0x80, $0x38;
	[tilespmem:$0x10A00] =	vst v63  }
0x18a: {  	s17 =	sadd.s32 $0xA6A8, s19;
	s23 =	sadd.s32 $0x50, s21  }
0x18b: {  	[hbm4b:s23+s3] =	stream.linear.scatter [tilespmem:s17], [sflag:$0xA], $0x80, $0x38;
	[tilespmem:$0x10A00] =	vst v63  }
0x18c: {  	s9 =	sadd.s32 $0xA730, s19;
	s17 =	sadd.s32 $0x60, s21  }
0x18d: {  	[hbm4b:s17+s3] =	stream.linear.scatter [tilespmem:s9], [sflag:$0xA], $0x80, $0x38;
	[tilespmem:$0x10A00] =	vst v63  }
0x18e: {  	s8 =	simm.s32 @!p0 $0x2;
	s19 =	sadd.s32 $0xA7B8, s19;
	s23 =	sadd.s32 $0x70, s21  }
0x18f: {  	[hbm4b:s23+s3] =	stream.linear.scatter [tilespmem:s19], [sflag:$0xA], $0x80, $0x38;
	[tilespmem:$0x10A00] =	vst v63  }
0x190: {  	s21 =	simm.s32 $0x2;
	_ =	swait.ge @!p0 [sflag:s8], $0x80  }
0x191: {  	v35 =	vmov s21;
	s21 =	simm.s32 $0x5;
	s9 =	simm.s32 @!p0 $0x2200;
	[sflag:s8] =	ssyncset.done @!p0 $0x0  }
0x192: {  	s17 =	simm.s32 @!p0 $0x100;
	[sflag:s8] =	ssyncadd.s32 @!p0 $0xFFFFFF80;
	s8 =	simm.s32 @!p0 $0x80  }
0x193: {  	[tilespmem:s9], [sflag:$0x6] =	stream.indirect.gather @!p0 [hbm4b:s4+s8], $0x40, s8, s8, $0xb8;
	[tilespmem:$0x10A00] =	vst v63  }
0x194: {  	s19 =	simm.s32 $0x1;
	s23 =	simm.s32 $0x3;
	s8 =	sadd.s32 @!p0 s7, s13  }
0x195: {  	v34 =	vmov s19;
	s19 =	simm.s32 $0x7;
	_ =	swait.ge [sflag:s1], $0x2000;
	s8 =	sshll.u32 @!p0 s8, $0x4  }
0x196: {  	v39 =	vmov s21;
	v35 =	vshrl.u32 v35, $0x3;
	v36 =	vmov s23;
	s23 =	simm.s32 $0x6;
	[sflag:s1] =	ssyncset.done $0x0;
	s8 =	sand.u32 @!p0 $0xFFFFFE0, s8  }
0x197: {  	v51 =	vshll.u32 v35, v1;
	v55 =	vshrl.u32 v39, $0x3;
	s9 =	simm.s32 @!p0 $0x0;
	[sflag:s1] =	ssyncadd.s32 $0xFFFFE000;
	s8 =	sadd.s32 @!p0 s5, s8  }
0x198: {  	v53 =	vbroadcast v51, $0x0;
	v38 =	vmov s19;
	v40 =	vmov s23;
	[tilespmem:s17], [sflag:$0x3] =	stream.linear.gather @!p0 [hbm4b:s8+s9], $0x80, $0x38;
	[tilespmem:$0x10A00] =	vst v63  }
0x199: {  	v34 =	vshrl.u32 v34, $0x3;
	v36 =	vshrl.u32 v36, $0x3;
	v38 =	vshrl.u32 v38, $0x3;
	s9 =	simm.s32 @!p1 $0xB  }
0x19a: {  	v49 =	vadd.s32 v9, v53;
	v34 =	vshll.u32 v34, v1;
	v38 =	vshll.u32 v38, v1;
	_ =	swait.ge @!p1 [sflag:s9], $0x2000  }
0x19b: {  	v52 =	vshll.u32 v36, v1;
	v36 =	vshll.u32 v55, v1;
	v38 =	vbroadcast v38, $0x0;
	s17 =	simm.s32 $0x0;
	[sflag:s9] =	ssyncset.done @!p1 $0x0  }
0x19c: {  	s21 =	simm.s32 $0x43F0;
	v40 =	vshrl.u32 v40, $0x3;
	v47 =	vbroadcast v34, $0x0;
	v33 =	vmov s17;
	[sflag:s9] =	ssyncadd.s32 @!p1 $0xFFFFE000  }
0x19d: {  	v35 =	vbroadcast v52, $0x0;
	v42 =	vadd.s32 v29, v38;
	s17 =	simm.s32 $0x4;
	v33 =	vshrl.u32 v33, $0x3;
	v41 =	vld [tilespmem:s21+$0xFFFFFFD0]  }
0x19e: {  	v46 =	vadd.s32 v5, v47;
	v37 =	vmov s17;
	v33 =	vshll.u32 v33, v1;
	v45 =	vld [tilespmem:s21+$0xFFFFFE50]  }
0x19f: {  	v56 =	vshll.u32 v40, v1;
	v37 =	vshrl.u32 v37, $0x3;
	v33 =	vbroadcast v33, $0x0;
	v48 =	vld [tilespmem:s21+$0xFFFFFE90]  }
0x1a0: {  	v50 =	vadd.s32 v13, v35;
	v54 =	vshll.u32 v37, v1;
	v39 =	vld [tilespmem:s21+$0xFFFFFED0];
	v37 =	vbroadcast v36, $0x0  }
0x1a1: {  	v43 =	vld [tilespmem:s21+$0xFFFFFE10];
	v36 =	vbroadcast v56, $0x0;
	v44 =	vadd.s32 v0, v33  }
0x1a2: {  	v59 =	vld [tilespmem:s21+$0xFFFFFF50];
	v34 =	vbroadcast v54, $0x0;
	v60 =	vadd.s32 v21, v37;
	[tilespmem:v42+s0+$0x0] =	vst.idx.msk $0xffff, v41  }
0x1a3: {  	v61 =	vld [tilespmem:s21+$0xFFFFFF90];
	v62 =	vadd.s32 v25, v36;
	[tilespmem:v46+s0+$0x0] =	vst.idx.msk $0xffff, v45  }
0x1a4: {  	v51 =	vld [tilespmem:s21+$0xFFFFFF10];
	v52 =	vadd.s32 v17, v34;
	[tilespmem:v49+s0+$0x0] =	vst.idx.msk $0xffff, v48  }
0x1a5: {  	v58 =	vadd.s32 v30, v38;
	[tilespmem:v50+s0+$0x0] =	vst.idx.msk $0xffff, v39;
	v57 =	vld [tilespmem:s21+$0xFFFFFFE0]  }
0x1a6: {  	v63 =	vadd.s32 v6, v47;
	v46 =	vld [tilespmem:s21+$0xFFFFFE60];
	[tilespmem:v44+s0+$0x0] =	vst.idx.msk $0xffff, v43  }
0x1a7: {  	v55 =	vadd.s32 v10, v53;
	v54 =	vld [tilespmem:s21+$0xFFFFFEA0];
	[tilespmem:v60+s0+$0x0] =	vst.idx.msk $0xffff, v59  }
0x1a8: {  	v56 =	vadd.s32 v14, v35;
	v50 =	vld [tilespmem:s21+$0xFFFFFEE0];
	[tilespmem:v62+s0+$0x0] =	vst.idx.msk $0xffff, v61  }
0x1a9: {  	v45 =	vadd.s32 v22, v37;
	[tilespmem:v52+s0+$0x0] =	vst.idx.msk $0xffff, v51;
	v44 =	vld [tilespmem:s21+$0xFFFFFF60]  }
0x1aa: {  	v59 =	vadd.s32 v18, v34;
	[tilespmem:v58+s0+$0x0] =	vst.idx.msk $0xffff, v57;
	v58 =	vld [tilespmem:s21+$0xFFFFFF20]  }
0x1ab: {  	v57 =	vadd.s32 v31, v38;
	[tilespmem:v63+s0+$0x0] =	vst.idx.msk $0xffff, v46;
	v40 =	vld [tilespmem:s21+$0xFFFFFFF0]  }
0x1ac: {  	v62 =	vadd.s32 v2, v33;
	v61 =	vld [tilespmem:s21+$0xFFFFFE20];
	[tilespmem:v55+s0+$0x0] =	vst.idx.msk $0xffff, v54  }
0x1ad: {  	v60 =	vadd.s32 v26, v36;
	v63 =	vld [tilespmem:s21+$0xFFFFFFA0];
	[tilespmem:v56+s0+$0x0] =	vst.idx.msk $0xffff, v50  }
0x1ae: {  	v51 =	vadd.s32 v7, v47;
	v50 =	vld [tilespmem:s21+$0xFFFFFE70];
	[tilespmem:v45+s0+$0x0] =	vst.idx.msk $0xffff, v44  }
0x1af: {  	v56 =	vadd.s32 v11, v53;
	v55 =	vld [tilespmem:s21+$0xFFFFFEB0];
	[tilespmem:v59+s0+$0x0] =	vst.idx.msk $0xffff, v58  }
0x1b0: {  	v58 =	vadd.s32 v15, v35;
	[tilespmem:v57+s0+$0x0] =	vst.idx.msk $0xffff, v40;
	v57 =	vld [tilespmem:s21+$0xFFFFFEF0]  }
0x1b1: {  	v38 =	vadd.s32 v32, v38;
	[tilespmem:v62+s0+$0x0] =	vst.idx.msk $0xffff, v61;
	v54 =	vld [tilespmem:s21+$0x0]  }
0x1b2: {  	s17 =	simm.s32 $0x9;
	[tilespmem:v60+s0+$0x0] =	vst.idx.msk $0xffff, v63;
	v60 =	vadd.s32 v19, v34;
	v59 =	vld [tilespmem:s21+$0xFFFFFF30]  }
0x1b3: {  	v41 =	vadd.s32 v23, v37;
	v52 =	vmov s17;
	s17 =	simm.s32 $0xC;
	[tilespmem:v51+s0+$0x0] =	vst.idx.msk $0xffff, v50;
	v40 =	vld [tilespmem:s21+$0xFFFFFF70]  }
0x1b4: {  	s23 =	simm.s32 $0xB;
	s9 =	simm.s32 $0x8;
	v48 =	vadd.s32 v3, v33;
	v43 =	vadd.s32 v27, v36;
	v46 =	vmov s17;
	v42 =	vld [tilespmem:s21+$0xFFFFFFB0];
	[tilespmem:v56+s0+$0x0] =	vst.idx.msk $0xffff, v55  }
0x1b5: {  	s19 =	simm.s32 $0xA;
	v53 =	vadd.s32 v12, v53;
	v44 =	vmov s23;
	v45 =	vld [tilespmem:s21+$0xFFFFFE30];
	v63 =	vmov s9;
	[tilespmem:v58+s0+$0x0] =	vst.idx.msk $0xffff, v57  }
0x1b6: {  	s23 =	simm.s32 $0xE;
	v39 =	vshrl.u32 v63, $0x3;
	v51 =	vadd.s32 v8, v47;
	v49 =	vld [tilespmem:s21+$0xFFFFFE80];
	[tilespmem:v38+s0+$0x0] =	vst.idx.msk $0xffff, v54;
	v54 =	vmov s19;
	s19 =	simm.s32 $0xD  }
0x1b7: {  	s17 =	simm.s32 $0xF;
	v47 =	vshll.u32 v39, v1;
	v39 =	vmov s23;
	s23 =	simm.s32 $0x10;
	v50 =	vld [tilespmem:s21+$0xFFFFFEC0];
	[tilespmem:v60+s0+$0x0] =	vst.idx.msk $0xffff, v59;
	v38 =	vmov s19;
	s19 =	sor.u32 $0x2, s7  }
.LBB2_14:
0x1b8: {  	p2 =	slt.u32 s23, $0x78;
	v52 =	vshrl.u32 v52, $0x3;
	v55 =	vmov s17;
	v56 =	vld [tilespmem:s21+$0xFFFFFF00];
	v35 =	vadd.s32 v16, v35;
	[tilespmem:v41+s0+$0x0] =	vst.idx.msk $0xffff, v40  }
0x1b9: {  	v40 =	vshrl.u32 v54, $0x3;
	v34 =	vadd.s32 v20, v34;
	v41 =	vshrl.u32 v55, $0x3;
	v54 =	vld [tilespmem:s21+$0xFFFFFF40];
	[tilespmem:v43+s0+$0x0] =	vst.idx.msk $0xffff, v42  }
0x1ba: {  	v37 =	vadd.s32 v24, v37;
	v42 =	vshrl.u32 v44, $0x3;
	v41 =	vshll.u32 v41, v1;
	[tilespmem:v48+s0+$0x0] =	vst.idx.msk $0xffff, v45;
	v43 =	vld [tilespmem:s21+$0xFFFFFF80]  }
0x1bb: {  	v36 =	vadd.s32 v28, v36;
	v44 =	vshrl.u32 v46, $0x3;
	v41 =	vbroadcast v41, $0x0;
	[tilespmem:v51+s0+$0x0] =	vst.idx.msk $0xffff, v49;
	v45 =	vld [tilespmem:s21+$0xFFFFFFC0]  }
0x1bc: {  	v46 =	vshll.u32 v52, v1;
	v49 =	vadd.s32 v4, v33;
	v33 =	vbroadcast v47, $0x0;
	v48 =	vld [tilespmem:s21+$0xFFFFFE40];
	[tilespmem:v53+s0+$0x0] =	vst.idx.msk $0xffff, v50;
	s21 =	sadd.s32 $0x200, s21  }
0x1bd: {  	v40 =	vshll.u32 v40, v1;
	v47 =	vbroadcast v46, $0x0;
	v46 =	vld [tilespmem:s21+$0xFFFFFFD0];
	v50 =	vadd.s32 v29, v41;
	[tilespmem:v35+s0+$0x0] =	vst.idx.msk $0xffff, v56  }
0x1be: {  	v53 =	vbroadcast v40, $0x0;
	v52 =	vadd.s32 v0, v33;
	v35 =	vshll.u32 v42, v1;
	v51 =	vld [tilespmem:s21+$0xFFFFFE10];
	[tilespmem:v34+s0+$0x0] =	vst.idx.msk $0xffff, v54  }
0x1bf: {  	v42 =	vadd.s32 v5, v47;
	v35 =	vbroadcast v35, $0x0;
	v34 =	vshll.u32 v44, v1;
	v40 =	vld [tilespmem:s21+$0xFFFFFE50];
	[tilespmem:v37+s0+$0x0] =	vst.idx.msk $0xffff, v43  }
0x1c0: {  	v44 =	vadd.s32 v9, v53;
	v34 =	vbroadcast v34, $0x0;
	v37 =	vshrl.u32 v38, $0x3;
	v43 =	vld [tilespmem:s21+$0xFFFFFE90];
	[tilespmem:v36+s0+$0x0] =	vst.idx.msk $0xffff, v45  }
0x1c1: {  	v39 =	vshrl.u32 v39, $0x3;
	v45 =	vadd.s32 v13, v35;
	v36 =	vshll.u32 v37, v1;
	v38 =	vld [tilespmem:s21+$0xFFFFFED0];
	[tilespmem:v49+s0+$0x0] =	vst.idx.msk $0xffff, v48  }
0x1c2: {  	v49 =	vadd.s32 v17, v34;
	v37 =	vbroadcast v36, $0x0;
	v36 =	vshll.u32 v39, v1;
	v48 =	vld [tilespmem:s21+$0xFFFFFF10];
	[tilespmem:v50+s0+$0x0] =	vst.idx.msk $0xffff, v46  }
0x1c3: {  	v36 =	vbroadcast v36, $0x0;
	v46 =	vadd.s32 v30, v41;
	[tilespmem:v52+s0+$0x0] =	vst.idx.msk $0xffff, v51;
	v39 =	vld [tilespmem:s21+$0xFFFFFFE0]  }
0x1c4: {  	[tilespmem:v42+s0+$0x0] =	vst.idx.msk $0xffff, v40;
	v40 =	vld [tilespmem:s21+$0xFFFFFF50];
	v42 =	vadd.s32 v21, v37  }
0x1c5: {  	[tilespmem:v44+s0+$0x0] =	vst.idx.msk $0xffff, v43;
	v43 =	vld [tilespmem:s21+$0xFFFFFF90];
	v44 =	vadd.s32 v25, v36  }
0x1c6: {  	v51 =	vadd.s32 v6, v47;
	v50 =	vld [tilespmem:s21+$0xFFFFFE60];
	[tilespmem:v45+s0+$0x0] =	vst.idx.msk $0xffff, v38  }
0x1c7: {  	v45 =	vadd.s32 v10, v53;
	v38 =	vld [tilespmem:s21+$0xFFFFFEA0];
	[tilespmem:v49+s0+$0x0] =	vst.idx.msk $0xffff, v48  }
0x1c8: {  	v49 =	vadd.s32 v14, v35;
	v48 =	vld [tilespmem:s21+$0xFFFFFEE0];
	[tilespmem:v46+s0+$0x0] =	vst.idx.msk $0xffff, v39  }
0x1c9: {  	[tilespmem:v42+s0+$0x0] =	vst.idx.msk $0xffff, v40;
	v39 =	vld [tilespmem:s21+$0xFFFFFFF0];
	v40 =	vadd.s32 v31, v41  }
0x1ca: {  	v46 =	vadd.s32 v18, v34;
	v42 =	vld [tilespmem:s21+$0xFFFFFF20];
	[tilespmem:v44+s0+$0x0] =	vst.idx.msk $0xffff, v43  }
0x1cb: {  	v44 =	vadd.s32 v22, v37;
	[tilespmem:v51+s0+$0x0] =	vst.idx.msk $0xffff, v50;
	v43 =	vld [tilespmem:s21+$0xFFFFFF60]  }
0x1cc: {  	[tilespmem:v45+s0+$0x0] =	vst.idx.msk $0xffff, v38;
	v38 =	vld [tilespmem:s21+$0xFFFFFFA0];
	v45 =	vadd.s32 v26, v36  }
0x1cd: {  	v51 =	vadd.s32 v2, v33;
	v50 =	vld [tilespmem:s21+$0xFFFFFE20];
	[tilespmem:v49+s0+$0x0] =	vst.idx.msk $0xffff, v48  }
0x1ce: {  	v49 =	vadd.s32 v7, v47;
	v48 =	vld [tilespmem:s21+$0xFFFFFE70];
	[tilespmem:v40+s0+$0x0] =	vst.idx.msk $0xffff, v39  }
0x1cf: {  	[tilespmem:v46+s0+$0x0] =	vst.idx.msk $0xffff, v42;
	v39 =	vld [tilespmem:s21+$0x0];
	v46 =	vadd.s32 v32, v41  }
0x1d0: {  	v56 =	vadd.s32 v11, v53;
	v55 =	vld [tilespmem:s21+$0xFFFFFEB0];
	[tilespmem:v44+s0+$0x0] =	vst.idx.msk $0xffff, v43  }
0x1d1: {  	v58 =	vadd.s32 v15, v35;
	v57 =	vld [tilespmem:s21+$0xFFFFFEF0];
	[tilespmem:v45+s0+$0x0] =	vst.idx.msk $0xffff, v38  }
0x1d2: {  	v60 =	vadd.s32 v19, v34;
	[tilespmem:v51+s0+$0x0] =	vst.idx.msk $0xffff, v50;
	v59 =	vld [tilespmem:s21+$0xFFFFFF30]  }
.Ltmp8:
0x1d3: {  	s8 =	sadd.s32 $0x1, s23;
	v41 =	vadd.s32 v23, v37;
	v38 =	vmov s23;
	[tilespmem:v49+s0+$0x0] =	vst.idx.msk $0xffff, v48;
	v40 =	vld [tilespmem:s21+$0xFFFFFF70];
	(pc) =	sbr.rel @p2 .LBB2_14-.Ltmp8, $4  }
0x1d4: {  	s9 =	sadd.s32 $0x3, s23;
	v52 =	vmov s8;
	s8 =	sadd.s32 $0x2, s23;
	v43 =	vadd.s32 v27, v36;
	v50 =	vshrl.u32 v38, $0x3;
	v42 =	vld [tilespmem:s21+$0xFFFFFFB0];
	[tilespmem:v46+s0+$0x0] =	vst.idx.msk $0xffff, v39  }
0x1d5: {  	v54 =	vmov s8;
	s8 =	sadd.s32 $0x4, s23;
	v44 =	vmov s9;
	s9 =	sadd.s32 $0x5, s23;
	v48 =	vadd.s32 v3, v33;
	v45 =	vld [tilespmem:s21+$0xFFFFFE30];
	[tilespmem:v56+s0+$0x0] =	vst.idx.msk $0xffff, v55  }
0x1d6: {  	v38 =	vmov s9;
	v51 =	vadd.s32 v8, v47;
	v46 =	vmov s8;
	s8 =	sadd.s32 $0x6, s23;
	v49 =	vld [tilespmem:s21+$0xFFFFFE80];
	[tilespmem:v58+s0+$0x0] =	vst.idx.msk $0xffff, v57  }
0x1d7: {  	s17 =	sadd.s32 $0x7, s23;
	v53 =	vadd.s32 v12, v53;
	v47 =	vshll.u32 v50, v1;
	s23 =	sadd.s32 $0x8, s23;
	v39 =	vmov s8;
	v50 =	vld [tilespmem:s21+$0xFFFFFEC0];
	[tilespmem:v60+s0+$0x0] =	vst.idx.msk $0xffff, v59  }
0x1d8: {  	_ =	sdelay $0x2  }
0x1d9: {  	v52 =	vshrl.u32 v52, $0x3  }
0x1da: {  	v55 =	vmov s17;
	v56 =	vld [tilespmem:s21+$0xFFFFFF00];
	v35 =	vadd.s32 v16, v35;
	[tilespmem:v41+s0+$0x0] =	vst.idx.msk $0xffff, v40;
	v57 =	vshrl.u32 v54, $0x3  }
0x1db: {  	v59 =	vld [tilespmem:s21+$0xFFFFFF40];
	v34 =	vadd.s32 v20, v34;
	v60 =	vshrl.u32 v44, $0x3;
	v58 =	vshrl.u32 v55, $0x3;
	[tilespmem:v43+s0+$0x0] =	vst.idx.msk $0xffff, v42  }
0x1dc: {  	v37 =	vadd.s32 v24, v37;
	v62 =	vshrl.u32 v46, $0x3;
	v61 =	vld [tilespmem:s21+$0xFFFFFF80];
	v41 =	vshll.u32 v58, v1;
	[tilespmem:v48+s0+$0x0] =	vst.idx.msk $0xffff, v45  }
0x1dd: {  	v36 =	vadd.s32 v28, v36;
	v46 =	vbroadcast v47, $0x0;
	v63 =	vld [tilespmem:s21+$0xFFFFFFC0];
	v41 =	vbroadcast v41, $0x0;
	[tilespmem:v51+s0+$0x0] =	vst.idx.msk $0xffff, v49  }
0x1de: {  	v33 =	vadd.s32 v4, v33;
	s17 =	sadd.s32 $0x200, s21;
	v38 =	vshrl.u32 v38, $0x3;
	v55 =	vshll.u32 v52, v1;
	v48 =	vld [tilespmem:s21+$0xFFFFFE40];
	[tilespmem:v53+s0+$0x0] =	vst.idx.msk $0xffff, v50  }
0x1df: {  	v40 =	vshll.u32 v57, v1;
	v47 =	vbroadcast v55, $0x0;
	v49 =	vld [tilespmem:s17+$0xFFFFFFD0];
	v50 =	vadd.s32 v29, v41;
	[tilespmem:v35+s0+$0x0] =	vst.idx.msk $0xffff, v56  }
0x1e0: {  	v42 =	vshll.u32 v60, v1;
	v40 =	vbroadcast v40, $0x0;
	v35 =	vld [tilespmem:s17+$0xFFFFFE10];
	v56 =	vadd.s32 v0, v46;
	[tilespmem:v34+s0+$0x0] =	vst.idx.msk $0xffff, v59  }
0x1e1: {  	v57 =	vld [tilespmem:s17+$0xFFFFFE50];
	v44 =	vshll.u32 v62, v1;
	v42 =	vbroadcast v42, $0x0;
	v58 =	vadd.s32 v5, v47;
	[tilespmem:v37+s0+$0x0] =	vst.idx.msk $0xffff, v61  }
0x1e2: {  	v38 =	vshll.u32 v38, v1;
	v44 =	vbroadcast v44, $0x0;
	v60 =	vadd.s32 v9, v40;
	v59 =	vld [tilespmem:s17+$0xFFFFFE90];
	[tilespmem:v36+s0+$0x0] =	vst.idx.msk $0xffff, v63  }
0x1e3: {  	v38 =	vbroadcast v38, $0x0;
	v62 =	vadd.s32 v13, v42;
	v61 =	vld [tilespmem:s17+$0xFFFFFED0];
	[tilespmem:v33+s0+$0x0] =	vst.idx.msk $0xffff, v48  }
0x1e4: {  	v39 =	vshrl.u32 v39, $0x3;
	v63 =	vadd.s32 v17, v44;
	v33 =	vld [tilespmem:s17+$0xFFFFFF10];
	[tilespmem:v50+s0+$0x0] =	vst.idx.msk $0xffff, v49  }
0x1e5: {  	v39 =	vshll.u32 v39, v1;
	v34 =	vld [tilespmem:s17+$0xFFFFFF50];
	[tilespmem:v56+s0+$0x0] =	vst.idx.msk $0xffff, v35;
	v56 =	vadd.s32 v21, v38  }
0x1e6: {  	[tilespmem:v58+s0+$0x0] =	vst.idx.msk $0xffff, v57;
	v35 =	vbroadcast v39, $0x0;
	v49 =	vadd.s32 v30, v41;
	v39 =	vld [tilespmem:s17+$0xFFFFFFE0]  }
0x1e7: {  	[tilespmem:v60+s0+$0x0] =	vst.idx.msk $0xffff, v59;
	v59 =	vld [tilespmem:s17+$0xFFFFFE60];
	v60 =	vadd.s32 v6, v47  }
0x1e8: {  	v57 =	vld [tilespmem:s17+$0xFFFFFF90];
	[tilespmem:v62+s0+$0x0] =	vst.idx.msk $0xffff, v61;
	v58 =	vadd.s32 v25, v35  }
0x1e9: {  	v61 =	vld [tilespmem:s17+$0xFFFFFEA0];
	v62 =	vadd.s32 v10, v40;
	[tilespmem:v63+s0+$0x0] =	vst.idx.msk $0xffff, v33  }
0x1ea: {  	v33 =	vld [tilespmem:s17+$0xFFFFFEE0];
	v63 =	vadd.s32 v14, v42;
	[tilespmem:v56+s0+$0x0] =	vst.idx.msk $0xffff, v34  }
0x1eb: {  	v56 =	vadd.s32 v18, v44;
	[tilespmem:v49+s0+$0x0] =	vst.idx.msk $0xffff, v39;
	v49 =	vld [tilespmem:s17+$0xFFFFFF20]  }
0x1ec: {  	[tilespmem:v60+s0+$0x0] =	vst.idx.msk $0xffff, v59;
	v39 =	vadd.s32 v31, v41;
	v34 =	vld [tilespmem:s17+$0xFFFFFFF0]  }
0x1ed: {  	[tilespmem:v58+s0+$0x0] =	vst.idx.msk $0xffff, v57;
	v57 =	vld [tilespmem:s17+$0xFFFFFF60];
	v58 =	vadd.s32 v22, v38  }
0x1ee: {  	[tilespmem:v62+s0+$0x0] =	vst.idx.msk $0xffff, v61;
	v61 =	vld [tilespmem:s17+$0xFFFFFE20];
	v62 =	vadd.s32 v2, v46  }
0x1ef: {  	v60 =	vadd.s32 v26, v35;
	v59 =	vld [tilespmem:s17+$0xFFFFFFA0];
	[tilespmem:v63+s0+$0x0] =	vst.idx.msk $0xffff, v33  }
0x1f0: {  	v55 =	vadd.s32 v11, v40;
	v54 =	vadd.s32 v32, v41;
	v41 =	vld [tilespmem:s17+$0xFFFFFEB0];
	[tilespmem:v56+s0+$0x0] =	vst.idx.msk $0xffff, v49  }
0x1f1: {  	v53 =	vadd.s32 v7, v47;
	v63 =	vld [tilespmem:s17+$0xFFFFFE70];
	[tilespmem:v39+s0+$0x0] =	vst.idx.msk $0xffff, v34  }
0x1f2: {  	v56 =	vld [tilespmem:s17+$0xFFFFFEF0];
	[tilespmem:v58+s0+$0x0] =	vst.idx.msk $0xffff, v57;
	v57 =	vadd.s32 v15, v42  }
0x1f3: {  	[tilespmem:v62+s0+$0x0] =	vst.idx.msk $0xffff, v61;
	v34 =	vld [tilespmem:s17+$0x0]  }
0x1f4: {  	v58 =	vld [tilespmem:s17+$0xFFFFFF30];
	[tilespmem:v60+s0+$0x0] =	vst.idx.msk $0xffff, v59;
	v59 =	vadd.s32 v19, v44  }
0x1f5: {  	v61 =	vadd.s32 v23, v38;
	[tilespmem:v55+s0+$0x0] =	vst.idx.msk $0xffff, v41;
	v60 =	vld [tilespmem:s17+$0xFFFFFF70]  }
0x1f6: {  	[tilespmem:v53+s0+$0x0] =	vst.idx.msk $0xffff, v63;
	v63 =	vadd.s32 v27, v35;
	v62 =	vld [tilespmem:s17+$0xFFFFFFB0]  }
0x1f7: {  	v47 =	vadd.s32 v8, v47;
	v55 =	vld [tilespmem:s17+$0xFFFFFE80];
	[tilespmem:v57+s0+$0x0] =	vst.idx.msk $0xffff, v56  }
0x1f8: {  	v53 =	vld [tilespmem:s17+$0xFFFFFE30];
	[tilespmem:v54+s0+$0x0] =	vst.idx.msk $0xffff, v34;
	v54 =	vadd.s32 v3, v46  }
0x1f9: {  	v40 =	vadd.s32 v12, v40;
	v56 =	vld [tilespmem:s17+$0xFFFFFEC0];
	[tilespmem:v59+s0+$0x0] =	vst.idx.msk $0xffff, v58  }
0x1fa: {  	v42 =	vadd.s32 v16, v42;
	v57 =	vld [tilespmem:s17+$0xFFFFFF00];
	[tilespmem:v61+s0+$0x0] =	vst.idx.msk $0xffff, v60  }
0x1fb: {  	v59 =	vadd.s32 v20, v44;
	v58 =	vld [tilespmem:s17+$0xFFFFFF40];
	[tilespmem:v63+s0+$0x0] =	vst.idx.msk $0xffff, v62  }
0x1fc: {  	v38 =	vadd.s32 v24, v38;
	v60 =	vld [tilespmem:s17+$0xFFFFFF80];
	[tilespmem:v47+s0+$0x0] =	vst.idx.msk $0xffff, v55  }
0x1fd: {  	v35 =	vadd.s32 v28, v35;
	v61 =	vld [tilespmem:s17+$0xFFFFFFC0];
	[tilespmem:v54+s0+$0x0] =	vst.idx.msk $0xffff, v53  }
0x1fe: {  	v63 =	vadd.s32 v4, v46;
	[tilespmem:v40+s0+$0x0] =	vst.idx.msk $0xffff, v56;
	v62 =	vld [tilespmem:s17+$0xFFFFFE40]  }
0x1ff: {  	s8 =	sadd.s32 s6, s19;
	[tilespmem:v42+s0+$0x0] =	vst.idx.msk $0xffff, v57  }
0x200: {  	s9 =	sshll.u32 s8, $0x7;
	[tilespmem:v59+s0+$0x0] =	vst.idx.msk $0xffff, v58  }
0x201: {  	s8 =	sshll.u32 s8, $0xA;
	s9 =	sand.u32 $0xF00, s9;
	[tilespmem:v38+s0+$0x0] =	vst.idx.msk $0xffff, v60  }
0x202: {  	s8 =	sand.u32 $0xFFF8000, s8;
	s9 =	sadd.s32 s2, s9;
	[tilespmem:v35+s0+$0x0] =	vst.idx.msk $0xffff, v61  }
0x203: {  	s23 =	simm.s32 $0xC600;
	s9 =	sadd.s32 s8, s9;
	[tilespmem:v63+s0+$0x0] =	vst.idx.msk $0xffff, v62  }
0x204: {  	[hbm4b:s9+s3] =	stream.linear.scatter [tilespmem:s23], [sflag:$0xB], $0x80, $0x38;
	[tilespmem:$0x10A00] =	vst v63  }
0x205: {  	s19 =	sadd.s32 $0x10, s9;
	s17 =	simm.s32 $0xC688  }
0x206: {  	[hbm4b:s19+s3] =	stream.linear.scatter [tilespmem:s17], [sflag:$0xB], $0x80, $0x38;
	[tilespmem:$0x10A00] =	vst v63  }
0x207: {  	s21 =	simm.s32 $0xC710;
	s23 =	sadd.s32 $0x20, s9  }
0x208: {  	[hbm4b:s23+s3] =	stream.linear.scatter [tilespmem:s21], [sflag:$0xB], $0x80, $0x38;
	[tilespmem:$0x10A00] =	vst v63  }
0x209: {  	s17 =	simm.s32 $0xC798;
	s19 =	sadd.s32 $0x30, s9  }
0x20a: {  	[hbm4b:s19+s3] =	stream.linear.scatter [tilespmem:s17], [sflag:$0xB], $0x80, $0x38;
	[tilespmem:$0x10A00] =	vst v63  }
0x20b: {  	s21 =	simm.s32 $0xC820;
	s23 =	sadd.s32 $0x40, s9  }
0x20c: {  	[hbm4b:s23+s3] =	stream.linear.scatter [tilespmem:s21], [sflag:$0xB], $0x80, $0x38;
	[tilespmem:$0x10A00] =	vst v63  }
0x20d: {  	s8 =	sadd.s32 $0x70, s9;
	s17 =	simm.s32 $0xC8A8;
	s19 =	sadd.s32 $0x50, s9  }
0x20e: {  	[hbm4b:s19+s3] =	stream.linear.scatter [tilespmem:s17], [sflag:$0xB], $0x80, $0x38;
	[tilespmem:$0x10A00] =	vst v63  }
0x20f: {  	s21 =	simm.s32 $0xC930;
	s23 =	sadd.s32 $0x60, s9;
	s19 =	simm.s32 $0x440  }
0x210: {  	[hbm4b:s23+s3] =	stream.linear.scatter [tilespmem:s21], [sflag:$0xB], $0x80, $0x38;
	[tilespmem:$0x10A00] =	vst v63  }
0x211: {  	s17 =	simm.s32 $0xC9B8;
	s23 =	simm.s32 $0x2200;
	s21 =	sadd.s32 $0x1000, s9  }
.LBB2_16:
0x212: {  	[hbm4b:s8+s3] =	stream.linear.scatter [tilespmem:s17], [sflag:$0xB], $0x80, $0x38;
	[tilespmem:$0x10A00] =	vst v63  }
0x213: {  	s8 =	smov.u32 s19;
	s9 =	smov.u32 s23  }
0x214: {  	s19 =	sshra.s32 s9, $0x2;
	s9 =	sadd.s32 $0x1100, s23;
	s17 =	sadd.s32 $0xC600, s8  }
0x215: {  	[hbm4b:s21+s3] =	stream.linear.scatter [tilespmem:s17], [sflag:$0xB], $0x80, $0x38;
	[tilespmem:$0x10A00] =	vst v63  }
0x216: {  	p2 =	sne.s32 s23, $0x7700;
	s23 =	sadd.s32 $0x10, s21;
	s17 =	sadd.s32 $0xC688, s8  }
0x217: {  	[hbm4b:s23+s3] =	stream.linear.scatter [tilespmem:s17], [sflag:$0xB], $0x80, $0x38;
	[tilespmem:$0x10A00] =	vst v63  }
0x218: {  	s17 =	sadd.s32 $0xC710, s8;
	s23 =	sadd.s32 $0x20, s21  }
0x219: {  	[hbm4b:s23+s3] =	stream.linear.scatter [tilespmem:s17], [sflag:$0xB], $0x80, $0x38;
	[tilespmem:$0x10A00] =	vst v63  }
0x21a: {  	s17 =	sadd.s32 $0xC798, s8;
	s23 =	sadd.s32 $0x30, s21  }
0x21b: {  	[hbm4b:s23+s3] =	stream.linear.scatter [tilespmem:s17], [sflag:$0xB], $0x80, $0x38;
	[tilespmem:$0x10A00] =	vst v63  }
0x21c: {  	s17 =	sadd.s32 $0xC820, s8;
	s23 =	sadd.s32 $0x40, s21  }
0x21d: {  	[hbm4b:s23+s3] =	stream.linear.scatter [tilespmem:s17], [sflag:$0xB], $0x80, $0x38;
	[tilespmem:$0x10A00] =	vst v63  }
0x21e: {  	s17 =	sadd.s32 $0xC8A8, s8;
	s23 =	sadd.s32 $0x50, s21  }
0x21f: {  	[hbm4b:s23+s3] =	stream.linear.scatter [tilespmem:s17], [sflag:$0xB], $0x80, $0x38;
	[tilespmem:$0x10A00] =	vst v63  }
.Ltmp9:
0x220: {  	_ = 	snop;
	(pc) =	sbr.rel @p2 .LBB2_16-.Ltmp9, $4  }
0x221: {  	s17 =	sadd.s32 $0xC930, s8;
	s23 =	sadd.s32 $0x60, s21  }
0x222: {  	[hbm4b:s23+s3] =	stream.linear.scatter [tilespmem:s17], [sflag:$0xB], $0x80, $0x38;
	[tilespmem:$0x10A00] =	vst v63  }
0x223: {  	s17 =	sadd.s32 $0xC9B8, s8  }
0x224: {  	s8 =	sadd.s32 $0x70, s21;
	s21 =	sadd.s32 $0x1000, s21;
	s23 =	smov.u32 s9  }
0x225: {  	[hbm4b:s8+s3] =	stream.linear.scatter [tilespmem:s17], [sflag:$0xB], $0x80, $0x38;
	[tilespmem:$0x10A00] =	vst v63  }
0x226: {  	s17 =	sadd.s32 $0xC600, s19  }
0x227: {  	[hbm4b:s21+s3] =	stream.linear.scatter [tilespmem:s17], [sflag:$0xB], $0x80, $0x38;
	[tilespmem:$0x10A00] =	vst v63  }
0x228: {  	s23 =	sadd.s32 $0xC688, s19;
	s9 =	sadd.s32 $0x10, s21  }
0x229: {  	[hbm4b:s9+s3] =	stream.linear.scatter [tilespmem:s23], [sflag:$0xB], $0x80, $0x38;
	[tilespmem:$0x10A00] =	vst v63  }
0x22a: {  	s17 =	sadd.s32 $0xC710, s19;
	s23 =	sadd.s32 $0x20, s21  }
0x22b: {  	[hbm4b:s23+s3] =	stream.linear.scatter [tilespmem:s17], [sflag:$0xB], $0x80, $0x38;
	[tilespmem:$0x10A00] =	vst v63  }
0x22c: {  	s17 =	sadd.s32 $0xC798, s19;
	s23 =	sadd.s32 $0x30, s21  }
0x22d: {  	[hbm4b:s23+s3] =	stream.linear.scatter [tilespmem:s17], [sflag:$0xB], $0x80, $0x38;
	[tilespmem:$0x10A00] =	vst v63  }
0x22e: {  	s17 =	sadd.s32 $0xC820, s19;
	s23 =	sadd.s32 $0x40, s21  }
0x22f: {  	[hbm4b:s23+s3] =	stream.linear.scatter [tilespmem:s17], [sflag:$0xB], $0x80, $0x38;
	[tilespmem:$0x10A00] =	vst v63  }
0x230: {  	s17 =	sadd.s32 $0xC8A8, s19;
	s23 =	sadd.s32 $0x50, s21  }
0x231: {  	[hbm4b:s23+s3] =	stream.linear.scatter [tilespmem:s17], [sflag:$0xB], $0x80, $0x38;
	[tilespmem:$0x10A00] =	vst v63  }
0x232: {  	s8 =	simm.s32 @!p0 $0x3;
	s9 =	sadd.s32 $0xC930, s19;
	s17 =	sadd.s32 $0x60, s21  }
0x233: {  	[hbm4b:s17+s3] =	stream.linear.scatter [tilespmem:s9], [sflag:$0xB], $0x80, $0x38;
	[tilespmem:$0x10A00] =	vst v63  }
0x234: {  	s19 =	sadd.s32 $0xC9B8, s19;
	s23 =	sadd.s32 $0x70, s21;
	s21 =	simm.s32 $0x2  }
0x235: {  	[hbm4b:s23+s3] =	stream.linear.scatter [tilespmem:s19], [sflag:$0xB], $0x80, $0x38;
	[tilespmem:$0x10A00] =	vst v63  }
0x236: {  	v35 =	vmov s21;
	s21 =	simm.s32 $0x5;
	_ =	swait.ge @!p0 [sflag:s8], $0x80  }
0x237: {  	s9 =	simm.s32 @!p0 $0x100;
	s17 =	simm.s32 @!p0 $0x4200;
	[sflag:s8] =	ssyncset.done @!p0 $0x0  }
0x238: {  	s19 =	simm.s32 $0x1;
	[sflag:s8] =	ssyncadd.s32 @!p0 $0xFFFFFF80;
	s8 =	simm.s32 @!p0 $0x80  }
0x239: {  	[tilespmem:s17], [sflag:$0x7] =	stream.indirect.gather @!p0 [hbm4b:s4+s8], $0x40, s9, s8, $0xb8;
	[tilespmem:$0x10A00] =	vst v63  }
0x23a: {  	s23 =	simm.s32 $0x3;
	v34 =	vmov s19;
	s19 =	simm.s32 $0x7;
	s8 =	sadd.s32 @!p0 s7, s14  }
0x23b: {  	v36 =	vmov s23;
	s23 =	simm.s32 $0x6;
	_ =	swait.ge [sflag:s20], $0x2000;
	s8 =	sshll.u32 @!p0 s8, $0x4  }
0x23c: {  	v39 =	vmov s21;
	v35 =	vshrl.u32 v35, $0x3;
	s9 =	simm.s32 @!p0 $0x0;
	[sflag:s20] =	ssyncset.done $0x0;
	s8 =	sand.u32 @!p0 $0xFFFFFF0, s8  }
0x23d: {  	v51 =	vshll.u32 v35, v1;
	v55 =	vshrl.u32 v39, $0x3;
	s17 =	simm.s32 @!p0 $0x180;
	[sflag:s20] =	ssyncadd.s32 $0xFFFFE000;
	s8 =	sadd.s32 @!p0 s5, s8  }
0x23e: {  	v53 =	vbroadcast v51, $0x0;
	v38 =	vmov s19;
	v40 =	vmov s23;
	[tilespmem:s17], [sflag:$0x4] =	stream.linear.gather @!p0 [hbm4b:s8+s9], $0x80, $0x38;
	[tilespmem:$0x10A00] =	vst v63  }
0x23f: {  	v34 =	vshrl.u32 v34, $0x3;
	v36 =	vshrl.u32 v36, $0x3;
	v38 =	vshrl.u32 v38, $0x3;
	s9 =	simm.s32 @!p1 $0xC  }
0x240: {  	v49 =	vadd.s32 v9, v53;
	v34 =	vshll.u32 v34, v1;
	v38 =	vshll.u32 v38, v1;
	_ =	swait.ge @!p1 [sflag:s9], $0x2000  }
0x241: {  	v52 =	vshll.u32 v36, v1;
	v36 =	vshll.u32 v55, v1;
	v38 =	vbroadcast v38, $0x0;
	s17 =	simm.s32 $0x0;
	[sflag:s9] =	ssyncset.done @!p1 $0x0  }
0x242: {  	s19 =	simm.s32 $0x63F0;
	v40 =	vshrl.u32 v40, $0x3;
	v47 =	vbroadcast v34, $0x0;
	v33 =	vmov s17;
	[sflag:s9] =	ssyncadd.s32 @!p1 $0xFFFFE000  }
0x243: {  	v35 =	vbroadcast v52, $0x0;
	v42 =	vadd.s32 v29, v38;
	s17 =	simm.s32 $0x4;
	v33 =	vshrl.u32 v33, $0x3;
	v41 =	vld [tilespmem:s19+$0xFFFFFFD0]  }
0x244: {  	v46 =	vadd.s32 v5, v47;
	v37 =	vmov s17;
	v33 =	vshll.u32 v33, v1;
	v45 =	vld [tilespmem:s19+$0xFFFFFE50]  }
0x245: {  	v56 =	vshll.u32 v40, v1;
	v37 =	vshrl.u32 v37, $0x3;
	v33 =	vbroadcast v33, $0x0;
	v48 =	vld [tilespmem:s19+$0xFFFFFE90]  }
0x246: {  	v50 =	vadd.s32 v13, v35;
	v54 =	vshll.u32 v37, v1;
	v39 =	vld [tilespmem:s19+$0xFFFFFED0];
	v37 =	vbroadcast v36, $0x0  }
0x247: {  	v43 =	vld [tilespmem:s19+$0xFFFFFE10];
	v36 =	vbroadcast v56, $0x0;
	v44 =	vadd.s32 v0, v33  }
0x248: {  	v59 =	vld [tilespmem:s19+$0xFFFFFF50];
	v34 =	vbroadcast v54, $0x0;
	v60 =	vadd.s32 v21, v37;
	[tilespmem:v42+s22+$0x0] =	vst.idx.msk $0xffff, v41  }
0x249: {  	v61 =	vld [tilespmem:s19+$0xFFFFFF90];
	v62 =	vadd.s32 v25, v36;
	[tilespmem:v46+s22+$0x0] =	vst.idx.msk $0xffff, v45  }
0x24a: {  	v51 =	vld [tilespmem:s19+$0xFFFFFF10];
	v52 =	vadd.s32 v17, v34;
	[tilespmem:v49+s22+$0x0] =	vst.idx.msk $0xffff, v48  }
0x24b: {  	v58 =	vadd.s32 v30, v38;
	[tilespmem:v50+s22+$0x0] =	vst.idx.msk $0xffff, v39;
	v57 =	vld [tilespmem:s19+$0xFFFFFFE0]  }
0x24c: {  	v63 =	vadd.s32 v6, v47;
	v46 =	vld [tilespmem:s19+$0xFFFFFE60];
	[tilespmem:v44+s22+$0x0] =	vst.idx.msk $0xffff, v43  }
0x24d: {  	v55 =	vadd.s32 v10, v53;
	v54 =	vld [tilespmem:s19+$0xFFFFFEA0];
	[tilespmem:v60+s22+$0x0] =	vst.idx.msk $0xffff, v59  }
0x24e: {  	v56 =	vadd.s32 v14, v35;
	v50 =	vld [tilespmem:s19+$0xFFFFFEE0];
	[tilespmem:v62+s22+$0x0] =	vst.idx.msk $0xffff, v61  }
0x24f: {  	v45 =	vadd.s32 v22, v37;
	[tilespmem:v52+s22+$0x0] =	vst.idx.msk $0xffff, v51;
	v44 =	vld [tilespmem:s19+$0xFFFFFF60]  }
0x250: {  	v59 =	vadd.s32 v18, v34;
	[tilespmem:v58+s22+$0x0] =	vst.idx.msk $0xffff, v57;
	v58 =	vld [tilespmem:s19+$0xFFFFFF20]  }
0x251: {  	v57 =	vadd.s32 v31, v38;
	[tilespmem:v63+s22+$0x0] =	vst.idx.msk $0xffff, v46;
	v40 =	vld [tilespmem:s19+$0xFFFFFFF0]  }
0x252: {  	v62 =	vadd.s32 v2, v33;
	v61 =	vld [tilespmem:s19+$0xFFFFFE20];
	[tilespmem:v55+s22+$0x0] =	vst.idx.msk $0xffff, v54  }
0x253: {  	v60 =	vadd.s32 v26, v36;
	v63 =	vld [tilespmem:s19+$0xFFFFFFA0];
	[tilespmem:v56+s22+$0x0] =	vst.idx.msk $0xffff, v50  }
0x254: {  	v51 =	vadd.s32 v7, v47;
	v50 =	vld [tilespmem:s19+$0xFFFFFE70];
	[tilespmem:v45+s22+$0x0] =	vst.idx.msk $0xffff, v44  }
0x255: {  	v56 =	vadd.s32 v11, v53;
	v55 =	vld [tilespmem:s19+$0xFFFFFEB0];
	[tilespmem:v59+s22+$0x0] =	vst.idx.msk $0xffff, v58  }
0x256: {  	v58 =	vadd.s32 v15, v35;
	[tilespmem:v57+s22+$0x0] =	vst.idx.msk $0xffff, v40;
	v57 =	vld [tilespmem:s19+$0xFFFFFEF0]  }
0x257: {  	v38 =	vadd.s32 v32, v38;
	[tilespmem:v62+s22+$0x0] =	vst.idx.msk $0xffff, v61;
	v54 =	vld [tilespmem:s19+$0x0]  }
0x258: {  	s17 =	simm.s32 $0x9;
	[tilespmem:v60+s22+$0x0] =	vst.idx.msk $0xffff, v63;
	v60 =	vadd.s32 v19, v34;
	v59 =	vld [tilespmem:s19+$0xFFFFFF30]  }
0x259: {  	v41 =	vadd.s32 v23, v37;
	v52 =	vmov s17;
	s17 =	simm.s32 $0xC;
	[tilespmem:v51+s22+$0x0] =	vst.idx.msk $0xffff, v50;
	v40 =	vld [tilespmem:s19+$0xFFFFFF70]  }
0x25a: {  	s23 =	simm.s32 $0xB;
	s9 =	simm.s32 $0x8;
	v48 =	vadd.s32 v3, v33;
	v43 =	vadd.s32 v27, v36;
	v46 =	vmov s17;
	v42 =	vld [tilespmem:s19+$0xFFFFFFB0];
	[tilespmem:v56+s22+$0x0] =	vst.idx.msk $0xffff, v55  }
0x25b: {  	s21 =	simm.s32 $0xA;
	v53 =	vadd.s32 v12, v53;
	v44 =	vmov s23;
	v45 =	vld [tilespmem:s19+$0xFFFFFE30];
	v63 =	vmov s9;
	[tilespmem:v58+s22+$0x0] =	vst.idx.msk $0xffff, v57  }
0x25c: {  	s23 =	simm.s32 $0xE;
	v39 =	vshrl.u32 v63, $0x3;
	v51 =	vadd.s32 v8, v47;
	v49 =	vld [tilespmem:s19+$0xFFFFFE80];
	[tilespmem:v38+s22+$0x0] =	vst.idx.msk $0xffff, v54;
	v54 =	vmov s21;
	s21 =	simm.s32 $0xD  }
0x25d: {  	s7 =	sor.u32 $0x3, s7;
	s17 =	simm.s32 $0xF;
	v47 =	vshll.u32 v39, v1;
	v39 =	vmov s23;
	v50 =	vld [tilespmem:s19+$0xFFFFFEC0];
	[tilespmem:v60+s22+$0x0] =	vst.idx.msk $0xffff, v59;
	v38 =	vmov s21;
	s21 =	simm.s32 $0x10  }
.LBB2_18:
0x25e: {  	p1 =	slt.u32 s21, $0x78;
	v52 =	vshrl.u32 v52, $0x3;
	v55 =	vmov s17;
	v56 =	vld [tilespmem:s19+$0xFFFFFF00];
	v35 =	vadd.s32 v16, v35;
	[tilespmem:v41+s22+$0x0] =	vst.idx.msk $0xffff, v40  }
0x25f: {  	v40 =	vshrl.u32 v54, $0x3;
	v34 =	vadd.s32 v20, v34;
	v41 =	vshrl.u32 v55, $0x3;
	v54 =	vld [tilespmem:s19+$0xFFFFFF40];
	[tilespmem:v43+s22+$0x0] =	vst.idx.msk $0xffff, v42  }
0x260: {  	v37 =	vadd.s32 v24, v37;
	v42 =	vshrl.u32 v44, $0x3;
	v41 =	vshll.u32 v41, v1;
	[tilespmem:v48+s22+$0x0] =	vst.idx.msk $0xffff, v45;
	v43 =	vld [tilespmem:s19+$0xFFFFFF80]  }
0x261: {  	v36 =	vadd.s32 v28, v36;
	v44 =	vshrl.u32 v46, $0x3;
	v41 =	vbroadcast v41, $0x0;
	[tilespmem:v51+s22+$0x0] =	vst.idx.msk $0xffff, v49;
	v45 =	vld [tilespmem:s19+$0xFFFFFFC0]  }
0x262: {  	v46 =	vshll.u32 v52, v1;
	v49 =	vadd.s32 v4, v33;
	v33 =	vbroadcast v47, $0x0;
	v48 =	vld [tilespmem:s19+$0xFFFFFE40];
	[tilespmem:v53+s22+$0x0] =	vst.idx.msk $0xffff, v50;
	s19 =	sadd.s32 $0x200, s19  }
0x263: {  	v40 =	vshll.u32 v40, v1;
	v47 =	vbroadcast v46, $0x0;
	v46 =	vld [tilespmem:s19+$0xFFFFFFD0];
	v50 =	vadd.s32 v29, v41;
	[tilespmem:v35+s22+$0x0] =	vst.idx.msk $0xffff, v56  }
0x264: {  	v53 =	vbroadcast v40, $0x0;
	v52 =	vadd.s32 v0, v33;
	v35 =	vshll.u32 v42, v1;
	v51 =	vld [tilespmem:s19+$0xFFFFFE10];
	[tilespmem:v34+s22+$0x0] =	vst.idx.msk $0xffff, v54  }
0x265: {  	v42 =	vadd.s32 v5, v47;
	v35 =	vbroadcast v35, $0x0;
	v34 =	vshll.u32 v44, v1;
	v40 =	vld [tilespmem:s19+$0xFFFFFE50];
	[tilespmem:v37+s22+$0x0] =	vst.idx.msk $0xffff, v43  }
0x266: {  	v44 =	vadd.s32 v9, v53;
	v34 =	vbroadcast v34, $0x0;
	v37 =	vshrl.u32 v38, $0x3;
	v43 =	vld [tilespmem:s19+$0xFFFFFE90];
	[tilespmem:v36+s22+$0x0] =	vst.idx.msk $0xffff, v45  }
0x267: {  	v39 =	vshrl.u32 v39, $0x3;
	v45 =	vadd.s32 v13, v35;
	v36 =	vshll.u32 v37, v1;
	v38 =	vld [tilespmem:s19+$0xFFFFFED0];
	[tilespmem:v49+s22+$0x0] =	vst.idx.msk $0xffff, v48  }
0x268: {  	v49 =	vadd.s32 v17, v34;
	v37 =	vbroadcast v36, $0x0;
	v36 =	vshll.u32 v39, v1;
	v48 =	vld [tilespmem:s19+$0xFFFFFF10];
	[tilespmem:v50+s22+$0x0] =	vst.idx.msk $0xffff, v46  }
0x269: {  	v36 =	vbroadcast v36, $0x0;
	v46 =	vadd.s32 v30, v41;
	[tilespmem:v52+s22+$0x0] =	vst.idx.msk $0xffff, v51;
	v39 =	vld [tilespmem:s19+$0xFFFFFFE0]  }
0x26a: {  	[tilespmem:v42+s22+$0x0] =	vst.idx.msk $0xffff, v40;
	v40 =	vld [tilespmem:s19+$0xFFFFFF50];
	v42 =	vadd.s32 v21, v37  }
0x26b: {  	[tilespmem:v44+s22+$0x0] =	vst.idx.msk $0xffff, v43;
	v43 =	vld [tilespmem:s19+$0xFFFFFF90];
	v44 =	vadd.s32 v25, v36  }
0x26c: {  	v51 =	vadd.s32 v6, v47;
	v50 =	vld [tilespmem:s19+$0xFFFFFE60];
	[tilespmem:v45+s22+$0x0] =	vst.idx.msk $0xffff, v38  }
0x26d: {  	v45 =	vadd.s32 v10, v53;
	v38 =	vld [tilespmem:s19+$0xFFFFFEA0];
	[tilespmem:v49+s22+$0x0] =	vst.idx.msk $0xffff, v48  }
0x26e: {  	v49 =	vadd.s32 v14, v35;
	v48 =	vld [tilespmem:s19+$0xFFFFFEE0];
	[tilespmem:v46+s22+$0x0] =	vst.idx.msk $0xffff, v39  }
0x26f: {  	[tilespmem:v42+s22+$0x0] =	vst.idx.msk $0xffff, v40;
	v39 =	vld [tilespmem:s19+$0xFFFFFFF0];
	v40 =	vadd.s32 v31, v41  }
0x270: {  	v46 =	vadd.s32 v18, v34;
	v42 =	vld [tilespmem:s19+$0xFFFFFF20];
	[tilespmem:v44+s22+$0x0] =	vst.idx.msk $0xffff, v43  }
0x271: {  	v44 =	vadd.s32 v22, v37;
	[tilespmem:v51+s22+$0x0] =	vst.idx.msk $0xffff, v50;
	v43 =	vld [tilespmem:s19+$0xFFFFFF60]  }
0x272: {  	[tilespmem:v45+s22+$0x0] =	vst.idx.msk $0xffff, v38;
	v38 =	vld [tilespmem:s19+$0xFFFFFFA0];
	v45 =	vadd.s32 v26, v36  }
0x273: {  	v51 =	vadd.s32 v2, v33;
	v50 =	vld [tilespmem:s19+$0xFFFFFE20];
	[tilespmem:v49+s22+$0x0] =	vst.idx.msk $0xffff, v48  }
0x274: {  	v49 =	vadd.s32 v7, v47;
	v48 =	vld [tilespmem:s19+$0xFFFFFE70];
	[tilespmem:v40+s22+$0x0] =	vst.idx.msk $0xffff, v39  }
0x275: {  	[tilespmem:v46+s22+$0x0] =	vst.idx.msk $0xffff, v42;
	v39 =	vld [tilespmem:s19+$0x0];
	v46 =	vadd.s32 v32, v41  }
0x276: {  	v56 =	vadd.s32 v11, v53;
	v55 =	vld [tilespmem:s19+$0xFFFFFEB0];
	[tilespmem:v44+s22+$0x0] =	vst.idx.msk $0xffff, v43  }
0x277: {  	v58 =	vadd.s32 v15, v35;
	v57 =	vld [tilespmem:s19+$0xFFFFFEF0];
	[tilespmem:v45+s22+$0x0] =	vst.idx.msk $0xffff, v38  }
0x278: {  	v60 =	vadd.s32 v19, v34;
	[tilespmem:v51+s22+$0x0] =	vst.idx.msk $0xffff, v50;
	v59 =	vld [tilespmem:s19+$0xFFFFFF30]  }
.Ltmp10:
0x279: {  	s8 =	sadd.s32 $0x1, s21;
	v41 =	vadd.s32 v23, v37;
	v38 =	vmov s21;
	[tilespmem:v49+s22+$0x0] =	vst.idx.msk $0xffff, v48;
	v40 =	vld [tilespmem:s19+$0xFFFFFF70];
	(pc) =	sbr.rel @p1 .LBB2_18-.Ltmp10, $4  }
0x27a: {  	s9 =	sadd.s32 $0x3, s21;
	v52 =	vmov s8;
	s8 =	sadd.s32 $0x2, s21;
	v43 =	vadd.s32 v27, v36;
	v50 =	vshrl.u32 v38, $0x3;
	v42 =	vld [tilespmem:s19+$0xFFFFFFB0];
	[tilespmem:v46+s22+$0x0] =	vst.idx.msk $0xffff, v39  }
0x27b: {  	v54 =	vmov s8;
	s8 =	sadd.s32 $0x4, s21;
	v44 =	vmov s9;
	s9 =	sadd.s32 $0x5, s21;
	v48 =	vadd.s32 v3, v33;
	v45 =	vld [tilespmem:s19+$0xFFFFFE30];
	[tilespmem:v56+s22+$0x0] =	vst.idx.msk $0xffff, v55  }
0x27c: {  	v38 =	vmov s9;
	v51 =	vadd.s32 v8, v47;
	v46 =	vmov s8;
	s8 =	sadd.s32 $0x6, s21;
	v49 =	vld [tilespmem:s19+$0xFFFFFE80];
	[tilespmem:v58+s22+$0x0] =	vst.idx.msk $0xffff, v57  }
0x27d: {  	s17 =	sadd.s32 $0x7, s21;
	v53 =	vadd.s32 v12, v53;
	v47 =	vshll.u32 v50, v1;
	s21 =	sadd.s32 $0x8, s21;
	v39 =	vmov s8;
	v50 =	vld [tilespmem:s19+$0xFFFFFEC0];
	[tilespmem:v60+s22+$0x0] =	vst.idx.msk $0xffff, v59  }
0x27e: {  	_ =	sdelay $0x2  }
0x27f: {  	v52 =	vshrl.u32 v52, $0x3  }
0x280: {  	v55 =	vmov s17;
	v56 =	vld [tilespmem:s19+$0xFFFFFF00];
	v35 =	vadd.s32 v16, v35;
	[tilespmem:v41+s22+$0x0] =	vst.idx.msk $0xffff, v40;
	v57 =	vshrl.u32 v54, $0x3  }
0x281: {  	v59 =	vld [tilespmem:s19+$0xFFFFFF40];
	v34 =	vadd.s32 v20, v34;
	v60 =	vshrl.u32 v44, $0x3;
	v58 =	vshrl.u32 v55, $0x3;
	[tilespmem:v43+s22+$0x0] =	vst.idx.msk $0xffff, v42  }
0x282: {  	v37 =	vadd.s32 v24, v37;
	v62 =	vshrl.u32 v46, $0x3;
	v61 =	vld [tilespmem:s19+$0xFFFFFF80];
	v41 =	vshll.u32 v58, v1;
	[tilespmem:v48+s22+$0x0] =	vst.idx.msk $0xffff, v45  }
0x283: {  	v36 =	vadd.s32 v28, v36;
	v46 =	vbroadcast v47, $0x0;
	v63 =	vld [tilespmem:s19+$0xFFFFFFC0];
	v41 =	vbroadcast v41, $0x0;
	[tilespmem:v51+s22+$0x0] =	vst.idx.msk $0xffff, v49  }
0x284: {  	v33 =	vadd.s32 v4, v33;
	s9 =	sadd.s32 $0x200, s19;
	v38 =	vshrl.u32 v38, $0x3;
	v55 =	vshll.u32 v52, v1;
	v48 =	vld [tilespmem:s19+$0xFFFFFE40];
	[tilespmem:v53+s22+$0x0] =	vst.idx.msk $0xffff, v50  }
0x285: {  	v40 =	vshll.u32 v57, v1;
	v47 =	vbroadcast v55, $0x0;
	v49 =	vld [tilespmem:s9+$0xFFFFFFD0];
	v50 =	vadd.s32 v29, v41;
	[tilespmem:v35+s22+$0x0] =	vst.idx.msk $0xffff, v56  }
0x286: {  	v42 =	vshll.u32 v60, v1;
	v40 =	vbroadcast v40, $0x0;
	v35 =	vld [tilespmem:s9+$0xFFFFFE10];
	v56 =	vadd.s32 v0, v46;
	[tilespmem:v34+s22+$0x0] =	vst.idx.msk $0xffff, v59  }
0x287: {  	v57 =	vld [tilespmem:s9+$0xFFFFFE50];
	v44 =	vshll.u32 v62, v1;
	v42 =	vbroadcast v42, $0x0;
	v58 =	vadd.s32 v5, v47;
	[tilespmem:v37+s22+$0x0] =	vst.idx.msk $0xffff, v61  }
0x288: {  	v38 =	vshll.u32 v38, v1;
	v44 =	vbroadcast v44, $0x0;
	v60 =	vadd.s32 v9, v40;
	v59 =	vld [tilespmem:s9+$0xFFFFFE90];
	[tilespmem:v36+s22+$0x0] =	vst.idx.msk $0xffff, v63  }
0x289: {  	v38 =	vbroadcast v38, $0x0;
	v62 =	vadd.s32 v13, v42;
	v61 =	vld [tilespmem:s9+$0xFFFFFED0];
	[tilespmem:v33+s22+$0x0] =	vst.idx.msk $0xffff, v48  }
0x28a: {  	v39 =	vshrl.u32 v39, $0x3;
	v63 =	vadd.s32 v17, v44;
	v33 =	vld [tilespmem:s9+$0xFFFFFF10];
	[tilespmem:v50+s22+$0x0] =	vst.idx.msk $0xffff, v49  }
0x28b: {  	v39 =	vshll.u32 v39, v1;
	v34 =	vld [tilespmem:s9+$0xFFFFFF50];
	[tilespmem:v56+s22+$0x0] =	vst.idx.msk $0xffff, v35;
	v56 =	vadd.s32 v21, v38  }
0x28c: {  	[tilespmem:v58+s22+$0x0] =	vst.idx.msk $0xffff, v57;
	v35 =	vbroadcast v39, $0x0;
	v49 =	vadd.s32 v30, v41;
	v39 =	vld [tilespmem:s9+$0xFFFFFFE0]  }
0x28d: {  	[tilespmem:v60+s22+$0x0] =	vst.idx.msk $0xffff, v59;
	v59 =	vld [tilespmem:s9+$0xFFFFFE60];
	v60 =	vadd.s32 v6, v47  }
0x28e: {  	v57 =	vld [tilespmem:s9+$0xFFFFFF90];
	[tilespmem:v62+s22+$0x0] =	vst.idx.msk $0xffff, v61;
	v58 =	vadd.s32 v25, v35  }
0x28f: {  	v61 =	vld [tilespmem:s9+$0xFFFFFEA0];
	v62 =	vadd.s32 v10, v40;
	[tilespmem:v63+s22+$0x0] =	vst.idx.msk $0xffff, v33  }
0x290: {  	v33 =	vld [tilespmem:s9+$0xFFFFFEE0];
	v63 =	vadd.s32 v14, v42;
	[tilespmem:v56+s22+$0x0] =	vst.idx.msk $0xffff, v34  }
0x291: {  	v56 =	vadd.s32 v18, v44;
	[tilespmem:v49+s22+$0x0] =	vst.idx.msk $0xffff, v39;
	v49 =	vld [tilespmem:s9+$0xFFFFFF20]  }
0x292: {  	[tilespmem:v60+s22+$0x0] =	vst.idx.msk $0xffff, v59;
	v39 =	vadd.s32 v31, v41;
	v34 =	vld [tilespmem:s9+$0xFFFFFFF0]  }
0x293: {  	[tilespmem:v58+s22+$0x0] =	vst.idx.msk $0xffff, v57;
	v57 =	vld [tilespmem:s9+$0xFFFFFF60];
	v58 =	vadd.s32 v22, v38  }
0x294: {  	[tilespmem:v62+s22+$0x0] =	vst.idx.msk $0xffff, v61;
	v61 =	vld [tilespmem:s9+$0xFFFFFE20];
	v62 =	vadd.s32 v2, v46  }
0x295: {  	v60 =	vadd.s32 v26, v35;
	v59 =	vld [tilespmem:s9+$0xFFFFFFA0];
	[tilespmem:v63+s22+$0x0] =	vst.idx.msk $0xffff, v33  }
0x296: {  	v55 =	vadd.s32 v11, v40;
	v54 =	vadd.s32 v32, v41;
	v41 =	vld [tilespmem:s9+$0xFFFFFEB0];
	[tilespmem:v56+s22+$0x0] =	vst.idx.msk $0xffff, v49  }
0x297: {  	v53 =	vadd.s32 v7, v47;
	v63 =	vld [tilespmem:s9+$0xFFFFFE70];
	[tilespmem:v39+s22+$0x0] =	vst.idx.msk $0xffff, v34  }
0x298: {  	v56 =	vld [tilespmem:s9+$0xFFFFFEF0];
	[tilespmem:v58+s22+$0x0] =	vst.idx.msk $0xffff, v57;
	v57 =	vadd.s32 v15, v42  }
0x299: {  	[tilespmem:v62+s22+$0x0] =	vst.idx.msk $0xffff, v61;
	v34 =	vld [tilespmem:s9+$0x0]  }
0x29a: {  	v58 =	vld [tilespmem:s9+$0xFFFFFF30];
	[tilespmem:v60+s22+$0x0] =	vst.idx.msk $0xffff, v59;
	v59 =	vadd.s32 v19, v44  }
0x29b: {  	v61 =	vadd.s32 v23, v38;
	[tilespmem:v55+s22+$0x0] =	vst.idx.msk $0xffff, v41;
	v60 =	vld [tilespmem:s9+$0xFFFFFF70]  }
0x29c: {  	[tilespmem:v53+s22+$0x0] =	vst.idx.msk $0xffff, v63;
	v63 =	vadd.s32 v27, v35;
	v62 =	vld [tilespmem:s9+$0xFFFFFFB0]  }
0x29d: {  	v47 =	vadd.s32 v8, v47;
	v55 =	vld [tilespmem:s9+$0xFFFFFE80];
	[tilespmem:v57+s22+$0x0] =	vst.idx.msk $0xffff, v56  }
0x29e: {  	v53 =	vld [tilespmem:s9+$0xFFFFFE30];
	[tilespmem:v54+s22+$0x0] =	vst.idx.msk $0xffff, v34;
	v54 =	vadd.s32 v3, v46  }
0x29f: {  	v40 =	vadd.s32 v12, v40;
	v56 =	vld [tilespmem:s9+$0xFFFFFEC0];
	[tilespmem:v59+s22+$0x0] =	vst.idx.msk $0xffff, v58  }
0x2a0: {  	v42 =	vadd.s32 v16, v42;
	v57 =	vld [tilespmem:s9+$0xFFFFFF00];
	[tilespmem:v61+s22+$0x0] =	vst.idx.msk $0xffff, v60  }
0x2a1: {  	v59 =	vadd.s32 v20, v44;
	v58 =	vld [tilespmem:s9+$0xFFFFFF40];
	[tilespmem:v63+s22+$0x0] =	vst.idx.msk $0xffff, v62  }
0x2a2: {  	v38 =	vadd.s32 v24, v38;
	v60 =	vld [tilespmem:s9+$0xFFFFFF80];
	[tilespmem:v47+s22+$0x0] =	vst.idx.msk $0xffff, v55  }
0x2a3: {  	v35 =	vadd.s32 v28, v35;
	v61 =	vld [tilespmem:s9+$0xFFFFFFC0];
	[tilespmem:v54+s22+$0x0] =	vst.idx.msk $0xffff, v53  }
0x2a4: {  	v63 =	vadd.s32 v4, v46;
	[tilespmem:v40+s22+$0x0] =	vst.idx.msk $0xffff, v56;
	v62 =	vld [tilespmem:s9+$0xFFFFFE40]  }
0x2a5: {  	s7 =	sadd.s32 s6, s7;
	[tilespmem:v42+s22+$0x0] =	vst.idx.msk $0xffff, v57  }
0x2a6: {  	s8 =	sshll.u32 s7, $0x7;
	[tilespmem:v59+s22+$0x0] =	vst.idx.msk $0xffff, v58  }
0x2a7: {  	s7 =	sshll.u32 s7, $0xA;
	s8 =	sand.u32 $0xF80, s8;
	[tilespmem:v38+s22+$0x0] =	vst.idx.msk $0xffff, v60  }
0x2a8: {  	s7 =	sand.u32 $0xFFF8000, s7;
	s8 =	sadd.s32 s2, s8;
	[tilespmem:v35+s22+$0x0] =	vst.idx.msk $0xffff, v61  }
0x2a9: {  	s17 =	simm.s32 $0xE800;
	s9 =	sadd.s32 s7, s8;
	[tilespmem:v63+s22+$0x0] =	vst.idx.msk $0xffff, v62  }
0x2aa: {  	[hbm4b:s9+s3] =	stream.linear.scatter [tilespmem:s17], [sflag:$0xC], $0x80, $0x38;
	[tilespmem:$0x10A00] =	vst v63  }
0x2ab: {  	s19 =	simm.s32 $0xE888;
	s8 =	sadd.s32 $0x10, s9  }
0x2ac: {  	[hbm4b:s8+s3] =	stream.linear.scatter [tilespmem:s19], [sflag:$0xC], $0x80, $0x38;
	[tilespmem:$0x10A00] =	vst v63  }
0x2ad: {  	s21 =	simm.s32 $0xE910;
	s23 =	sadd.s32 $0x20, s9  }
0x2ae: {  	[hbm4b:s23+s3] =	stream.linear.scatter [tilespmem:s21], [sflag:$0xC], $0x80, $0x38;
	[tilespmem:$0x10A00] =	vst v63  }
0x2af: {  	s17 =	simm.s32 $0xE998;
	s19 =	sadd.s32 $0x30, s9  }
0x2b0: {  	[hbm4b:s19+s3] =	stream.linear.scatter [tilespmem:s17], [sflag:$0xC], $0x80, $0x38;
	[tilespmem:$0x10A00] =	vst v63  }
0x2b1: {  	s21 =	simm.s32 $0xEA20;
	s23 =	sadd.s32 $0x40, s9  }
0x2b2: {  	[hbm4b:s23+s3] =	stream.linear.scatter [tilespmem:s21], [sflag:$0xC], $0x80, $0x38;
	[tilespmem:$0x10A00] =	vst v63  }
0x2b3: {  	s7 =	simm.s32 $0x440;
	s17 =	simm.s32 $0xEAA8;
	s19 =	sadd.s32 $0x50, s9  }
0x2b4: {  	[hbm4b:s19+s3] =	stream.linear.scatter [tilespmem:s17], [sflag:$0xC], $0x80, $0x38;
	[tilespmem:$0x10A00] =	vst v63  }
0x2b5: {  	s8 =	sadd.s32 $0x70, s9;
	s21 =	simm.s32 $0xEB30;
	s23 =	sadd.s32 $0x60, s9  }
0x2b6: {  	[hbm4b:s23+s3] =	stream.linear.scatter [tilespmem:s21], [sflag:$0xC], $0x80, $0x38;
	[tilespmem:$0x10A00] =	vst v63  }
0x2b7: {  	s17 =	simm.s32 $0xEBB8;
	s19 =	sadd.s32 $0x1000, s9;
	s21 =	simm.s32 $0x2200  }
.LBB2_20:
0x2b8: {  	[hbm4b:s8+s3] =	stream.linear.scatter [tilespmem:s17], [sflag:$0xC], $0x80, $0x38;
	[tilespmem:$0x10A00] =	vst v63  }
0x2b9: {  	s8 =	smov.u32 s7;
	s7 =	smov.u32 s21  }
0x2ba: {  	s9 =	sadd.s32 $0x1100, s21;
	s7 =	sshra.s32 s7, $0x2;
	s17 =	sadd.s32 $0xE800, s8  }
0x2bb: {  	[hbm4b:s19+s3] =	stream.linear.scatter [tilespmem:s17], [sflag:$0xC], $0x80, $0x38;
	[tilespmem:$0x10A00] =	vst v63  }
0x2bc: {  	p1 =	sne.s32 s21, $0x7700;
	s21 =	sadd.s32 $0x10, s19;
	s17 =	sadd.s32 $0xE888, s8  }
0x2bd: {  	[hbm4b:s21+s3] =	stream.linear.scatter [tilespmem:s17], [sflag:$0xC], $0x80, $0x38;
	[tilespmem:$0x10A00] =	vst v63  }
0x2be: {  	s17 =	sadd.s32 $0xE910, s8;
	s21 =	sadd.s32 $0x20, s19  }
0x2bf: {  	[hbm4b:s21+s3] =	stream.linear.scatter [tilespmem:s17], [sflag:$0xC], $0x80, $0x38;
	[tilespmem:$0x10A00] =	vst v63  }
0x2c0: {  	s17 =	sadd.s32 $0xE998, s8;
	s21 =	sadd.s32 $0x30, s19  }
0x2c1: {  	[hbm4b:s21+s3] =	stream.linear.scatter [tilespmem:s17], [sflag:$0xC], $0x80, $0x38;
	[tilespmem:$0x10A00] =	vst v63  }
0x2c2: {  	s17 =	sadd.s32 $0xEA20, s8;
	s21 =	sadd.s32 $0x40, s19  }
0x2c3: {  	[hbm4b:s21+s3] =	stream.linear.scatter [tilespmem:s17], [sflag:$0xC], $0x80, $0x38;
	[tilespmem:$0x10A00] =	vst v63  }
0x2c4: {  	s17 =	sadd.s32 $0xEAA8, s8;
	s21 =	sadd.s32 $0x50, s19  }
0x2c5: {  	[hbm4b:s21+s3] =	stream.linear.scatter [tilespmem:s17], [sflag:$0xC], $0x80, $0x38;
	[tilespmem:$0x10A00] =	vst v63  }
.Ltmp11:
0x2c6: {  	_ = 	snop;
	(pc) =	sbr.rel @p1 .LBB2_20-.Ltmp11, $4  }
0x2c7: {  	s17 =	sadd.s32 $0xEB30, s8;
	s21 =	sadd.s32 $0x60, s19  }
0x2c8: {  	[hbm4b:s21+s3] =	stream.linear.scatter [tilespmem:s17], [sflag:$0xC], $0x80, $0x38;
	[tilespmem:$0x10A00] =	vst v63  }
0x2c9: {  	s17 =	sadd.s32 $0xEBB8, s8  }
0x2ca: {  	s8 =	sadd.s32 $0x70, s19;
	s19 =	sadd.s32 $0x1000, s19;
	s21 =	smov.u32 s9  }
0x2cb: {  	[hbm4b:s8+s3] =	stream.linear.scatter [tilespmem:s17], [sflag:$0xC], $0x80, $0x38;
	[tilespmem:$0x10A00] =	vst v63  }
0x2cc: {  	s21 =	sadd.s32 $0xE800, s7  }
0x2cd: {  	[hbm4b:s19+s3] =	stream.linear.scatter [tilespmem:s21], [sflag:$0xC], $0x80, $0x38;
	[tilespmem:$0x10A00] =	vst v63  }
0x2ce: {  	s23 =	sadd.s32 $0xE888, s7;
	s9 =	sadd.s32 $0x10, s19  }
0x2cf: {  	[hbm4b:s9+s3] =	stream.linear.scatter [tilespmem:s23], [sflag:$0xC], $0x80, $0x38;
	[tilespmem:$0x10A00] =	vst v63  }
0x2d0: {  	s17 =	sadd.s32 $0x20, s19;
	s9 =	sadd.s32 $0xE910, s7  }
0x2d1: {  	[hbm4b:s17+s3] =	stream.linear.scatter [tilespmem:s9], [sflag:$0xC], $0x80, $0x38;
	[tilespmem:$0x10A00] =	vst v63  }
0x2d2: {  	s21 =	sadd.s32 $0xE998, s7;
	s23 =	sadd.s32 $0x30, s19  }
0x2d3: {  	[hbm4b:s23+s3] =	stream.linear.scatter [tilespmem:s21], [sflag:$0xC], $0x80, $0x38;
	[tilespmem:$0x10A00] =	vst v63  }
0x2d4: {  	s9 =	sadd.s32 $0xEA20, s7;
	s17 =	sadd.s32 $0x40, s19  }
0x2d5: {  	[hbm4b:s17+s3] =	stream.linear.scatter [tilespmem:s9], [sflag:$0xC], $0x80, $0x38;
	[tilespmem:$0x10A00] =	vst v63  }
0x2d6: {  	s21 =	sadd.s32 $0xEAA8, s7;
	s23 =	sadd.s32 $0x50, s19  }
0x2d7: {  	[hbm4b:s23+s3] =	stream.linear.scatter [tilespmem:s21], [sflag:$0xC], $0x80, $0x38;
	[tilespmem:$0x10A00] =	vst v63  }
.Ltmp12:
0x2d8: {  	_ = 	snop;
	(pc) =	sbr.rel @p0 .LBB2_23-.Ltmp12, $4  }
0x2d9: {  	s9 =	sadd.s32 $0xEB30, s7;
	s17 =	sadd.s32 $0x60, s19  }
0x2da: {  	[hbm4b:s17+s3] =	stream.linear.scatter [tilespmem:s9], [sflag:$0xC], $0x80, $0x38;
	[tilespmem:$0x10A00] =	vst v63  }
0x2db: {  	s21 =	sadd.s32 $0xEBB8, s7;
	s23 =	sadd.s32 $0x70, s19  }
0x2dc: {  	[hbm4b:s23+s3] =	stream.linear.scatter [tilespmem:s21], [sflag:$0xC], $0x80, $0x38;
	[tilespmem:$0x10A00] =	vst v63  }
.Ltmp13:
0x2dd: {  	(pc) =	sbr.rel .LBB2_2-.Ltmp13, $4  }
0x2de: {  	_ =	swait.ge [sflag:s25], $0x80  }
0x2df: {  	[sflag:s25] =	ssyncset.done $0x0  }
0x2e0: {  	s15 =	sadd.s32 $0x1, s15;
	[sflag:s25] =	ssyncadd.s32 $0xFFFFFF80  }
0x2e1: {  	[tilespmem:s26], [sflag:$0x8] =	stream.indirect.gather [hbm4b:s4+s16], $0x40, s18, s16, $0xb8;
	[tilespmem:$0x10A00] =	vst v63  }
.LBB2_24:
0x2e2: {  	_ =	sfence.sel $0x180000  }
0x2e3: {  	[bflag:$0x0] =	sbarrier.arrive $0xFFFF  }
0x2e4: {  	_ =	strace $0x90000047  }
0x2e5: {  	s0 =	stileid.u32;
	[bflag:$0x2] =	sbarrier.arrive $0xFFFF  }
0x2e6: {  	p0 =	sne.s32 s0, $0x0;
	s0 =	rddreg [dreg:$0x2]  }
0x2e7: {  	s0 =	sadd.s32 @!p0 $0x100000, s0  }
0x2e8: {  	[sflag:s0] =	ssyncadd.tile.s32 @!p0 $0x1;
	_ =	shalt  }
.Lfunc_end2:
_tile_overlayer_lowered:
.L_overlay_start_2:
0x2e9: {  	(tag) =	ssettag $0x2  }
0x2ea: {  	s0 =	rddreg [dreg:$0x0];
	s2 =	stileid.u32  }
0x2eb: {  	s1 =	rddreg [dreg:$0x1];
	p0 =	sne.s32 s2, $0x0  }
0x2ec: {  	s3 =	rddreg [dreg:$0x2];
	[bflag:$0x3] =	sbarrier.arrive $0xFFFF;
	s2 =	simm.s32 @!p0 $0x1C0D  }
0x2ed: {  	[timem:s3], [sflag:s2] =	dma.local @!p0 [hbm:s0], s1  }
0x2ee: {  	s0 =	simm.s32 @!p0 $0xD  }
0x2ef: {  	_ =	swait.ge @!p0 [sflag:s0], s1  }
0x2f0: {  	s1 =	ssub.s32 @!p0 $0x0, s1;
	[sflag:s0] =	ssyncset.done @!p0 $0x0  }
0x2f1: {  	[sflag:s0] =	ssyncadd.s32 @!p0 s1  }
0x2f2: {  	[bflag:$0x3] =	sbarrier.arrive $0xFFFF  }
0x2f3: {  	_ =	shalt  }

</sc_bundles>
